<compile_context>
chip_gen: v7x
topology: tpu7x:2x2x1
jax: 0.10.2.dev20260603
libtpu: 0.0.44.dev20260713+nightly
codegen_flags: <defaults>
</compile_context>

<pallas_src>
import functools

import jax
import jax.numpy as jnp
from jax import lax

_PH = lax.Precision.HIGHEST
from jax.experimental import pallas as pl
from jax.experimental.pallas import tpu as pltpu
from jax.experimental.pallas import tpu_sc as plsc

N = 8192
K = 20
G = 8
R = 128
NB = N // R

_f32 = jnp.float32
_i32 = jnp.int32


def _knn_body(xb_ref, xf_ref, xt_ref, bc_ref, br_ref, wq_ref, bq_ref, wd_ref,
              idx_ref, a_ref, b_ref):
    D = xf_ref.shape[1]
    xb = xb_ref[...]
    xf = xf_ref[...]
    a_ref[...] = jnp.dot(xb, wq_ref[...], preferred_element_type=_f32, precision=_PH) + bq_ref[...]
    b_ref[...] = jnp.dot(xb, wd_ref[...], preferred_element_type=_f32, precision=_PH)

    sqr = xt_ref[0:1, :] * xt_ref[0:1, :]
    for c in range(1, D):
        t = xt_ref[c:c + 1, :]
        sqr = sqr + t * t
    sqb = jnp.sum(xb * xb, axis=1, keepdims=True)
    xx = lax.dot_general(xb, xf, (((1,), (1,)), ((), ())),
                         preferred_element_type=_f32)
    d = sqb + sqr - 2.0 * xx
    d = jnp.where(bc_ref[...] != br_ref[...], jnp.inf, d)
    colid = lax.broadcasted_iota(_i32, (R, N), 1)
    cols = []
    for _ in range(K):
        m = jnp.min(d, axis=1, keepdims=True)
        cand = jnp.where(d == m, colid, N)
        a = jnp.min(cand, axis=1, keepdims=True)
        cols.append(a)
        d = jnp.where(colid == a, jnp.inf, d)
    idx_ref[...] = jnp.concatenate(cols, axis=1)


def _knn_feats(x, bcol, brow, Wq, bq, Wd):
    D = x.shape[1]
    C = Wd.shape[1]
    return pl.pallas_call(
        _knn_body,
        grid=(NB,),
        in_specs=[
            pl.BlockSpec((R, D), lambda i: (i, 0)),
            pl.BlockSpec((N, D), lambda i: (0, 0)),
            pl.BlockSpec((D, N), lambda i: (0, 0)),
            pl.BlockSpec((R, 1), lambda i: (i, 0)),
            pl.BlockSpec((1, N), lambda i: (0, 0)),
            pl.BlockSpec((D, C), lambda i: (0, 0)),
            pl.BlockSpec((1, C), lambda i: (0, 0)),
            pl.BlockSpec((D, C), lambda i: (0, 0)),
        ],
        out_specs=[
            pl.BlockSpec((R, K), lambda i: (i, 0)),
            pl.BlockSpec((R, C), lambda i: (i, 0)),
            pl.BlockSpec((R, C), lambda i: (i, 0)),
        ],
        out_shape=[
            jax.ShapeDtypeStruct((N, K), _i32),
            jax.ShapeDtypeStruct((N, C), _f32),
            jax.ShapeDtypeStruct((N, C), _f32),
        ],
    )(x, x, x.T, bcol, brow, Wq, bq, Wd)


def _sc_gather(table, idx_flat):
    D = table.shape[1]
    B = idx_flat.shape[0]
    NC, NS = 2, 16
    NW = NC * NS
    CH = 128
    b_per_w = B // NW
    n_ch = b_per_w // CH
    mesh = plsc.VectorSubcoreMesh(core_axis_name="c", subcore_axis_name="s")

    @functools.partial(
        pl.kernel, mesh=mesh,
        out_type=jax.ShapeDtypeStruct((B, D), _f32),
        scratch_types=[
            pltpu.VMEM((CH,), _i32),
            pltpu.VMEM((CH, D), _f32),
            pltpu.SemaphoreType.DMA,
        ],
    )
    def gk(table_hbm, idx_hbm, out_hbm, idx_v, rows_v, sem):
        wid = lax.axis_index("s") * NC + lax.axis_index("c")
        base = wid * b_per_w

        def body(i, carry):
            off = base + i * CH
            pltpu.sync_copy(idx_hbm.at[pl.ds(off, CH)], idx_v)
            pltpu.async_copy(table_hbm.at[idx_v], rows_v, sem).wait()
            pltpu.sync_copy(rows_v, out_hbm.at[pl.ds(off, CH)])
            return carry

        lax.fori_loop(0, n_ch, body, 0)

    return gk(table, idx_flat)


def _stats_body(a_ref, bg_ref, s_ref):
    A = a_ref[...]
    s = jnp.zeros((1, 128), _f32)
    ss = jnp.zeros((1, 128), _f32)
    for k in range(K):
        h = A + bg_ref[k]
        s = s + jnp.sum(h, axis=0, keepdims=True)
        ss = ss + jnp.sum(h * h, axis=0, keepdims=True)
    contrib = jnp.concatenate([s, ss, jnp.zeros((6, 128), _f32)], axis=0)

    @pl.when(pl.program_id(0) == 0)
    def _():
        s_ref[...] = jnp.zeros((8, 128), _f32)

    s_ref[...] += contrib


def _conv1_stats(A1, Bg):
    return pl.pallas_call(
        _stats_body,
        grid=(NB,),
        in_specs=[
            pl.BlockSpec((R, 128), lambda i: (i, 0)),
            pl.BlockSpec((K, R, 128), lambda i: (0, i, 0)),
        ],
        out_specs=pl.BlockSpec((8, 128), lambda i: (0, 0)),
        out_shape=jax.ShapeDtypeStruct((8, 128), _f32),
    )(A1, Bg)


def _c1fin_body(a_ref, bg_ref, s_ref, g_ref, be_ref, w_ref, b1b_ref, x1_ref):
    cnt = float(N * K)
    s = s_ref[0:1, :]
    ss = s_ref[1:2, :]
    mu = s / cnt
    var = ss / cnt - mu * mu
    alpha = g_ref[...] / jnp.sqrt(var + 1e-5)
    delta = be_ref[...] - mu * alpha
    w = w_ref[...]
    A = a_ref[...]
    m = None
    for k in range(K):
        h = jnp.maximum(alpha * (A + bg_ref[k]) + delta, 0.0)
        t = jnp.dot(h, w, preferred_element_type=_f32, precision=_PH)
        m = t if m is None else jnp.maximum(m, t)
    x1_ref[...] = m + b1b_ref[...]


def _conv1_fin(A1, Bg, sums, gamma, beta, W1b, b1b):
    return pl.pallas_call(
        _c1fin_body,
        grid=(NB,),
        in_specs=[
            pl.BlockSpec((R, 128), lambda i: (i, 0)),
            pl.BlockSpec((K, R, 128), lambda i: (0, i, 0)),
            pl.BlockSpec((8, 128), lambda i: (0, 0)),
            pl.BlockSpec((1, 128), lambda i: (0, 0)),
            pl.BlockSpec((1, 128), lambda i: (0, 0)),
            pl.BlockSpec((128, 64), lambda i: (0, 0)),
            pl.BlockSpec((1, 64), lambda i: (0, 0)),
        ],
        out_specs=pl.BlockSpec((R, 64), lambda i: (i, 0)),
        out_shape=jax.ShapeDtypeStruct((N, 64), _f32),
    )(A1, Bg, sums, gamma, beta, W1b, b1b)


def _bfin_body(q2_ref, rg_ref, x1_ref, wa_ref, wb_ref, bl_ref, bc_ref, h_ref):
    m = rg_ref[0]
    for k in range(1, K):
        m = jnp.maximum(m, rg_ref[k])
    x2 = q2_ref[...] + m
    hp = (jnp.dot(x1_ref[...], wa_ref[...], preferred_element_type=_f32, precision=_PH)
          + jnp.dot(x2, wb_ref[...], preferred_element_type=_f32, precision=_PH)
          + bl_ref[...])
    b = bc_ref[...]
    rows = []
    for g in range(G):
        vg = jnp.where(b == g, hp, -jnp.inf)
        rows.append(jnp.max(vg, axis=0, keepdims=True))
    contrib = jnp.concatenate(rows, axis=0)

    @pl.when(pl.program_id(0) == 0)
    def _():
        h_ref[...] = jnp.full((G, 128), -jnp.inf, _f32)

    h_ref[...] = jnp.maximum(h_ref[...], contrib)


def _branch_fin(q2, Rg, x1, Wlin_a, Wlin_b, blin, bcol):
    return pl.pallas_call(
        _bfin_body,
        grid=(NB,),
        in_specs=[
            pl.BlockSpec((R, 128), lambda i: (i, 0)),
            pl.BlockSpec((K, R, 128), lambda i: (0, i, 0)),
            pl.BlockSpec((R, 64), lambda i: (i, 0)),
            pl.BlockSpec((64, 128), lambda i: (0, 0)),
            pl.BlockSpec((128, 128), lambda i: (0, 0)),
            pl.BlockSpec((1, 128), lambda i: (0, 0)),
            pl.BlockSpec((R, 1), lambda i: (i, 0)),
        ],
        out_specs=pl.BlockSpec((G, 128), lambda i: (0, 0)),
        out_shape=jax.ShapeDtypeStruct((G, 128), _f32),
    )(q2, Rg, x1, Wlin_a, Wlin_b, blin, bcol)


def _mlp_body(h_ref, w1_ref, b1_ref, w2_ref, b2_ref, o_ref):
    t = jnp.maximum(jnp.dot(h_ref[...], w1_ref[...],
                            preferred_element_type=_f32, precision=_PH) + b1_ref[...], 0.0)
    o_ref[...] = jnp.dot(t, w2_ref[...],
                         preferred_element_type=_f32, precision=_PH) + b2_ref[...]


def _mlp(hh, Wm1, bm1, Wm2, bm2):
    return pl.pallas_call(
        _mlp_body,
        out_shape=jax.ShapeDtypeStruct((2 * G, 32), _f32),
    )(hh, Wm1, bm1, Wm2, bm2)


def kernel(pos_1, pos_2, batch, W1a, b1a, gamma1, beta1, W1b, b1b, W2, b2,
           Wlin, blin, Wm1, bm1, Wm2, bm2):
    batch = batch.astype(_i32)
    bcol = batch.reshape(N, 1)
    brow = batch.reshape(1, N)
    pad64 = lambda a: jnp.pad(a, ((0, 0), (0, 64)))
    W1ad = pad64(W1a[3:])
    W1aq = pad64(W1a[:3] - W1a[3:])
    b1a_p = jnp.pad(b1a, (0, 64)).reshape(1, -1)
    gamma_p = jnp.pad(gamma1, (0, 64)).reshape(1, -1)
    beta_p = jnp.pad(beta1, (0, 64)).reshape(1, -1)
    W1b_p = jnp.pad(W1b, ((0, 64), (0, 0)))
    W2d = W2[64:]
    W2q = W2[:64] - W2d
    Wlin_a = Wlin[:64]
    Wlin_b = Wlin[64:]

    def branch(p):
        idx1, A1, B1 = _knn_feats(p, bcol, brow, W1aq, b1a_p, W1ad)
        Bg = _sc_gather(B1, idx1.T.reshape(-1)).reshape(K, N, 128)
        sums = _conv1_stats(A1, Bg)
        x1 = _conv1_fin(A1, Bg, sums, gamma_p, beta_p, W1b_p,
                        b1b.reshape(1, -1))
        idx2, q2, R2 = _knn_feats(x1, bcol, brow, W2q, b2.reshape(1, -1), W2d)
        Rg = _sc_gather(R2, idx2.T.reshape(-1)).reshape(K, N, 128)
        return _branch_fin(q2, Rg, x1, Wlin_a, Wlin_b,
                           blin.reshape(1, -1), bcol)

    h1 = branch(pos_1)
    h2 = branch(pos_2)
    mm = _mlp(jnp.concatenate([h1, h2], axis=0), Wm1, bm1.reshape(1, -1),
              Wm2, bm2.reshape(1, -1))
    return h1, h2, mm[:G], mm[G:]

# --- scband reference (transcript-rebuilt; emitter-appended) ---
"""Pipeline reference for scband-cl-model-65257733095574 (READ-ONLY COPY).

The authoritative reference and input builder live on the scoring server;
editing this copy changes nothing except your own understanding.
"""

import jax, jax.numpy as jnp
import numpy as np

N = 8192
G = 8
K = 20

def _augment(pos, key, flip):
    k1, k2 = jax.random.split(key)
    pos = pos + jax.random.uniform(k1, pos.shape, minval=-0.01, maxval=0.01, dtype=jnp.float32)
    if flip:
        pos = pos * jnp.array([1.0, -1.0, 1.0], dtype=jnp.float32)
    s = jax.random.uniform(k2, (3, 3), minval=-0.3, maxval=0.3, dtype=jnp.float32)
    S = jnp.eye(3, dtype=jnp.float32) + s * (1.0 - jnp.eye(3, dtype=jnp.float32))
    return pos @ S

def _linear(key, fan_in, fan_out):
    k1, k2 = jax.random.split(key)
    bound = 1.0 / np.sqrt(fan_in)
    W = jax.random.uniform(k1, (fan_in, fan_out), minval=-bound, maxval=bound, dtype=jnp.float32)
    b = jax.random.uniform(k2, (fan_out,), minval=-bound, maxval=bound, dtype=jnp.float32)
    return W, b

def setup_inputs(seed: int = 0):
    key = jax.random.key(seed)
    ks = jax.random.split(key, 12)
    pos = jax.random.normal(ks[0], (N, 3), dtype=jnp.float32)
    batch = jnp.sort(jax.random.randint(ks[1], (N,), 0, G)).astype(jnp.int32)
    pos_1 = _augment(pos, ks[2], True)
    pos_2 = _augment(pos, ks[3], False)
    W1a, b1a = _linear(ks[4], 6, 64)
    gamma1 = jnp.ones((64,), dtype=jnp.float32)
    beta1 = jnp.zeros((64,), dtype=jnp.float32)
    W1b, b1b = _linear(ks[5], 64, 64)
    W2, b2 = _linear(ks[6], 128, 128)
    Wlin, blin = _linear(ks[7], 192, 128)
    Wm1, bm1 = _linear(ks[8], 128, 256)
    Wm2, bm2 = _linear(ks[9], 256, 32)
    return {"pos_1": pos_1, "pos_2": pos_2, "batch": batch, "W1a": W1a, "b1a": b1a, "gamma1": gamma1, "beta1": beta1, "W1b": W1b, "b1b": b1b, "W2": W2, "b2": b2, "Wlin": Wlin, "blin": blin, "Wm1": Wm1, "bm1": bm1, "Wm2": Wm2, "bm2": bm2}

def reference(pos_1, pos_2, batch, W1a, b1a, gamma1, beta1, W1b, b1b, W2, b2, Wlin, blin, Wm1, bm1, Wm2, bm2):
    diff_mask = (batch[:, None] != batch[None, :])
    def knn_idx(x):
        sq = jnp.sum(x * x, axis=1)
        d = sq[:, None] + sq[None, :] - 2.0 * (x @ x.T)
        d = jnp.where(diff_mask, jnp.inf, d)
        _, idx = jax.lax.top_k(-d, K)
        return idx
    def gather_edges(x):
        idx = knn_idx(x)
        nbr = jnp.take(x, idx, axis=0)
        xi = jnp.broadcast_to(x[:, None, :], nbr.shape)
        return jnp.concatenate([xi, nbr - xi], axis=-1)
    def bn(h):
        mu = jnp.mean(h, axis=(0, 1), keepdims=True)
        var = jnp.var(h, axis=(0, 1), keepdims=True)
        return (h - mu) / jnp.sqrt(var + 1e-5) * gamma1 + beta1
    def conv1(x):
        e = gather_edges(x)
        h = jax.nn.relu(bn(e @ W1a + b1a))
        h = h @ W1b + b1b
        return jnp.max(h, axis=1)
    def conv2(x):
        e = gather_edges(x)
        h = e @ W2 + b2
        return jnp.max(h, axis=1)
    def branch(p):
        x1 = conv1(p)
        x2 = conv2(x1)
        hp = jnp.concatenate([x1, x2], axis=1) @ Wlin + blin
        return jax.ops.segment_max(hp, batch, num_segments=G)
    h_1 = branch(pos_1)
    h_2 = branch(pos_2)
    def mlp(h):
        return jax.nn.relu(h @ Wm1 + bm1) @ Wm2 + bm2
    return (h_1, h_2, mlp(h_1), mlp(h_2))

if __name__ == "__main__":
    import jax
    _d = setup_inputs()
    print(jax.jit(kernel)(*tuple(_d.values())))

</pallas_src>

<mosaic_0001>
#map = affine_map<(d0, d1) -> (0, 0)>
#map1 = affine_map<(d0, d1) -> (0)>
module attributes {stable_mosaic.version = 14 : i64} {
  func.func @gk(%arg0: i32, %arg1: i32, %arg2: memref<8192x128xf32, #tpu.memory_space<hbm>>, %arg3: memref<163840xi32, #tpu.memory_space<hbm>>, %arg4: memref<163840x128xf32, #tpu.memory_space<hbm>>, %arg5: memref<128xi32, #tpu.memory_space<vmem>>, %arg6: memref<128x128xf32, #tpu.memory_space<vmem>>, %arg7: memref<!tpu.dma_semaphore, #tpu.memory_space<semaphore_mem>>) attributes {dimension_semantics = [#tpu.dimension_semantics<core_parallel>, #tpu.dimension_semantics<subcore_parallel>], iteration_bounds = array<i64: 2, 16>, scalar_prefetch = 0 : i64, scratch_operands = 3 : i64, tpu.core_type = #tpu.core_type<sc_vector_subcore>, window_params = [{transform_indices = #map}, {transform_indices = #map1}, {transform_indices = #map}]} {
    %mul3A = arith.constant 2 : i32
    %mul3A_0 = arith.muli %arg1, %mul3A : i32
    %add3A = arith.addi %mul3A_0, %arg0 : i32
    %mul3A_1 = arith.constant 5120 : i32
    %mul3A_2 = arith.muli %add3A, %mul3A_1 : i32
    %scan3A = arith.constant 0 : i32
    %scan3A_3 = arith.constant 0 : i32
    %scan3A_4 = arith.constant 40 : i32
    %scan3A_5 = arith.addi %scan3A_3, %scan3A_4 : i32
    %scan3A_6 = arith.constant 1 : i32
    scf.for %scan3A_8 = %scan3A_3 to %scan3A_5 step %scan3A_6  : i32 {
      %mul3A_9 = arith.constant 128 : i32
      %mul3A_10 = arith.muli %scan3A_8, %mul3A_9 : i32
      %add3A_11 = arith.addi %mul3A_2, %mul3A_10 : i32
      "tpu.region"() ({
        %run_scoped3A = tpu.sem_alloc : memref<!tpu.dma_semaphore, #tpu.memory_space<semaphore_mem>>
        %dma_start3A_16 = tpu.memref_slice %arg3[%add3A_11] : memref<163840xi32, #tpu.memory_space<hbm>> -> memref<128xi32, #tpu.memory_space<hbm>>
        %dma_start3A_17 = tpu.memref_slice %arg3[%add3A_11] : memref<163840xi32, #tpu.memory_space<hbm>> -> memref<128xi32, #tpu.memory_space<hbm>>
        tpu.enqueue_dma source(%dma_start3A_17 : memref<128xi32, #tpu.memory_space<hbm>>) target(%arg5 : memref<128xi32, #tpu.memory_space<vmem>>) target_semaphore(%run_scoped3A : memref<!tpu.dma_semaphore, #tpu.memory_space<semaphore_mem>>)
        %dma_wait3A_18 = tpu.memref_slice %arg3[%add3A_11] : memref<163840xi32, #tpu.memory_space<hbm>> -> memref<128xi32, #tpu.memory_space<hbm>>
        %dma_wait3A_19 = tpu.memref_slice %arg3[%add3A_11] : memref<163840xi32, #tpu.memory_space<hbm>> -> memref<128xi32, #tpu.memory_space<hbm>>
        tpu.wait_dma2 semaphore(%run_scoped3A : memref<!tpu.dma_semaphore, #tpu.memory_space<semaphore_mem>>) src(%dma_wait3A_19 : memref<128xi32, #tpu.memory_space<hbm>>) dst(%arg5 : memref<128xi32, #tpu.memory_space<vmem>>)
        tpu.yield
      }) : () -> ()
      %dma_start3A = arith.constant 0 : i32
      %dma_start3A_12 = arith.constant 0 : i32
      %dma_start3A_13 = tpu.memref_slice %arg2[%dma_start3A, %dma_start3A_12] : memref<8192x128xf32, #tpu.memory_space<hbm>> -> memref<8192x128xf32, #tpu.memory_space<hbm>>
      tpu.enqueue_indirect_dma source(%dma_start3A_13 : memref<8192x128xf32, #tpu.memory_space<hbm>>) target(%arg6 : memref<128x128xf32, #tpu.memory_space<vmem>>) offsets(%arg5 : memref<128xi32, #tpu.memory_space<vmem>>) semaphore(%arg7 : memref<!tpu.dma_semaphore, #tpu.memory_space<semaphore_mem>>)
      %dma_wait3A = arith.constant 0 : i32
      %dma_wait3A_14 = arith.constant 0 : i32
      %dma_wait3A_15 = tpu.memref_slice %arg2[%dma_wait3A, %dma_wait3A_14] : memref<8192x128xf32, #tpu.memory_space<hbm>> -> memref<8192x128xf32, #tpu.memory_space<hbm>>
      tpu.wait_indirect_dma semaphore(%arg7 : memref<!tpu.dma_semaphore, #tpu.memory_space<semaphore_mem>>) src(%dma_wait3A_15 : memref<8192x128xf32, #tpu.memory_space<hbm>>) dst(%arg6 : memref<128x128xf32, #tpu.memory_space<vmem>>)
      "tpu.region"() ({
        %run_scoped3A = tpu.sem_alloc : memref<!tpu.dma_semaphore, #tpu.memory_space<semaphore_mem>>
        %dma_start3A_16 = arith.constant 0 : i32
        %dma_start3A_17 = tpu.memref_slice %arg4[%add3A_11, %dma_start3A_16] : memref<163840x128xf32, #tpu.memory_space<hbm>> -> memref<128x128xf32, #tpu.memory_space<hbm>>
        %dma_start3A_18 = arith.constant 0 : i32
        %dma_start3A_19 = tpu.memref_slice %arg4[%add3A_11, %dma_start3A_18] : memref<163840x128xf32, #tpu.memory_space<hbm>> -> memref<128x128xf32, #tpu.memory_space<hbm>>
        tpu.enqueue_dma source(%arg6 : memref<128x128xf32, #tpu.memory_space<vmem>>) target(%dma_start3A_19 : memref<128x128xf32, #tpu.memory_space<hbm>>) target_semaphore(%run_scoped3A : memref<!tpu.dma_semaphore, #tpu.memory_space<semaphore_mem>>)
        %dma_wait3A_20 = arith.constant 0 : i32
        %dma_wait3A_21 = tpu.memref_slice %arg4[%add3A_11, %dma_wait3A_20] : memref<163840x128xf32, #tpu.memory_space<hbm>> -> memref<128x128xf32, #tpu.memory_space<hbm>>
        %dma_wait3A_22 = arith.constant 0 : i32
        %dma_wait3A_23 = tpu.memref_slice %arg4[%add3A_11, %dma_wait3A_22] : memref<163840x128xf32, #tpu.memory_space<hbm>> -> memref<128x128xf32, #tpu.memory_space<hbm>>
        tpu.wait_dma2 semaphore(%run_scoped3A : memref<!tpu.dma_semaphore, #tpu.memory_space<semaphore_mem>>) src(%arg6 : memref<128x128xf32, #tpu.memory_space<vmem>>) dst(%dma_wait3A_23 : memref<128x128xf32, #tpu.memory_space<hbm>>)
        tpu.yield
      }) : () -> ()
    }
    %scan3A_7 = arith.constant 40 : i32
    return
  }
}

#map = affine_map<(d0, d1) -> (0, 0)>
#map1 = affine_map<(d0, d1) -> (0)>
module attributes {stable_mosaic.version = 14 : i64} {
  func.func @gk(%arg0: i32, %arg1: i32, %arg2: memref<8192x128xf32, #tpu.memory_space<hbm>>, %arg3: memref<163840xi32, #tpu.memory_space<hbm>>, %arg4: memref<163840x128xf32, #tpu.memory_space<hbm>>, %arg5: memref<128xi32, #tpu.memory_space<vmem>>, %arg6: memref<128x128xf32, #tpu.memory_space<vmem>>, %arg7: memref<!tpu.dma_semaphore, #tpu.memory_space<semaphore_mem>>) attributes {dimension_semantics = [#tpu.dimension_semantics<core_parallel>, #tpu.dimension_semantics<subcore_parallel>], iteration_bounds = array<i64: 2, 16>, scalar_prefetch = 0 : i64, scratch_operands = 3 : i64, tpu.core_type = #tpu.core_type<sc_vector_subcore>, window_params = [{transform_indices = #map}, {transform_indices = #map1}, {transform_indices = #map}]} {
    %mul3A = arith.constant 2 : i32
    %mul3A_0 = arith.muli %arg1, %mul3A : i32
    %add3A = arith.addi %mul3A_0, %arg0 : i32
    %mul3A_1 = arith.constant 5120 : i32
    %mul3A_2 = arith.muli %add3A, %mul3A_1 : i32
    %scan3A = arith.constant 0 : i32
    %scan3A_3 = arith.constant 0 : i32
    %scan3A_4 = arith.constant 40 : i32
    %scan3A_5 = arith.addi %scan3A_3, %scan3A_4 : i32
    %scan3A_6 = arith.constant 1 : i32
    scf.for %scan3A_8 = %scan3A_3 to %scan3A_5 step %scan3A_6  : i32 {
      %mul3A_9 = arith.constant 128 : i32
      %mul3A_10 = arith.muli %scan3A_8, %mul3A_9 : i32
      %add3A_11 = arith.addi %mul3A_2, %mul3A_10 : i32
      "tpu.region"() ({
        %run_scoped3A = tpu.sem_alloc : memref<!tpu.dma_semaphore, #tpu.memory_space<semaphore_mem>>
        %dma_start3A_16 = tpu.memref_slice %arg3[%add3A_11] : memref<163840xi32, #tpu.memory_space<hbm>> -> memref<128xi32, #tpu.memory_space<hbm>>
        %dma_start3A_17 = tpu.memref_slice %arg3[%add3A_11] : memref<163840xi32, #tpu.memory_space<hbm>> -> memref<128xi32, #tpu.memory_space<hbm>>
        tpu.enqueue_dma source(%dma_start3A_17 : memref<128xi32, #tpu.memory_space<hbm>>) target(%arg5 : memref<128xi32, #tpu.memory_space<vmem>>) target_semaphore(%run_scoped3A : memref<!tpu.dma_semaphore, #tpu.memory_space<semaphore_mem>>)
        %dma_wait3A_18 = tpu.memref_slice %arg3[%add3A_11] : memref<163840xi32, #tpu.memory_space<hbm>> -> memref<128xi32, #tpu.memory_space<hbm>>
        %dma_wait3A_19 = tpu.memref_slice %arg3[%add3A_11] : memref<163840xi32, #tpu.memory_space<hbm>> -> memref<128xi32, #tpu.memory_space<hbm>>
        tpu.wait_dma2 semaphore(%run_scoped3A : memref<!tpu.dma_semaphore, #tpu.memory_space<semaphore_mem>>) src(%dma_wait3A_19 : memref<128xi32, #tpu.memory_space<hbm>>) dst(%arg5 : memref<128xi32, #tpu.memory_space<vmem>>)
        tpu.yield
      }) : () -> ()
      %dma_start3A = arith.constant 0 : i32
      %dma_start3A_12 = arith.constant 0 : i32
      %dma_start3A_13 = tpu.memref_slice %arg2[%dma_start3A, %dma_start3A_12] : memref<8192x128xf32, #tpu.memory_space<hbm>> -> memref<8192x128xf32, #tpu.memory_space<hbm>>
      tpu.enqueue_indirect_dma source(%dma_start3A_13 : memref<8192x128xf32, #tpu.memory_space<hbm>>) target(%arg6 : memref<128x128xf32, #tpu.memory_space<vmem>>) offsets(%arg5 : memref<128xi32, #tpu.memory_space<vmem>>) semaphore(%arg7 : memref<!tpu.dma_semaphore, #tpu.memory_space<semaphore_mem>>)
      %dma_wait3A = arith.constant 0 : i32
      %dma_wait3A_14 = arith.constant 0 : i32
      %dma_wait3A_15 = tpu.memref_slice %arg2[%dma_wait3A, %dma_wait3A_14] : memref<8192x128xf32, #tpu.memory_space<hbm>> -> memref<8192x128xf32, #tpu.memory_space<hbm>>
      tpu.wait_indirect_dma semaphore(%arg7 : memref<!tpu.dma_semaphore, #tpu.memory_space<semaphore_mem>>) src(%dma_wait3A_15 : memref<8192x128xf32, #tpu.memory_space<hbm>>) dst(%arg6 : memref<128x128xf32, #tpu.memory_space<vmem>>)
      "tpu.region"() ({
        %run_scoped3A = tpu.sem_alloc : memref<!tpu.dma_semaphore, #tpu.memory_space<semaphore_mem>>
        %dma_start3A_16 = arith.constant 0 : i32
        %dma_start3A_17 = tpu.memref_slice %arg4[%add3A_11, %dma_start3A_16] : memref<163840x128xf32, #tpu.memory_space<hbm>> -> memref<128x128xf32, #tpu.memory_space<hbm>>
        %dma_start3A_18 = arith.constant 0 : i32
        %dma_start3A_19 = tpu.memref_slice %arg4[%add3A_11, %dma_start3A_18] : memref<163840x128xf32, #tpu.memory_space<hbm>> -> memref<128x128xf32, #tpu.memory_space<hbm>>
        tpu.enqueue_dma source(%arg6 : memref<128x128xf32, #tpu.memory_space<vmem>>) target(%dma_start3A_19 : memref<128x128xf32, #tpu.memory_space<hbm>>) target_semaphore(%run_scoped3A : memref<!tpu.dma_semaphore, #tpu.memory_space<semaphore_mem>>)
        %dma_wait3A_20 = arith.constant 0 : i32
        %dma_wait3A_21 = tpu.memref_slice %arg4[%add3A_11, %dma_wait3A_20] : memref<163840x128xf32, #tpu.memory_space<hbm>> -> memref<128x128xf32, #tpu.memory_space<hbm>>
        %dma_wait3A_22 = arith.constant 0 : i32
        %dma_wait3A_23 = tpu.memref_slice %arg4[%add3A_11, %dma_wait3A_22] : memref<163840x128xf32, #tpu.memory_space<hbm>> -> memref<128x128xf32, #tpu.memory_space<hbm>>
        tpu.wait_dma2 semaphore(%run_scoped3A : memref<!tpu.dma_semaphore, #tpu.memory_space<semaphore_mem>>) src(%arg6 : memref<128x128xf32, #tpu.memory_space<vmem>>) dst(%dma_wait3A_23 : memref<128x128xf32, #tpu.memory_space<hbm>>)
        tpu.yield
      }) : () -> ()
    }
    %scan3A_7 = arith.constant 40 : i32
    return
  }
}

#map = affine_map<(d0, d1) -> (0, 0)>
#map1 = affine_map<(d0, d1) -> (0)>
module attributes {stable_mosaic.version = 14 : i64} {
  func.func @gk(%arg0: i32, %arg1: i32, %arg2: memref<8192x128xf32, #tpu.memory_space<hbm>>, %arg3: memref<163840xi32, #tpu.memory_space<hbm>>, %arg4: memref<163840x128xf32, #tpu.memory_space<hbm>>, %arg5: memref<128xi32, #tpu.memory_space<vmem>>, %arg6: memref<128x128xf32, #tpu.memory_space<vmem>>, %arg7: memref<!tpu.dma_semaphore, #tpu.memory_space<semaphore_mem>>) attributes {dimension_semantics = [#tpu.dimension_semantics<core_parallel>, #tpu.dimension_semantics<subcore_parallel>], iteration_bounds = array<i64: 2, 16>, scalar_prefetch = 0 : i64, scratch_operands = 3 : i64, tpu.core_type = #tpu.core_type<sc_vector_subcore>, window_params = [{transform_indices = #map}, {transform_indices = #map1}, {transform_indices = #map}]} {
    %mul3A = arith.constant 2 : i32
    %mul3A_0 = arith.muli %arg1, %mul3A : i32
    %add3A = arith.addi %mul3A_0, %arg0 : i32
    %mul3A_1 = arith.constant 5120 : i32
    %mul3A_2 = arith.muli %add3A, %mul3A_1 : i32
    %scan3A = arith.constant 0 : i32
    %scan3A_3 = arith.constant 0 : i32
    %scan3A_4 = arith.constant 40 : i32
    %scan3A_5 = arith.addi %scan3A_3, %scan3A_4 : i32
    %scan3A_6 = arith.constant 1 : i32
    scf.for %scan3A_8 = %scan3A_3 to %scan3A_5 step %scan3A_6  : i32 {
      %mul3A_9 = arith.constant 128 : i32
      %mul3A_10 = arith.muli %scan3A_8, %mul3A_9 : i32
      %add3A_11 = arith.addi %mul3A_2, %mul3A_10 : i32
      "tpu.region"() ({
        %run_scoped3A = tpu.sem_alloc : memref<!tpu.dma_semaphore, #tpu.memory_space<semaphore_mem>>
        %dma_start3A_16 = tpu.memref_slice %arg3[%add3A_11] : memref<163840xi32, #tpu.memory_space<hbm>> -> memref<128xi32, #tpu.memory_space<hbm>>
        %dma_start3A_17 = tpu.memref_slice %arg3[%add3A_11] : memref<163840xi32, #tpu.memory_space<hbm>> -> memref<128xi32, #tpu.memory_space<hbm>>
        tpu.enqueue_dma source(%dma_start3A_17 : memref<128xi32, #tpu.memory_space<hbm>>) target(%arg5 : memref<128xi32, #tpu.memory_space<vmem>>) target_semaphore(%run_scoped3A : memref<!tpu.dma_semaphore, #tpu.memory_space<semaphore_mem>>)
        %dma_wait3A_18 = tpu.memref_slice %arg3[%add3A_11] : memref<163840xi32, #tpu.memory_space<hbm>> -> memref<128xi32, #tpu.memory_space<hbm>>
        %dma_wait3A_19 = tpu.memref_slice %arg3[%add3A_11] : memref<163840xi32, #tpu.memory_space<hbm>> -> memref<128xi32, #tpu.memory_space<hbm>>
        tpu.wait_dma2 semaphore(%run_scoped3A : memref<!tpu.dma_semaphore, #tpu.memory_space<semaphore_mem>>) src(%dma_wait3A_19 : memref<128xi32, #tpu.memory_space<hbm>>) dst(%arg5 : memref<128xi32, #tpu.memory_space<vmem>>)
        tpu.yield
      }) : () -> ()
      %dma_start3A = arith.constant 0 : i32
      %dma_start3A_12 = arith.constant 0 : i32
      %dma_start3A_13 = tpu.memref_slice %arg2[%dma_start3A, %dma_start3A_12] : memref<8192x128xf32, #tpu.memory_space<hbm>> -> memref<8192x128xf32, #tpu.memory_space<hbm>>
      tpu.enqueue_indirect_dma source(%dma_start3A_13 : memref<8192x128xf32, #tpu.memory_space<hbm>>) target(%arg6 : memref<128x128xf32, #tpu.memory_space<vmem>>) offsets(%arg5 : memref<128xi32, #tpu.memory_space<vmem>>) semaphore(%arg7 : memref<!tpu.dma_semaphore, #tpu.memory_space<semaphore_mem>>)
      %dma_wait3A = arith.constant 0 : i32
      %dma_wait3A_14 = arith.constant 0 : i32
      %dma_wait3A_15 = tpu.memref_slice %arg2[%dma_wait3A, %dma_wait3A_14] : memref<8192x128xf32, #tpu.memory_space<hbm>> -> memref<8192x128xf32, #tpu.memory_space<hbm>>
      tpu.wait_indirect_dma semaphore(%arg7 : memref<!tpu.dma_semaphore, #tpu.memory_space<semaphore_mem>>) src(%dma_wait3A_15 : memref<8192x128xf32, #tpu.memory_space<hbm>>) dst(%arg6 : memref<128x128xf32, #tpu.memory_space<vmem>>)
      "tpu.region"() ({
        %run_scoped3A = tpu.sem_alloc : memref<!tpu.dma_semaphore, #tpu.memory_space<semaphore_mem>>
        %dma_start3A_16 = arith.constant 0 : i32
        %dma_start3A_17 = tpu.memref_slice %arg4[%add3A_11, %dma_start3A_16] : memref<163840x128xf32, #tpu.memory_space<hbm>> -> memref<128x128xf32, #tpu.memory_space<hbm>>
        %dma_start3A_18 = arith.constant 0 : i32
        %dma_start3A_19 = tpu.memref_slice %arg4[%add3A_11, %dma_start3A_18] : memref<163840x128xf32, #tpu.memory_space<hbm>> -> memref<128x128xf32, #tpu.memory_space<hbm>>
        tpu.enqueue_dma source(%arg6 : memref<128x128xf32, #tpu.memory_space<vmem>>) target(%dma_start3A_19 : memref<128x128xf32, #tpu.memory_space<hbm>>) target_semaphore(%run_scoped3A : memref<!tpu.dma_semaphore, #tpu.memory_space<semaphore_mem>>)
        %dma_wait3A_20 = arith.constant 0 : i32
        %dma_wait3A_21 = tpu.memref_slice %arg4[%add3A_11, %dma_wait3A_20] : memref<163840x128xf32, #tpu.memory_space<hbm>> -> memref<128x128xf32, #tpu.memory_space<hbm>>
        %dma_wait3A_22 = arith.constant 0 : i32
        %dma_wait3A_23 = tpu.memref_slice %arg4[%add3A_11, %dma_wait3A_22] : memref<163840x128xf32, #tpu.memory_space<hbm>> -> memref<128x128xf32, #tpu.memory_space<hbm>>
        tpu.wait_dma2 semaphore(%run_scoped3A : memref<!tpu.dma_semaphore, #tpu.memory_space<semaphore_mem>>) src(%arg6 : memref<128x128xf32, #tpu.memory_space<vmem>>) dst(%dma_wait3A_23 : memref<128x128xf32, #tpu.memory_space<hbm>>)
        tpu.yield
      }) : () -> ()
    }
    %scan3A_7 = arith.constant 40 : i32
    return
  }
}

#map = affine_map<(d0, d1) -> (0, 0)>
#map1 = affine_map<(d0, d1) -> (0)>
module attributes {stable_mosaic.version = 14 : i64} {
  func.func @gk(%arg0: i32, %arg1: i32, %arg2: memref<8192x128xf32, #tpu.memory_space<hbm>>, %arg3: memref<163840xi32, #tpu.memory_space<hbm>>, %arg4: memref<163840x128xf32, #tpu.memory_space<hbm>>, %arg5: memref<128xi32, #tpu.memory_space<vmem>>, %arg6: memref<128x128xf32, #tpu.memory_space<vmem>>, %arg7: memref<!tpu.dma_semaphore, #tpu.memory_space<semaphore_mem>>) attributes {dimension_semantics = [#tpu.dimension_semantics<core_parallel>, #tpu.dimension_semantics<subcore_parallel>], iteration_bounds = array<i64: 2, 16>, scalar_prefetch = 0 : i64, scratch_operands = 3 : i64, tpu.core_type = #tpu.core_type<sc_vector_subcore>, window_params = [{transform_indices = #map}, {transform_indices = #map1}, {transform_indices = #map}]} {
    %mul3A = arith.constant 2 : i32
    %mul3A_0 = arith.muli %arg1, %mul3A : i32
    %add3A = arith.addi %mul3A_0, %arg0 : i32
    %mul3A_1 = arith.constant 5120 : i32
    %mul3A_2 = arith.muli %add3A, %mul3A_1 : i32
    %scan3A = arith.constant 0 : i32
    %scan3A_3 = arith.constant 0 : i32
    %scan3A_4 = arith.constant 40 : i32
    %scan3A_5 = arith.addi %scan3A_3, %scan3A_4 : i32
    %scan3A_6 = arith.constant 1 : i32
    scf.for %scan3A_8 = %scan3A_3 to %scan3A_5 step %scan3A_6  : i32 {
      %mul3A_9 = arith.constant 128 : i32
      %mul3A_10 = arith.muli %scan3A_8, %mul3A_9 : i32
      %add3A_11 = arith.addi %mul3A_2, %mul3A_10 : i32
      "tpu.region"() ({
        %run_scoped3A = tpu.sem_alloc : memref<!tpu.dma_semaphore, #tpu.memory_space<semaphore_mem>>
        %dma_start3A_16 = tpu.memref_slice %arg3[%add3A_11] : memref<163840xi32, #tpu.memory_space<hbm>> -> memref<128xi32, #tpu.memory_space<hbm>>
        %dma_start3A_17 = tpu.memref_slice %arg3[%add3A_11] : memref<163840xi32, #tpu.memory_space<hbm>> -> memref<128xi32, #tpu.memory_space<hbm>>
        tpu.enqueue_dma source(%dma_start3A_17 : memref<128xi32, #tpu.memory_space<hbm>>) target(%arg5 : memref<128xi32, #tpu.memory_space<vmem>>) target_semaphore(%run_scoped3A : memref<!tpu.dma_semaphore, #tpu.memory_space<semaphore_mem>>)
        %dma_wait3A_18 = tpu.memref_slice %arg3[%add3A_11] : memref<163840xi32, #tpu.memory_space<hbm>> -> memref<128xi32, #tpu.memory_space<hbm>>
        %dma_wait3A_19 = tpu.memref_slice %arg3[%add3A_11] : memref<163840xi32, #tpu.memory_space<hbm>> -> memref<128xi32, #tpu.memory_space<hbm>>
        tpu.wait_dma2 semaphore(%run_scoped3A : memref<!tpu.dma_semaphore, #tpu.memory_space<semaphore_mem>>) src(%dma_wait3A_19 : memref<128xi32, #tpu.memory_space<hbm>>) dst(%arg5 : memref<128xi32, #tpu.memory_space<vmem>>)
        tpu.yield
      }) : () -> ()
      %dma_start3A = arith.constant 0 : i32
      %dma_start3A_12 = arith.constant 0 : i32
      %dma_start3A_13 = tpu.memref_slice %arg2[%dma_start3A, %dma_start3A_12] : memref<8192x128xf32, #tpu.memory_space<hbm>> -> memref<8192x128xf32, #tpu.memory_space<hbm>>
      tpu.enqueue_indirect_dma source(%dma_start3A_13 : memref<8192x128xf32, #tpu.memory_space<hbm>>) target(%arg6 : memref<128x128xf32, #tpu.memory_space<vmem>>) offsets(%arg5 : memref<128xi32, #tpu.memory_space<vmem>>) semaphore(%arg7 : memref<!tpu.dma_semaphore, #tpu.memory_space<semaphore_mem>>)
      %dma_wait3A = arith.constant 0 : i32
      %dma_wait3A_14 = arith.constant 0 : i32
      %dma_wait3A_15 = tpu.memref_slice %arg2[%dma_wait3A, %dma_wait3A_14] : memref<8192x128xf32, #tpu.memory_space<hbm>> -> memref<8192x128xf32, #tpu.memory_space<hbm>>
      tpu.wait_indirect_dma semaphore(%arg7 : memref<!tpu.dma_semaphore, #tpu.memory_space<semaphore_mem>>) src(%dma_wait3A_15 : memref<8192x128xf32, #tpu.memory_space<hbm>>) dst(%arg6 : memref<128x128xf32, #tpu.memory_space<vmem>>)
      "tpu.region"() ({
        %run_scoped3A = tpu.sem_alloc : memref<!tpu.dma_semaphore, #tpu.memory_space<semaphore_mem>>
        %dma_start3A_16 = arith.constant 0 : i32
        %dma_start3A_17 = tpu.memref_slice %arg4[%add3A_11, %dma_start3A_16] : memref<163840x128xf32, #tpu.memory_space<hbm>> -> memref<128x128xf32, #tpu.memory_space<hbm>>
        %dma_start3A_18 = arith.constant 0 : i32
        %dma_start3A_19 = tpu.memref_slice %arg4[%add3A_11, %dma_start3A_18] : memref<163840x128xf32, #tpu.memory_space<hbm>> -> memref<128x128xf32, #tpu.memory_space<hbm>>
        tpu.enqueue_dma source(%arg6 : memref<128x128xf32, #tpu.memory_space<vmem>>) target(%dma_start3A_19 : memref<128x128xf32, #tpu.memory_space<hbm>>) target_semaphore(%run_scoped3A : memref<!tpu.dma_semaphore, #tpu.memory_space<semaphore_mem>>)
        %dma_wait3A_20 = arith.constant 0 : i32
        %dma_wait3A_21 = tpu.memref_slice %arg4[%add3A_11, %dma_wait3A_20] : memref<163840x128xf32, #tpu.memory_space<hbm>> -> memref<128x128xf32, #tpu.memory_space<hbm>>
        %dma_wait3A_22 = arith.constant 0 : i32
        %dma_wait3A_23 = tpu.memref_slice %arg4[%add3A_11, %dma_wait3A_22] : memref<163840x128xf32, #tpu.memory_space<hbm>> -> memref<128x128xf32, #tpu.memory_space<hbm>>
        tpu.wait_dma2 semaphore(%run_scoped3A : memref<!tpu.dma_semaphore, #tpu.memory_space<semaphore_mem>>) src(%arg6 : memref<128x128xf32, #tpu.memory_space<vmem>>) dst(%dma_wait3A_23 : memref<128x128xf32, #tpu.memory_space<hbm>>)
        tpu.yield
      }) : () -> ()
    }
    %scan3A_7 = arith.constant 40 : i32
    return
  }
}

module attributes {stable_mosaic.version = 14 : i64} {
  func.func @_knn_body(%arg0: i32, %arg1: memref<128x3xf32, #tpu.memory_space<vmem>>, %arg2: memref<8192x3xf32, #tpu.memory_space<vmem>>, %arg3: memref<3x8192xf32, #tpu.memory_space<vmem>>, %arg4: memref<128x1xi32, #tpu.memory_space<vmem>>, %arg5: memref<1x8192xi32, #tpu.memory_space<vmem>>, %arg6: memref<3x128xf32, #tpu.memory_space<vmem>>, %arg7: memref<1x128xf32, #tpu.memory_space<vmem>>, %arg8: memref<3x128xf32, #tpu.memory_space<vmem>>, %arg9: memref<128x20xi32, #tpu.memory_space<vmem>>, %arg10: memref<128x128xf32, #tpu.memory_space<vmem>>, %arg11: memref<128x128xf32, #tpu.memory_space<vmem>>) attributes {dimension_semantics = [#tpu.dimension_semantics<arbitrary>], iteration_bounds = array<i64: 64>, scalar_prefetch = 0 : i64, scratch_operands = 0 : i64, tpu.core_type = #tpu.core_type<tc>, window_params = [{transform_indices = @transform_0, window_bounds = array<i64: 128, 3>}, {pipeline_mode = #tpu.pipeline_mode<synchronous>, transform_indices = @transform_1, window_bounds = array<i64: 8192, 3>}, {pipeline_mode = #tpu.pipeline_mode<synchronous>, transform_indices = @transform_2, window_bounds = array<i64: 3, 8192>}, {transform_indices = @transform_3, window_bounds = array<i64: 128, 1>}, {pipeline_mode = #tpu.pipeline_mode<synchronous>, transform_indices = @transform_4, window_bounds = array<i64: 1, 8192>}, {pipeline_mode = #tpu.pipeline_mode<synchronous>, transform_indices = @transform_5, window_bounds = array<i64: 3, 128>}, {pipeline_mode = #tpu.pipeline_mode<synchronous>, transform_indices = @transform_6, window_bounds = array<i64: 1, 128>}, {pipeline_mode = #tpu.pipeline_mode<synchronous>, transform_indices = @transform_7, window_bounds = array<i64: 3, 128>}, {transform_indices = @transform_8, window_bounds = array<i64: 128, 20>}, {transform_indices = @transform_9, window_bounds = array<i64: 128, 128>}, {transform_indices = @transform_10, window_bounds = array<i64: 128, 128>}]} {
    %get3A = arith.constant 0 : index
    %get3A_0 = arith.constant 0 : index
    %get3A_1 = vector.load %arg1[%get3A, %get3A_0] : memref<128x3xf32, #tpu.memory_space<vmem>>, vector<128x3xf32>
    %get3A_2 = arith.constant 0 : index
    %get3A_3 = arith.constant 0 : index
    %get3A_4 = vector.load %arg2[%get3A_2, %get3A_3] : memref<8192x3xf32, #tpu.memory_space<vmem>>, vector<8192x3xf32>
    %get3A_5 = arith.constant 0 : index
    %get3A_6 = arith.constant 0 : index
    %get3A_7 = vector.load %arg6[%get3A_5, %get3A_6] : memref<3x128xf32, #tpu.memory_space<vmem>>, vector<3x128xf32>
    %dot_general3A = arith.constant dense<0.000000e+00> : vector<128x128xf32>
    %dot_general3A_8 = tpu.matmul %get3A_1, %get3A_7, %dot_general3A {dimension_numbers = #tpu.dot_dimension_numbers<[1], [0], [0], [1], [0, 0, 1, 1], [], []>, precision = #tpu.contract_precision<fp32>, transpose_lhs_hint = false} : vector<128x3xf32>, vector<3x128xf32>, vector<128x128xf32> -> vector<128x128xf32>
    %get3A_9 = arith.constant 0 : index
    %get3A_10 = arith.constant 0 : index
    %get3A_11 = vector.load %arg7[%get3A_9, %get3A_10] : memref<1x128xf32, #tpu.memory_space<vmem>>, vector<1x128xf32>
    %add3A = vector.broadcast %get3A_11 : vector<1x128xf32> to vector<128x128xf32>
    %add3A_12 = arith.addf %dot_general3A_8, %add3A : vector<128x128xf32>
    %swap3A = arith.constant 0 : index
    %swap3A_13 = arith.constant 0 : index
    %swap3A_14 = vector.load %arg10[%swap3A, %swap3A_13] : memref<128x128xf32, #tpu.memory_space<vmem>>, vector<128x128xf32>
    tpu.vector_store %arg10[%swap3A, %swap3A_13], %add3A_12 {strides = array<i32>} : memref<128x128xf32, #tpu.memory_space<vmem>>, vector<128x128xf32>,
    %get3A_15 = arith.constant 0 : index
    %get3A_16 = arith.constant 0 : index
    %get3A_17 = vector.load %arg8[%get3A_15, %get3A_16] : memref<3x128xf32, #tpu.memory_space<vmem>>, vector<3x128xf32>
    %dot_general3A_18 = arith.constant dense<0.000000e+00> : vector<128x128xf32>
    %dot_general3A_19 = tpu.matmul %get3A_1, %get3A_17, %dot_general3A_18 {dimension_numbers = #tpu.dot_dimension_numbers<[1], [0], [0], [1], [0, 0, 1, 1], [], []>, precision = #tpu.contract_precision<fp32>, transpose_lhs_hint = false} : vector<128x3xf32>, vector<3x128xf32>, vector<128x128xf32> -> vector<128x128xf32>
    %swap3A_20 = arith.constant 0 : index
    %swap3A_21 = arith.constant 0 : index
    %swap3A_22 = vector.load %arg11[%swap3A_20, %swap3A_21] : memref<128x128xf32, #tpu.memory_space<vmem>>, vector<128x128xf32>
    tpu.vector_store %arg11[%swap3A_20, %swap3A_21], %dot_general3A_19 {strides = array<i32>} : memref<128x128xf32, #tpu.memory_space<vmem>>, vector<128x128xf32>,
    %get3A_23 = arith.constant 0 : index
    %get3A_24 = arith.constant 0 : index
    %get3A_25 = vector.load %arg3[%get3A_23, %get3A_24] : memref<3x8192xf32, #tpu.memory_space<vmem>>, vector<1x8192xf32>
    %get3A_26 = arith.constant 0 : index
    %get3A_27 = arith.constant 0 : index
    %get3A_28 = vector.load %arg3[%get3A_26, %get3A_27] : memref<3x8192xf32, #tpu.memory_space<vmem>>, vector<1x8192xf32>
    %mul3A = arith.mulf %get3A_25, %get3A_28 : vector<1x8192xf32>
    %get3A_29 = arith.constant 1 : index
    %get3A_30 = arith.constant 0 : index
    %get3A_31 = vector.load %arg3[%get3A_29, %get3A_30] : memref<3x8192xf32, #tpu.memory_space<vmem>>, vector<1x8192xf32>
    %mul3A_32 = arith.mulf %get3A_31, %get3A_31 : vector<1x8192xf32>
    %add3A_33 = arith.addf %mul3A, %mul3A_32 : vector<1x8192xf32>
    %get3A_34 = arith.constant 2 : index
    %get3A_35 = arith.constant 0 : index
    %get3A_36 = vector.load %arg3[%get3A_34, %get3A_35] : memref<3x8192xf32, #tpu.memory_space<vmem>>, vector<1x8192xf32>
    %mul3A_37 = arith.mulf %get3A_36, %get3A_36 : vector<1x8192xf32>
    %add3A_38 = arith.addf %add3A_33, %mul3A_37 : vector<1x8192xf32>
    %mul3A_39 = arith.mulf %get3A_1, %get3A_1 : vector<128x3xf32>
    %reduce_sum3A = arith.constant dense<0.000000e+00> : vector<128xf32>
    %reduce_sum3A_40 = vector.multi_reduction <add>, %mul3A_39, %reduce_sum3A [1] : vector<128x3xf32> to vector<128xf32>
    %broadcast_in_dim3A = vector.shape_cast %reduce_sum3A_40 : vector<128xf32> to vector<128x1xf32>
    %dot_general3A_41 = arith.constant dense<0.000000e+00> : vector<128x8192xf32>
    %dot_general3A_42 = tpu.matmul %get3A_1, %get3A_4, %dot_general3A_41 {dimension_numbers = #tpu.dot_dimension_numbers<[1], [1], [0], [0], [0, 0, 1, 0], [], []>, transpose_lhs_hint = false} : vector<128x3xf32>, vector<8192x3xf32>, vector<128x8192xf32> -> vector<128x8192xf32>
    %add3A_43 = vector.broadcast %broadcast_in_dim3A : vector<128x1xf32> to vector<128x8192xf32>
    %add3A_44 = vector.broadcast %add3A_38 : vector<1x8192xf32> to vector<128x8192xf32>
    %add3A_45 = arith.addf %add3A_43, %add3A_44 : vector<128x8192xf32>
    %mul3A_46 = arith.constant 2.000000e+00 : f32
    %mul3A_47 = vector.broadcast %mul3A_46 : f32 to vector<128x8192xf32>
    %mul3A_48 = arith.mulf %mul3A_47, %dot_general3A_42 : vector<128x8192xf32>
    %sub3A = arith.subf %add3A_45, %mul3A_48 : vector<128x8192xf32>
    %get3A_49 = arith.constant 0 : index
    %get3A_50 = arith.constant 0 : index
    %get3A_51 = vector.load %arg4[%get3A_49, %get3A_50] : memref<128x1xi32, #tpu.memory_space<vmem>>, vector<128x1xi32>
    %get3A_52 = arith.constant 0 : index
    %get3A_53 = arith.constant 0 : index
    %get3A_54 = vector.load %arg5[%get3A_52, %get3A_53] : memref<1x8192xi32, #tpu.memory_space<vmem>>, vector<1x8192xi32>
    %ne3A = vector.broadcast %get3A_51 : vector<128x1xi32> to vector<128x8192xi32>
    %ne3A_55 = vector.broadcast %get3A_54 : vector<1x8192xi32> to vector<128x8192xi32>
    %ne3A_56 = arith.cmpi ne, %ne3A, %ne3A_55 : vector<128x8192xi32>
    %jit3A = arith.constant 0x7F800000 : f32
    %broadcast_in_dim3A_57 = vector.broadcast %jit3A : f32 to vector<128x8192xf32>
    %select_n3A = arith.select %ne3A_56, %broadcast_in_dim3A_57, %sub3A : vector<128x8192xi1>, vector<128x8192xf32>
    %iota3A = tpu.iota {dimensions = array<i32: 1>} : vector<128x8192xi32>
    %reduce_min3A = arith.constant dense<0x7F800000> : vector<128xf32>
    %reduce_min3A_58 = vector.multi_reduction <minimumf>, %select_n3A, %reduce_min3A [1] : vector<128x8192xf32> to vector<128xf32>
    %broadcast_in_dim3A_59 = vector.shape_cast %reduce_min3A_58 : vector<128xf32> to vector<128x1xf32>
    %eq3A = vector.broadcast %broadcast_in_dim3A_59 : vector<128x1xf32> to vector<128x8192xf32>
    %eq3A_60 = arith.cmpf oeq, %select_n3A, %eq3A : vector<128x8192xf32>
    %jit3A_61 = arith.constant 8192 : i32
    %broadcast_in_dim3A_62 = vector.broadcast %jit3A_61 : i32 to vector<128x8192xi32>
    %select_n3A_63 = arith.select %eq3A_60, %iota3A, %broadcast_in_dim3A_62 : vector<128x8192xi1>, vector<128x8192xi32>
    %reduce_min3A_64 = arith.constant dense<2147483647> : vector<128xi32>
    %reduce_min3A_65 = vector.multi_reduction <minsi>, %select_n3A_63, %reduce_min3A_64 [1] : vector<128x8192xi32> to vector<128xi32>
    %broadcast_in_dim3A_66 = vector.shape_cast %reduce_min3A_65 : vector<128xi32> to vector<128x1xi32>
    %eq3A_67 = vector.broadcast %broadcast_in_dim3A_66 : vector<128x1xi32> to vector<128x8192xi32>
    %eq3A_68 = arith.cmpi eq, %iota3A, %eq3A_67 : vector<128x8192xi32>
    %jit3A_69 = arith.constant 0x7F800000 : f32
    %broadcast_in_dim3A_70 = vector.broadcast %jit3A_69 : f32 to vector<128x8192xf32>
    %select_n3A_71 = arith.select %eq3A_68, %broadcast_in_dim3A_70, %select_n3A : vector<128x8192xi1>, vector<128x8192xf32>
    %reduce_min3A_72 = arith.constant dense<0x7F800000> : vector<128xf32>
    %reduce_min3A_73 = vector.multi_reduction <minimumf>, %select_n3A_71, %reduce_min3A_72 [1] : vector<128x8192xf32> to vector<128xf32>
    %broadcast_in_dim3A_74 = vector.shape_cast %reduce_min3A_73 : vector<128xf32> to vector<128x1xf32>
    %eq3A_75 = vector.broadcast %broadcast_in_dim3A_74 : vector<128x1xf32> to vector<128x8192xf32>
    %eq3A_76 = arith.cmpf oeq, %select_n3A_71, %eq3A_75 : vector<128x8192xf32>
    %jit3A_77 = arith.constant 8192 : i32
    %broadcast_in_dim3A_78 = vector.broadcast %jit3A_77 : i32 to vector<128x8192xi32>
    %select_n3A_79 = arith.select %eq3A_76, %iota3A, %broadcast_in_dim3A_78 : vector<128x8192xi1>, vector<128x8192xi32>
    %reduce_min3A_80 = arith.constant dense<2147483647> : vector<128xi32>
    %reduce_min3A_81 = vector.multi_reduction <minsi>, %select_n3A_79, %reduce_min3A_80 [1] : vector<128x8192xi32> to vector<128xi32>
    %broadcast_in_dim3A_82 = vector.shape_cast %reduce_min3A_81 : vector<128xi32> to vector<128x1xi32>
    %eq3A_83 = vector.broadcast %broadcast_in_dim3A_82 : vector<128x1xi32> to vector<128x8192xi32>
    %eq3A_84 = arith.cmpi eq, %iota3A, %eq3A_83 : vector<128x8192xi32>
    %jit3A_85 = arith.constant 0x7F800000 : f32
    %broadcast_in_dim3A_86 = vector.broadcast %jit3A_85 : f32 to vector<128x8192xf32>
    %select_n3A_87 = arith.select %eq3A_84, %broadcast_in_dim3A_86, %select_n3A_71 : vector<128x8192xi1>, vector<128x8192xf32>
    %reduce_min3A_88 = arith.constant dense<0x7F800000> : vector<128xf32>
    %reduce_min3A_89 = vector.multi_reduction <minimumf>, %select_n3A_87, %reduce_min3A_88 [1] : vector<128x8192xf32> to vector<128xf32>
    %broadcast_in_dim3A_90 = vector.shape_cast %reduce_min3A_89 : vector<128xf32> to vector<128x1xf32>
    %eq3A_91 = vector.broadcast %broadcast_in_dim3A_90 : vector<128x1xf32> to vector<128x8192xf32>
    %eq3A_92 = arith.cmpf oeq, %select_n3A_87, %eq3A_91 : vector<128x8192xf32>
    %jit3A_93 = arith.constant 8192 : i32
    %broadcast_in_dim3A_94 = vector.broadcast %jit3A_93 : i32 to vector<128x8192xi32>
    %select_n3A_95 = arith.select %eq3A_92, %iota3A, %broadcast_in_dim3A_94 : vector<128x8192xi1>, vector<128x8192xi32>
    %reduce_min3A_96 = arith.constant dense<2147483647> : vector<128xi32>
    %reduce_min3A_97 = vector.multi_reduction <minsi>, %select_n3A_95, %reduce_min3A_96 [1] : vector<128x8192xi32> to vector<128xi32>
    %broadcast_in_dim3A_98 = vector.shape_cast %reduce_min3A_97 : vector<128xi32> to vector<128x1xi32>
    %eq3A_99 = vector.broadcast %broadcast_in_dim3A_98 : vector<128x1xi32> to vector<128x8192xi32>
    %eq3A_100 = arith.cmpi eq, %iota3A, %eq3A_99 : vector<128x8192xi32>
    %jit3A_101 = arith.constant 0x7F800000 : f32
    %broadcast_in_dim3A_102 = vector.broadcast %jit3A_101 : f32 to vector<128x8192xf32>
    %select_n3A_103 = arith.select %eq3A_100, %broadcast_in_dim3A_102, %select_n3A_87 : vector<128x8192xi1>, vector<128x8192xf32>
    %reduce_min3A_104 = arith.constant dense<0x7F800000> : vector<128xf32>
    %reduce_min3A_105 = vector.multi_reduction <minimumf>, %select_n3A_103, %reduce_min3A_104 [1] : vector<128x8192xf32> to vector<128xf32>
    %broadcast_in_dim3A_106 = vector.shape_cast %reduce_min3A_105 : vector<128xf32> to vector<128x1xf32>
    %eq3A_107 = vector.broadcast %broadcast_in_dim3A_106 : vector<128x1xf32> to vector<128x8192xf32>
    %eq3A_108 = arith.cmpf oeq, %select_n3A_103, %eq3A_107 : vector<128x8192xf32>
    %jit3A_109 = arith.constant 8192 : i32
    %broadcast_in_dim3A_110 = vector.broadcast %jit3A_109 : i32 to vector<128x8192xi32>
    %select_n3A_111 = arith.select %eq3A_108, %iota3A, %broadcast_in_dim3A_110 : vector<128x8192xi1>, vector<128x8192xi32>
    %reduce_min3A_112 = arith.constant dense<2147483647> : vector<128xi32>
    %reduce_min3A_113 = vector.multi_reduction <minsi>, %select_n3A_111, %reduce_min3A_112 [1] : vector<128x8192xi32> to vector<128xi32>
    %broadcast_in_dim3A_114 = vector.shape_cast %reduce_min3A_113 : vector<128xi32> to vector<128x1xi32>
    %eq3A_115 = vector.broadcast %broadcast_in_dim3A_114 : vector<128x1xi32> to vector<128x8192xi32>
    %eq3A_116 = arith.cmpi eq, %iota3A, %eq3A_115 : vector<128x8192xi32>
    %jit3A_117 = arith.constant 0x7F800000 : f32
    %broadcast_in_dim3A_118 = vector.broadcast %jit3A_117 : f32 to vector<128x8192xf32>
    %select_n3A_119 = arith.select %eq3A_116, %broadcast_in_dim3A_118, %select_n3A_103 : vector<128x8192xi1>, vector<128x8192xf32>
    %reduce_min3A_120 = arith.constant dense<0x7F800000> : vector<128xf32>
    %reduce_min3A_121 = vector.multi_reduction <minimumf>, %select_n3A_119, %reduce_min3A_120 [1] : vector<128x8192xf32> to vector<128xf32>
    %broadcast_in_dim3A_122 = vector.shape_cast %reduce_min3A_121 : vector<128xf32> to vector<128x1xf32>
    %eq3A_123 = vector.broadcast %broadcast_in_dim3A_122 : vector<128x1xf32> to vector<128x8192xf32>
    %eq3A_124 = arith.cmpf oeq, %select_n3A_119, %eq3A_123 : vector<128x8192xf32>
    %jit3A_125 = arith.constant 8192 : i32
    %broadcast_in_dim3A_126 = vector.broadcast %jit3A_125 : i32 to vector<128x8192xi32>
    %select_n3A_127 = arith.select %eq3A_124, %iota3A, %broadcast_in_dim3A_126 : vector<128x8192xi1>, vector<128x8192xi32>
    %reduce_min3A_128 = arith.constant dense<2147483647> : vector<128xi32>
    %reduce_min3A_129 = vector.multi_reduction <minsi>, %select_n3A_127, %reduce_min3A_128 [1] : vector<128x8192xi32> to vector<128xi32>
    %broadcast_in_dim3A_130 = vector.shape_cast %reduce_min3A_129 : vector<128xi32> to vector<128x1xi32>
    %eq3A_131 = vector.broadcast %broadcast_in_dim3A_130 : vector<128x1xi32> to vector<128x8192xi32>
    %eq3A_132 = arith.cmpi eq, %iota3A, %eq3A_131 : vector<128x8192xi32>
    %jit3A_133 = arith.constant 0x7F800000 : f32
    %broadcast_in_dim3A_134 = vector.broadcast %jit3A_133 : f32 to vector<128x8192xf32>
    %select_n3A_135 = arith.select %eq3A_132, %broadcast_in_dim3A_134, %select_n3A_119 : vector<128x8192xi1>, vector<128x8192xf32>
    %reduce_min3A_136 = arith.constant dense<0x7F800000> : vector<128xf32>
    %reduce_min3A_137 = vector.multi_reduction <minimumf>, %select_n3A_135, %reduce_min3A_136 [1] : vector<128x8192xf32> to vector<128xf32>
    %broadcast_in_dim3A_138 = vector.shape_cast %reduce_min3A_137 : vector<128xf32> to vector<128x1xf32>
    %eq3A_139 = vector.broadcast %broadcast_in_dim3A_138 : vector<128x1xf32> to vector<128x8192xf32>
    %eq3A_140 = arith.cmpf oeq, %select_n3A_135, %eq3A_139 : vector<128x8192xf32>
    %jit3A_141 = arith.constant 8192 : i32
    %broadcast_in_dim3A_142 = vector.broadcast %jit3A_141 : i32 to vector<128x8192xi32>
    %select_n3A_143 = arith.select %eq3A_140, %iota3A, %broadcast_in_dim3A_142 : vector<128x8192xi1>, vector<128x8192xi32>
    %reduce_min3A_144 = arith.constant dense<2147483647> : vector<128xi32>
    %reduce_min3A_145 = vector.multi_reduction <minsi>, %select_n3A_143, %reduce_min3A_144 [1] : vector<128x8192xi32> to vector<128xi32>
    %broadcast_in_dim3A_146 = vector.shape_cast %reduce_min3A_145 : vector<128xi32> to vector<128x1xi32>
    %eq3A_147 = vector.broadcast %broadcast_in_dim3A_146 : vector<128x1xi32> to vector<128x8192xi32>
    %eq3A_148 = arith.cmpi eq, %iota3A, %eq3A_147 : vector<128x8192xi32>
    %jit3A_149 = arith.constant 0x7F800000 : f32
    %broadcast_in_dim3A_150 = vector.broadcast %jit3A_149 : f32 to vector<128x8192xf32>
    %select_n3A_151 = arith.select %eq3A_148, %broadcast_in_dim3A_150, %select_n3A_135 : vector<128x8192xi1>, vector<128x8192xf32>
    %reduce_min3A_152 = arith.constant dense<0x7F800000> : vector<128xf32>
    %reduce_min3A_153 = vector.multi_reduction <minimumf>, %select_n3A_151, %reduce_min3A_152 [1] : vector<128x8192xf32> to vector<128xf32>
    %broadcast_in_dim3A_154 = vector.shape_cast %reduce_min3A_153 : vector<128xf32> to vector<128x1xf32>
    %eq3A_155 = vector.broadcast %broadcast_in_dim3A_154 : vector<128x1xf32> to vector<128x8192xf32>
    %eq3A_156 = arith.cmpf oeq, %select_n3A_151, %eq3A_155 : vector<128x8192xf32>
    %jit3A_157 = arith.constant 8192 : i32
    %broadcast_in_dim3A_158 = vector.broadcast %jit3A_157 : i32 to vector<128x8192xi32>
    %select_n3A_159 = arith.select %eq3A_156, %iota3A, %broadcast_in_dim3A_158 : vector<128x8192xi1>, vector<128x8192xi32>
    %reduce_min3A_160 = arith.constant dense<2147483647> : vector<128xi32>
    %reduce_min3A_161 = vector.multi_reduction <minsi>, %select_n3A_159, %reduce_min3A_160 [1] : vector<128x8192xi32> to vector<128xi32>
    %broadcast_in_dim3A_162 = vector.shape_cast %reduce_min3A_161 : vector<128xi32> to vector<128x1xi32>
    %eq3A_163 = vector.broadcast %broadcast_in_dim3A_162 : vector<128x1xi32> to vector<128x8192xi32>
    %eq3A_164 = arith.cmpi eq, %iota3A, %eq3A_163 : vector<128x8192xi32>
    %jit3A_165 = arith.constant 0x7F800000 : f32
    %broadcast_in_dim3A_166 = vector.broadcast %jit3A_165 : f32 to vector<128x8192xf32>
    %select_n3A_167 = arith.select %eq3A_164, %broadcast_in_dim3A_166, %select_n3A_151 : vector<128x8192xi1>, vector<128x8192xf32>
    %reduce_min3A_168 = arith.constant dense<0x7F800000> : vector<128xf32>
    %reduce_min3A_169 = vector.multi_reduction <minimumf>, %select_n3A_167, %reduce_min3A_168 [1] : vector<128x8192xf32> to vector<128xf32>
    %broadcast_in_dim3A_170 = vector.shape_cast %reduce_min3A_169 : vector<128xf32> to vector<128x1xf32>
    %eq3A_171 = vector.broadcast %broadcast_in_dim3A_170 : vector<128x1xf32> to vector<128x8192xf32>
    %eq3A_172 = arith.cmpf oeq, %select_n3A_167, %eq3A_171 : vector<128x8192xf32>
    %jit3A_173 = arith.constant 8192 : i32
    %broadcast_in_dim3A_174 = vector.broadcast %jit3A_173 : i32 to vector<128x8192xi32>
    %select_n3A_175 = arith.select %eq3A_172, %iota3A, %broadcast_in_dim3A_174 : vector<128x8192xi1>, vector<128x8192xi32>
    %reduce_min3A_176 = arith.constant dense<2147483647> : vector<128xi32>
    %reduce_min3A_177 = vector.multi_reduction <minsi>, %select_n3A_175, %reduce_min3A_176 [1] : vector<128x8192xi32> to vector<128xi32>
    %broadcast_in_dim3A_178 = vector.shape_cast %reduce_min3A_177 : vector<128xi32> to vector<128x1xi32>
    %eq3A_179 = vector.broadcast %broadcast_in_dim3A_178 : vector<128x1xi32> to vector<128x8192xi32>
    %eq3A_180 = arith.cmpi eq, %iota3A, %eq3A_179 : vector<128x8192xi32>
    %jit3A_181 = arith.constant 0x7F800000 : f32
    %broadcast_in_dim3A_182 = vector.broadcast %jit3A_181 : f32 to vector<128x8192xf32>
    %select_n3A_183 = arith.select %eq3A_180, %broadcast_in_dim3A_182, %select_n3A_167 : vector<128x8192xi1>, vector<128x8192xf32>
    %reduce_min3A_184 = arith.constant dense<0x7F800000> : vector<128xf32>
    %reduce_min3A_185 = vector.multi_reduction <minimumf>, %select_n3A_183, %reduce_min3A_184 [1] : vector<128x8192xf32> to vector<128xf32>
    %broadcast_in_dim3A_186 = vector.shape_cast %reduce_min3A_185 : vector<128xf32> to vector<128x1xf32>
    %eq3A_187 = vector.broadcast %broadcast_in_dim3A_186 : vector<128x1xf32> to vector<128x8192xf32>
    %eq3A_188 = arith.cmpf oeq, %select_n3A_183, %eq3A_187 : vector<128x8192xf32>
    %jit3A_189 = arith.constant 8192 : i32
    %broadcast_in_dim3A_190 = vector.broadcast %jit3A_189 : i32 to vector<128x8192xi32>
    %select_n3A_191 = arith.select %eq3A_188, %iota3A, %broadcast_in_dim3A_190 : vector<128x8192xi1>, vector<128x8192xi32>
    %reduce_min3A_192 = arith.constant dense<2147483647> : vector<128xi32>
    %reduce_min3A_193 = vector.multi_reduction <minsi>, %select_n3A_191, %reduce_min3A_192 [1] : vector<128x8192xi32> to vector<128xi32>
    %broadcast_in_dim3A_194 = vector.shape_cast %reduce_min3A_193 : vector<128xi32> to vector<128x1xi32>
    %eq3A_195 = vector.broadcast %broadcast_in_dim3A_194 : vector<128x1xi32> to vector<128x8192xi32>
    %eq3A_196 = arith.cmpi eq, %iota3A, %eq3A_195 : vector<128x8192xi32>
    %jit3A_197 = arith.constant 0x7F800000 : f32
    %broadcast_in_dim3A_198 = vector.broadcast %jit3A_197 : f32 to vector<128x8192xf32>
    %select_n3A_199 = arith.select %eq3A_196, %broadcast_in_dim3A_198, %select_n3A_183 : vector<128x8192xi1>, vector<128x8192xf32>
    %reduce_min3A_200 = arith.constant dense<0x7F800000> : vector<128xf32>
    %reduce_min3A_201 = vector.multi_reduction <minimumf>, %select_n3A_199, %reduce_min3A_200 [1] : vector<128x8192xf32> to vector<128xf32>
    %broadcast_in_dim3A_202 = vector.shape_cast %reduce_min3A_201 : vector<128xf32> to vector<128x1xf32>
    %eq3A_203 = vector.broadcast %broadcast_in_dim3A_202 : vector<128x1xf32> to vector<128x8192xf32>
    %eq3A_204 = arith.cmpf oeq, %select_n3A_199, %eq3A_203 : vector<128x8192xf32>
    %jit3A_205 = arith.constant 8192 : i32
    %broadcast_in_dim3A_206 = vector.broadcast %jit3A_205 : i32 to vector<128x8192xi32>
    %select_n3A_207 = arith.select %eq3A_204, %iota3A, %broadcast_in_dim3A_206 : vector<128x8192xi1>, vector<128x8192xi32>
    %reduce_min3A_208 = arith.constant dense<2147483647> : vector<128xi32>
    %reduce_min3A_209 = vector.multi_reduction <minsi>, %select_n3A_207, %reduce_min3A_208 [1] : vector<128x8192xi32> to vector<128xi32>
    %broadcast_in_dim3A_210 = vector.shape_cast %reduce_min3A_209 : vector<128xi32> to vector<128x1xi32>
    %eq3A_211 = vector.broadcast %broadcast_in_dim3A_210 : vector<128x1xi32> to vector<128x8192xi32>
    %eq3A_212 = arith.cmpi eq, %iota3A, %eq3A_211 : vector<128x8192xi32>
    %jit3A_213 = arith.constant 0x7F800000 : f32
    %broadcast_in_dim3A_214 = vector.broadcast %jit3A_213 : f32 to vector<128x8192xf32>
    %select_n3A_215 = arith.select %eq3A_212, %broadcast_in_dim3A_214, %select_n3A_199 : vector<128x8192xi1>, vector<128x8192xf32>
    %reduce_min3A_216 = arith.constant dense<0x7F800000> : vector<128xf32>
    %reduce_min3A_217 = vector.multi_reduction <minimumf>, %select_n3A_215, %reduce_min3A_216 [1] : vector<128x8192xf32> to vector<128xf32>
    %broadcast_in_dim3A_218 = vector.shape_cast %reduce_min3A_217 : vector<128xf32> to vector<128x1xf32>
    %eq3A_219 = vector.broadcast %broadcast_in_dim3A_218 : vector<128x1xf32> to vector<128x8192xf32>
    %eq3A_220 = arith.cmpf oeq, %select_n3A_215, %eq3A_219 : vector<128x8192xf32>
    %jit3A_221 = arith.constant 8192 : i32
    %broadcast_in_dim3A_222 = vector.broadcast %jit3A_221 : i32 to vector<128x8192xi32>
    %select_n3A_223 = arith.select %eq3A_220, %iota3A, %broadcast_in_dim3A_222 : vector<128x8192xi1>, vector<128x8192xi32>
    %reduce_min3A_224 = arith.constant dense<2147483647> : vector<128xi32>
    %reduce_min3A_225 = vector.multi_reduction <minsi>, %select_n3A_223, %reduce_min3A_224 [1] : vector<128x8192xi32> to vector<128xi32>
    %broadcast_in_dim3A_226 = vector.shape_cast %reduce_min3A_225 : vector<128xi32> to vector<128x1xi32>
    %eq3A_227 = vector.broadcast %broadcast_in_dim3A_226 : vector<128x1xi32> to vector<128x8192xi32>
    %eq3A_228 = arith.cmpi eq, %iota3A, %eq3A_227 : vector<128x8192xi32>
    %jit3A_229 = arith.constant 0x7F800000 : f32
    %broadcast_in_dim3A_230 = vector.broadcast %jit3A_229 : f32 to vector<128x8192xf32>
    %select_n3A_231 = arith.select %eq3A_228, %broadcast_in_dim3A_230, %select_n3A_215 : vector<128x8192xi1>, vector<128x8192xf32>
    %reduce_min3A_232 = arith.constant dense<0x7F800000> : vector<128xf32>
    %reduce_min3A_233 = vector.multi_reduction <minimumf>, %select_n3A_231, %reduce_min3A_232 [1] : vector<128x8192xf32> to vector<128xf32>
    %broadcast_in_dim3A_234 = vector.shape_cast %reduce_min3A_233 : vector<128xf32> to vector<128x1xf32>
    %eq3A_235 = vector.broadcast %broadcast_in_dim3A_234 : vector<128x1xf32> to vector<128x8192xf32>
    %eq3A_236 = arith.cmpf oeq, %select_n3A_231, %eq3A_235 : vector<128x8192xf32>
    %jit3A_237 = arith.constant 8192 : i32
    %broadcast_in_dim3A_238 = vector.broadcast %jit3A_237 : i32 to vector<128x8192xi32>
    %select_n3A_239 = arith.select %eq3A_236, %iota3A, %broadcast_in_dim3A_238 : vector<128x8192xi1>, vector<128x8192xi32>
    %reduce_min3A_240 = arith.constant dense<2147483647> : vector<128xi32>
    %reduce_min3A_241 = vector.multi_reduction <minsi>, %select_n3A_239, %reduce_min3A_240 [1] : vector<128x8192xi32> to vector<128xi32>
    %broadcast_in_dim3A_242 = vector.shape_cast %reduce_min3A_241 : vector<128xi32> to vector<128x1xi32>
    %eq3A_243 = vector.broadcast %broadcast_in_dim3A_242 : vector<128x1xi32> to vector<128x8192xi32>
    %eq3A_244 = arith.cmpi eq, %iota3A, %eq3A_243 : vector<128x8192xi32>
    %jit3A_245 = arith.constant 0x7F800000 : f32
    %broadcast_in_dim3A_246 = vector.broadcast %jit3A_245 : f32 to vector<128x8192xf32>
    %select_n3A_247 = arith.select %eq3A_244, %broadcast_in_dim3A_246, %select_n3A_231 : vector<128x8192xi1>, vector<128x8192xf32>
    %reduce_min3A_248 = arith.constant dense<0x7F800000> : vector<128xf32>
    %reduce_min3A_249 = vector.multi_reduction <minimumf>, %select_n3A_247, %reduce_min3A_248 [1] : vector<128x8192xf32> to vector<128xf32>
    %broadcast_in_dim3A_250 = vector.shape_cast %reduce_min3A_249 : vector<128xf32> to vector<128x1xf32>
    %eq3A_251 = vector.broadcast %broadcast_in_dim3A_250 : vector<128x1xf32> to vector<128x8192xf32>
    %eq3A_252 = arith.cmpf oeq, %select_n3A_247, %eq3A_251 : vector<128x8192xf32>
    %jit3A_253 = arith.constant 8192 : i32
    %broadcast_in_dim3A_254 = vector.broadcast %jit3A_253 : i32 to vector<128x8192xi32>
    %select_n3A_255 = arith.select %eq3A_252, %iota3A, %broadcast_in_dim3A_254 : vector<128x8192xi1>, vector<128x8192xi32>
    %reduce_min3A_256 = arith.constant dense<2147483647> : vector<128xi32>
    %reduce_min3A_257 = vector.multi_reduction <minsi>, %select_n3A_255, %reduce_min3A_256 [1] : vector<128x8192xi32> to vector<128xi32>
    %broadcast_in_dim3A_258 = vector.shape_cast %reduce_min3A_257 : vector<128xi32> to vector<128x1xi32>
    %eq3A_259 = vector.broadcast %broadcast_in_dim3A_258 : vector<128x1xi32> to vector<128x8192xi32>
    %eq3A_260 = arith.cmpi eq, %iota3A, %eq3A_259 : vector<128x8192xi32>
    %jit3A_261 = arith.constant 0x7F800000 : f32
    %broadcast_in_dim3A_262 = vector.broadcast %jit3A_261 : f32 to vector<128x8192xf32>
    %select_n3A_263 = arith.select %eq3A_260, %broadcast_in_dim3A_262, %select_n3A_247 : vector<128x8192xi1>, vector<128x8192xf32>
    %reduce_min3A_264 = arith.constant dense<0x7F800000> : vector<128xf32>
    %reduce_min3A_265 = vector.multi_reduction <minimumf>, %select_n3A_263, %reduce_min3A_264 [1] : vector<128x8192xf32> to vector<128xf32>
    %broadcast_in_dim3A_266 = vector.shape_cast %reduce_min3A_265 : vector<128xf32> to vector<128x1xf32>
    %eq3A_267 = vector.broadcast %broadcast_in_dim3A_266 : vector<128x1xf32> to vector<128x8192xf32>
    %eq3A_268 = arith.cmpf oeq, %select_n3A_263, %eq3A_267 : vector<128x8192xf32>
    %jit3A_269 = arith.constant 8192 : i32
    %broadcast_in_dim3A_270 = vector.broadcast %jit3A_269 : i32 to vector<128x8192xi32>
    %select_n3A_271 = arith.select %eq3A_268, %iota3A, %broadcast_in_dim3A_270 : vector<128x8192xi1>, vector<128x8192xi32>
    %reduce_min3A_272 = arith.constant dense<2147483647> : vector<128xi32>
    %reduce_min3A_273 = vector.multi_reduction <minsi>, %select_n3A_271, %reduce_min3A_272 [1] : vector<128x8192xi32> to vector<128xi32>
    %broadcast_in_dim3A_274 = vector.shape_cast %reduce_min3A_273 : vector<128xi32> to vector<128x1xi32>
    %eq3A_275 = vector.broadcast %broadcast_in_dim3A_274 : vector<128x1xi32> to vector<128x8192xi32>
    %eq3A_276 = arith.cmpi eq, %iota3A, %eq3A_275 : vector<128x8192xi32>
    %jit3A_277 = arith.constant 0x7F800000 : f32
    %broadcast_in_dim3A_278 = vector.broadcast %jit3A_277 : f32 to vector<128x8192xf32>
    %select_n3A_279 = arith.select %eq3A_276, %broadcast_in_dim3A_278, %select_n3A_263 : vector<128x8192xi1>, vector<128x8192xf32>
    %reduce_min3A_280 = arith.constant dense<0x7F800000> : vector<128xf32>
    %reduce_min3A_281 = vector.multi_reduction <minimumf>, %select_n3A_279, %reduce_min3A_280 [1] : vector<128x8192xf32> to vector<128xf32>
    %broadcast_in_dim3A_282 = vector.shape_cast %reduce_min3A_281 : vector<128xf32> to vector<128x1xf32>
    %eq3A_283 = vector.broadcast %broadcast_in_dim3A_282 : vector<128x1xf32> to vector<128x8192xf32>
    %eq3A_284 = arith.cmpf oeq, %select_n3A_279, %eq3A_283 : vector<128x8192xf32>
    %jit3A_285 = arith.constant 8192 : i32
    %broadcast_in_dim3A_286 = vector.broadcast %jit3A_285 : i32 to vector<128x8192xi32>
    %select_n3A_287 = arith.select %eq3A_284, %iota3A, %broadcast_in_dim3A_286 : vector<128x8192xi1>, vector<128x8192xi32>
    %reduce_min3A_288 = arith.constant dense<2147483647> : vector<128xi32>
    %reduce_min3A_289 = vector.multi_reduction <minsi>, %select_n3A_287, %reduce_min3A_288 [1] : vector<128x8192xi32> to vector<128xi32>
    %broadcast_in_dim3A_290 = vector.shape_cast %reduce_min3A_289 : vector<128xi32> to vector<128x1xi32>
    %eq3A_291 = vector.broadcast %broadcast_in_dim3A_290 : vector<128x1xi32> to vector<128x8192xi32>
    %eq3A_292 = arith.cmpi eq, %iota3A, %eq3A_291 : vector<128x8192xi32>
    %jit3A_293 = arith.constant 0x7F800000 : f32
    %broadcast_in_dim3A_294 = vector.broadcast %jit3A_293 : f32 to vector<128x8192xf32>
    %select_n3A_295 = arith.select %eq3A_292, %broadcast_in_dim3A_294, %select_n3A_279 : vector<128x8192xi1>, vector<128x8192xf32>
    %reduce_min3A_296 = arith.constant dense<0x7F800000> : vector<128xf32>
    %reduce_min3A_297 = vector.multi_reduction <minimumf>, %select_n3A_295, %reduce_min3A_296 [1] : vector<128x8192xf32> to vector<128xf32>
    %broadcast_in_dim3A_298 = vector.shape_cast %reduce_min3A_297 : vector<128xf32> to vector<128x1xf32>
    %eq3A_299 = vector.broadcast %broadcast_in_dim3A_298 : vector<128x1xf32> to vector<128x8192xf32>
    %eq3A_300 = arith.cmpf oeq, %select_n3A_295, %eq3A_299 : vector<128x8192xf32>
    %jit3A_301 = arith.constant 8192 : i32
    %broadcast_in_dim3A_302 = vector.broadcast %jit3A_301 : i32 to vector<128x8192xi32>
    %select_n3A_303 = arith.select %eq3A_300, %iota3A, %broadcast_in_dim3A_302 : vector<128x8192xi1>, vector<128x8192xi32>
    %reduce_min3A_304 = arith.constant dense<2147483647> : vector<128xi32>
    %reduce_min3A_305 = vector.multi_reduction <minsi>, %select_n3A_303, %reduce_min3A_304 [1] : vector<128x8192xi32> to vector<128xi32>
    %broadcast_in_dim3A_306 = vector.shape_cast %reduce_min3A_305 : vector<128xi32> to vector<128x1xi32>
    %eq3A_307 = vector.broadcast %broadcast_in_dim3A_306 : vector<128x1xi32> to vector<128x8192xi32>
    %eq3A_308 = arith.cmpi eq, %iota3A, %eq3A_307 : vector<128x8192xi32>
    %jit3A_309 = arith.constant 0x7F800000 : f32
    %broadcast_in_dim3A_310 = vector.broadcast %jit3A_309 : f32 to vector<128x8192xf32>
    %select_n3A_311 = arith.select %eq3A_308, %broadcast_in_dim3A_310, %select_n3A_295 : vector<128x8192xi1>, vector<128x8192xf32>
    %reduce_min3A_312 = arith.constant dense<0x7F800000> : vector<128xf32>
    %reduce_min3A_313 = vector.multi_reduction <minimumf>, %select_n3A_311, %reduce_min3A_312 [1] : vector<128x8192xf32> to vector<128xf32>
    %broadcast_in_dim3A_314 = vector.shape_cast %reduce_min3A_313 : vector<128xf32> to vector<128x1xf32>
    %eq3A_315 = vector.broadcast %broadcast_in_dim3A_314 : vector<128x1xf32> to vector<128x8192xf32>
    %eq3A_316 = arith.cmpf oeq, %select_n3A_311, %eq3A_315 : vector<128x8192xf32>
    %jit3A_317 = arith.constant 8192 : i32
    %broadcast_in_dim3A_318 = vector.broadcast %jit3A_317 : i32 to vector<128x8192xi32>
    %select_n3A_319 = arith.select %eq3A_316, %iota3A, %broadcast_in_dim3A_318 : vector<128x8192xi1>, vector<128x8192xi32>
    %reduce_min3A_320 = arith.constant dense<2147483647> : vector<128xi32>
    %reduce_min3A_321 = vector.multi_reduction <minsi>, %select_n3A_319, %reduce_min3A_320 [1] : vector<128x8192xi32> to vector<128xi32>
    %broadcast_in_dim3A_322 = vector.shape_cast %reduce_min3A_321 : vector<128xi32> to vector<128x1xi32>
    %eq3A_323 = vector.broadcast %broadcast_in_dim3A_322 : vector<128x1xi32> to vector<128x8192xi32>
    %eq3A_324 = arith.cmpi eq, %iota3A, %eq3A_323 : vector<128x8192xi32>
    %jit3A_325 = arith.constant 0x7F800000 : f32
    %broadcast_in_dim3A_326 = vector.broadcast %jit3A_325 : f32 to vector<128x8192xf32>
    %select_n3A_327 = arith.select %eq3A_324, %broadcast_in_dim3A_326, %select_n3A_311 : vector<128x8192xi1>, vector<128x8192xf32>
    %reduce_min3A_328 = arith.constant dense<0x7F800000> : vector<128xf32>
    %reduce_min3A_329 = vector.multi_reduction <minimumf>, %select_n3A_327, %reduce_min3A_328 [1] : vector<128x8192xf32> to vector<128xf32>
    %broadcast_in_dim3A_330 = vector.shape_cast %reduce_min3A_329 : vector<128xf32> to vector<128x1xf32>
    %eq3A_331 = vector.broadcast %broadcast_in_dim3A_330 : vector<128x1xf32> to vector<128x8192xf32>
    %eq3A_332 = arith.cmpf oeq, %select_n3A_327, %eq3A_331 : vector<128x8192xf32>
    %jit3A_333 = arith.constant 8192 : i32
    %broadcast_in_dim3A_334 = vector.broadcast %jit3A_333 : i32 to vector<128x8192xi32>
    %select_n3A_335 = arith.select %eq3A_332, %iota3A, %broadcast_in_dim3A_334 : vector<128x8192xi1>, vector<128x8192xi32>
    %reduce_min3A_336 = arith.constant dense<2147483647> : vector<128xi32>
    %reduce_min3A_337 = vector.multi_reduction <minsi>, %select_n3A_335, %reduce_min3A_336 [1] : vector<128x8192xi32> to vector<128xi32>
    %broadcast_in_dim3A_338 = vector.shape_cast %reduce_min3A_337 : vector<128xi32> to vector<128x1xi32>
    %eq3A_339 = vector.broadcast %broadcast_in_dim3A_338 : vector<128x1xi32> to vector<128x8192xi32>
    %eq3A_340 = arith.cmpi eq, %iota3A, %eq3A_339 : vector<128x8192xi32>
    %jit3A_341 = arith.constant 0x7F800000 : f32
    %broadcast_in_dim3A_342 = vector.broadcast %jit3A_341 : f32 to vector<128x8192xf32>
    %select_n3A_343 = arith.select %eq3A_340, %broadcast_in_dim3A_342, %select_n3A_327 : vector<128x8192xi1>, vector<128x8192xf32>
    %reduce_min3A_344 = arith.constant dense<0x7F800000> : vector<128xf32>
    %reduce_min3A_345 = vector.multi_reduction <minimumf>, %select_n3A_343, %reduce_min3A_344 [1] : vector<128x8192xf32> to vector<128xf32>
    %broadcast_in_dim3A_346 = vector.shape_cast %reduce_min3A_345 : vector<128xf32> to vector<128x1xf32>
    %eq3A_347 = vector.broadcast %broadcast_in_dim3A_346 : vector<128x1xf32> to vector<128x8192xf32>
    %eq3A_348 = arith.cmpf oeq, %select_n3A_343, %eq3A_347 : vector<128x8192xf32>
    %jit3A_349 = arith.constant 8192 : i32
    %broadcast_in_dim3A_350 = vector.broadcast %jit3A_349 : i32 to vector<128x8192xi32>
    %select_n3A_351 = arith.select %eq3A_348, %iota3A, %broadcast_in_dim3A_350 : vector<128x8192xi1>, vector<128x8192xi32>
    %reduce_min3A_352 = arith.constant dense<2147483647> : vector<128xi32>
    %reduce_min3A_353 = vector.multi_reduction <minsi>, %select_n3A_351, %reduce_min3A_352 [1] : vector<128x8192xi32> to vector<128xi32>
    %broadcast_in_dim3A_354 = vector.shape_cast %reduce_min3A_353 : vector<128xi32> to vector<128x1xi32>
    %eq3A_355 = vector.broadcast %broadcast_in_dim3A_354 : vector<128x1xi32> to vector<128x8192xi32>
    %eq3A_356 = arith.cmpi eq, %iota3A, %eq3A_355 : vector<128x8192xi32>
    %jit3A_357 = arith.constant 0x7F800000 : f32
    %broadcast_in_dim3A_358 = vector.broadcast %jit3A_357 : f32 to vector<128x8192xf32>
    %select_n3A_359 = arith.select %eq3A_356, %broadcast_in_dim3A_358, %select_n3A_343 : vector<128x8192xi1>, vector<128x8192xf32>
    %reduce_min3A_360 = arith.constant dense<0x7F800000> : vector<128xf32>
    %reduce_min3A_361 = vector.multi_reduction <minimumf>, %select_n3A_359, %reduce_min3A_360 [1] : vector<128x8192xf32> to vector<128xf32>
    %broadcast_in_dim3A_362 = vector.shape_cast %reduce_min3A_361 : vector<128xf32> to vector<128x1xf32>
    %eq3A_363 = vector.broadcast %broadcast_in_dim3A_362 : vector<128x1xf32> to vector<128x8192xf32>
    %eq3A_364 = arith.cmpf oeq, %select_n3A_359, %eq3A_363 : vector<128x8192xf32>
    %jit3A_365 = arith.constant 8192 : i32
    %broadcast_in_dim3A_366 = vector.broadcast %jit3A_365 : i32 to vector<128x8192xi32>
    %select_n3A_367 = arith.select %eq3A_364, %iota3A, %broadcast_in_dim3A_366 : vector<128x8192xi1>, vector<128x8192xi32>
    %reduce_min3A_368 = arith.constant dense<2147483647> : vector<128xi32>
    %reduce_min3A_369 = vector.multi_reduction <minsi>, %select_n3A_367, %reduce_min3A_368 [1] : vector<128x8192xi32> to vector<128xi32>
    %broadcast_in_dim3A_370 = vector.shape_cast %reduce_min3A_369 : vector<128xi32> to vector<128x1xi32>
    %concatenate3A = tpu.concatenate %broadcast_in_dim3A_66, %broadcast_in_dim3A_82, %broadcast_in_dim3A_98, %broadcast_in_dim3A_114, %broadcast_in_dim3A_130, %broadcast_in_dim3A_146, %broadcast_in_dim3A_162, %broadcast_in_dim3A_178, %broadcast_in_dim3A_194, %broadcast_in_dim3A_210, %broadcast_in_dim3A_226, %broadcast_in_dim3A_242, %broadcast_in_dim3A_258, %broadcast_in_dim3A_274, %broadcast_in_dim3A_290, %broadcast_in_dim3A_306, %broadcast_in_dim3A_322, %broadcast_in_dim3A_338, %broadcast_in_dim3A_354, %broadcast_in_dim3A_370 in 1 : vector<128x1xi32>, vector<128x1xi32>, vector<128x1xi32>, vector<128x1xi32>, vector<128x1xi32>, vector<128x1xi32>, vector<128x1xi32>, vector<128x1xi32>, vector<128x1xi32>, vector<128x1xi32>, vector<128x1xi32>, vector<128x1xi32>, vector<128x1xi32>, vector<128x1xi32>, vector<128x1xi32>, vector<128x1xi32>, vector<128x1xi32>, vector<128x1xi32>, vector<128x1xi32>, vector<128x1xi32> -> vector<128x20xi32>
    %swap3A_371 = arith.constant 0 : index
    %swap3A_372 = arith.constant 0 : index
    %swap3A_373 = vector.load %arg9[%swap3A_371, %swap3A_372] : memref<128x20xi32, #tpu.memory_space<vmem>>, vector<128x20xi32>
    tpu.vector_store %arg9[%swap3A_371, %swap3A_372], %concatenate3A {strides = array<i32>} : memref<128x20xi32, #tpu.memory_space<vmem>>, vector<128x20xi32>,
    return
  }
  func.func @transform_0(%arg0: i32) -> (i32, i32) {
    %c0_i32 = arith.constant 0 : i32
    %c0_i32_0 = arith.constant 0 : i32
    return %arg0, %c0_i32 : i32, i32
  }
  func.func @transform_1(%arg0: i32) -> (i32, i32) {
    %c0_i32 = arith.constant 0 : i32
    %c0_i32_0 = arith.constant 0 : i32
    %c0_i32_1 = arith.constant 0 : i32
    return %c0_i32, %c0_i32_0 : i32, i32
  }
  func.func @transform_2(%arg0: i32) -> (i32, i32) {
    %c0_i32 = arith.constant 0 : i32
    %c0_i32_0 = arith.constant 0 : i32
    %c0_i32_1 = arith.constant 0 : i32
    return %c0_i32, %c0_i32_0 : i32, i32
  }
  func.func @transform_3(%arg0: i32) -> (i32, i32) {
    %c0_i32 = arith.constant 0 : i32
    %c0_i32_0 = arith.constant 0 : i32
    return %arg0, %c0_i32 : i32, i32
  }
  func.func @transform_4(%arg0: i32) -> (i32, i32) {
    %c0_i32 = arith.constant 0 : i32
    %c0_i32_0 = arith.constant 0 : i32
    %c0_i32_1 = arith.constant 0 : i32
    return %c0_i32, %c0_i32_0 : i32, i32
  }
  func.func @transform_5(%arg0: i32) -> (i32, i32) {
    %c0_i32 = arith.constant 0 : i32
    %c0_i32_0 = arith.constant 0 : i32
    %c0_i32_1 = arith.constant 0 : i32
    return %c0_i32, %c0_i32_0 : i32, i32
  }
  func.func @transform_6(%arg0: i32) -> (i32, i32) {
    %c0_i32 = arith.constant 0 : i32
    %c0_i32_0 = arith.constant 0 : i32
    %c0_i32_1 = arith.constant 0 : i32
    return %c0_i32, %c0_i32_0 : i32, i32
  }
  func.func @transform_7(%arg0: i32) -> (i32, i32) {
    %c0_i32 = arith.constant 0 : i32
    %c0_i32_0 = arith.constant 0 : i32
    %c0_i32_1 = arith.constant 0 : i32
    return %c0_i32, %c0_i32_0 : i32, i32
  }
  func.func @transform_8(%arg0: i32) -> (i32, i32) {
    %c0_i32 = arith.constant 0 : i32
    %c0_i32_0 = arith.constant 0 : i32
    return %arg0, %c0_i32 : i32, i32
  }
  func.func @transform_9(%arg0: i32) -> (i32, i32) {
    %c0_i32 = arith.constant 0 : i32
    %c0_i32_0 = arith.constant 0 : i32
    return %arg0, %c0_i32 : i32, i32
  }
  func.func @transform_10(%arg0: i32) -> (i32, i32) {
    %c0_i32 = arith.constant 0 : i32
    %c0_i32_0 = arith.constant 0 : i32
    return %arg0, %c0_i32 : i32, i32
  }
}

module attributes {stable_mosaic.version = 14 : i64} {
  func.func @_stats_body(%arg0: i32, %arg1: memref<128x128xf32, #tpu.memory_space<vmem>>, %arg2: memref<20x128x128xf32, #tpu.memory_space<vmem>>, %arg3: memref<8x128xf32, #tpu.memory_space<vmem>>) attributes {dimension_semantics = [#tpu.dimension_semantics<arbitrary>], iteration_bounds = array<i64: 64>, scalar_prefetch = 0 : i64, scratch_operands = 0 : i64, tpu.core_type = #tpu.core_type<tc>, window_params = [{transform_indices = @transform_0, window_bounds = array<i64: 128, 128>}, {transform_indices = @transform_1, window_bounds = array<i64: 20, 128, 128>}, {pipeline_mode = #tpu.pipeline_mode<synchronous>, transform_indices = @transform_2, window_bounds = array<i64: 8, 128>}]} {
    %get3A = arith.constant 0 : index
    %get3A_0 = arith.constant 0 : index
    %get3A_1 = vector.load %arg1[%get3A, %get3A_0] : memref<128x128xf32, #tpu.memory_space<vmem>>, vector<128x128xf32>
    %broadcast_in_dim3A = arith.constant 0.000000e+00 : f32
    %broadcast_in_dim3A_2 = vector.broadcast %broadcast_in_dim3A : f32 to vector<1x128xf32>
    %broadcast_in_dim3A_3 = arith.constant 0.000000e+00 : f32
    %broadcast_in_dim3A_4 = vector.broadcast %broadcast_in_dim3A_3 : f32 to vector<1x128xf32>
    %get3A_5 = arith.constant 0 : index
    %get3A_6 = arith.constant 0 : index
    %get3A_7 = arith.constant 0 : index
    %get3A_8 = vector.load %arg2[%get3A_5, %get3A_6, %get3A_7] : memref<20x128x128xf32, #tpu.memory_space<vmem>>, vector<1x128x128xf32>
    %get3A_9 = vector.shape_cast %get3A_8 : vector<1x128x128xf32> to vector<128x128xf32>
    %add3A = arith.addf %get3A_1, %get3A_9 : vector<128x128xf32>
    %reduce_sum3A = arith.constant dense<0.000000e+00> : vector<128xf32>
    %reduce_sum3A_10 = vector.multi_reduction <add>, %add3A, %reduce_sum3A [0] : vector<128x128xf32> to vector<128xf32>
    %broadcast_in_dim3A_11 = vector.shape_cast %reduce_sum3A_10 : vector<128xf32> to vector<1x128xf32>
    %add3A_12 = arith.addf %broadcast_in_dim3A_2, %broadcast_in_dim3A_11 : vector<1x128xf32>
    %mul3A = arith.mulf %add3A, %add3A : vector<128x128xf32>
    %reduce_sum3A_13 = arith.constant dense<0.000000e+00> : vector<128xf32>
    %reduce_sum3A_14 = vector.multi_reduction <add>, %mul3A, %reduce_sum3A_13 [0] : vector<128x128xf32> to vector<128xf32>
    %broadcast_in_dim3A_15 = vector.shape_cast %reduce_sum3A_14 : vector<128xf32> to vector<1x128xf32>
    %add3A_16 = arith.addf %broadcast_in_dim3A_4, %broadcast_in_dim3A_15 : vector<1x128xf32>
    %get3A_17 = arith.constant 1 : index
    %get3A_18 = arith.constant 0 : index
    %get3A_19 = arith.constant 0 : index
    %get3A_20 = vector.load %arg2[%get3A_17, %get3A_18, %get3A_19] : memref<20x128x128xf32, #tpu.memory_space<vmem>>, vector<1x128x128xf32>
    %get3A_21 = vector.shape_cast %get3A_20 : vector<1x128x128xf32> to vector<128x128xf32>
    %add3A_22 = arith.addf %get3A_1, %get3A_21 : vector<128x128xf32>
    %reduce_sum3A_23 = arith.constant dense<0.000000e+00> : vector<128xf32>
    %reduce_sum3A_24 = vector.multi_reduction <add>, %add3A_22, %reduce_sum3A_23 [0] : vector<128x128xf32> to vector<128xf32>
    %broadcast_in_dim3A_25 = vector.shape_cast %reduce_sum3A_24 : vector<128xf32> to vector<1x128xf32>
    %add3A_26 = arith.addf %add3A_12, %broadcast_in_dim3A_25 : vector<1x128xf32>
    %mul3A_27 = arith.mulf %add3A_22, %add3A_22 : vector<128x128xf32>
    %reduce_sum3A_28 = arith.constant dense<0.000000e+00> : vector<128xf32>
    %reduce_sum3A_29 = vector.multi_reduction <add>, %mul3A_27, %reduce_sum3A_28 [0] : vector<128x128xf32> to vector<128xf32>
    %broadcast_in_dim3A_30 = vector.shape_cast %reduce_sum3A_29 : vector<128xf32> to vector<1x128xf32>
    %add3A_31 = arith.addf %add3A_16, %broadcast_in_dim3A_30 : vector<1x128xf32>
    %get3A_32 = arith.constant 2 : index
    %get3A_33 = arith.constant 0 : index
    %get3A_34 = arith.constant 0 : index
    %get3A_35 = vector.load %arg2[%get3A_32, %get3A_33, %get3A_34] : memref<20x128x128xf32, #tpu.memory_space<vmem>>, vector<1x128x128xf32>
    %get3A_36 = vector.shape_cast %get3A_35 : vector<1x128x128xf32> to vector<128x128xf32>
    %add3A_37 = arith.addf %get3A_1, %get3A_36 : vector<128x128xf32>
    %reduce_sum3A_38 = arith.constant dense<0.000000e+00> : vector<128xf32>
    %reduce_sum3A_39 = vector.multi_reduction <add>, %add3A_37, %reduce_sum3A_38 [0] : vector<128x128xf32> to vector<128xf32>
    %broadcast_in_dim3A_40 = vector.shape_cast %reduce_sum3A_39 : vector<128xf32> to vector<1x128xf32>
    %add3A_41 = arith.addf %add3A_26, %broadcast_in_dim3A_40 : vector<1x128xf32>
    %mul3A_42 = arith.mulf %add3A_37, %add3A_37 : vector<128x128xf32>
    %reduce_sum3A_43 = arith.constant dense<0.000000e+00> : vector<128xf32>
    %reduce_sum3A_44 = vector.multi_reduction <add>, %mul3A_42, %reduce_sum3A_43 [0] : vector<128x128xf32> to vector<128xf32>
    %broadcast_in_dim3A_45 = vector.shape_cast %reduce_sum3A_44 : vector<128xf32> to vector<1x128xf32>
    %add3A_46 = arith.addf %add3A_31, %broadcast_in_dim3A_45 : vector<1x128xf32>
    %get3A_47 = arith.constant 3 : index
    %get3A_48 = arith.constant 0 : index
    %get3A_49 = arith.constant 0 : index
    %get3A_50 = vector.load %arg2[%get3A_47, %get3A_48, %get3A_49] : memref<20x128x128xf32, #tpu.memory_space<vmem>>, vector<1x128x128xf32>
    %get3A_51 = vector.shape_cast %get3A_50 : vector<1x128x128xf32> to vector<128x128xf32>
    %add3A_52 = arith.addf %get3A_1, %get3A_51 : vector<128x128xf32>
    %reduce_sum3A_53 = arith.constant dense<0.000000e+00> : vector<128xf32>
    %reduce_sum3A_54 = vector.multi_reduction <add>, %add3A_52, %reduce_sum3A_53 [0] : vector<128x128xf32> to vector<128xf32>
    %broadcast_in_dim3A_55 = vector.shape_cast %reduce_sum3A_54 : vector<128xf32> to vector<1x128xf32>
    %add3A_56 = arith.addf %add3A_41, %broadcast_in_dim3A_55 : vector<1x128xf32>
    %mul3A_57 = arith.mulf %add3A_52, %add3A_52 : vector<128x128xf32>
    %reduce_sum3A_58 = arith.constant dense<0.000000e+00> : vector<128xf32>
    %reduce_sum3A_59 = vector.multi_reduction <add>, %mul3A_57, %reduce_sum3A_58 [0] : vector<128x128xf32> to vector<128xf32>
    %broadcast_in_dim3A_60 = vector.shape_cast %reduce_sum3A_59 : vector<128xf32> to vector<1x128xf32>
    %add3A_61 = arith.addf %add3A_46, %broadcast_in_dim3A_60 : vector<1x128xf32>
    %get3A_62 = arith.constant 4 : index
    %get3A_63 = arith.constant 0 : index
    %get3A_64 = arith.constant 0 : index
    %get3A_65 = vector.load %arg2[%get3A_62, %get3A_63, %get3A_64] : memref<20x128x128xf32, #tpu.memory_space<vmem>>, vector<1x128x128xf32>
    %get3A_66 = vector.shape_cast %get3A_65 : vector<1x128x128xf32> to vector<128x128xf32>
    %add3A_67 = arith.addf %get3A_1, %get3A_66 : vector<128x128xf32>
    %reduce_sum3A_68 = arith.constant dense<0.000000e+00> : vector<128xf32>
    %reduce_sum3A_69 = vector.multi_reduction <add>, %add3A_67, %reduce_sum3A_68 [0] : vector<128x128xf32> to vector<128xf32>
    %broadcast_in_dim3A_70 = vector.shape_cast %reduce_sum3A_69 : vector<128xf32> to vector<1x128xf32>
    %add3A_71 = arith.addf %add3A_56, %broadcast_in_dim3A_70 : vector<1x128xf32>
    %mul3A_72 = arith.mulf %add3A_67, %add3A_67 : vector<128x128xf32>
    %reduce_sum3A_73 = arith.constant dense<0.000000e+00> : vector<128xf32>
    %reduce_sum3A_74 = vector.multi_reduction <add>, %mul3A_72, %reduce_sum3A_73 [0] : vector<128x128xf32> to vector<128xf32>
    %broadcast_in_dim3A_75 = vector.shape_cast %reduce_sum3A_74 : vector<128xf32> to vector<1x128xf32>
    %add3A_76 = arith.addf %add3A_61, %broadcast_in_dim3A_75 : vector<1x128xf32>
    %get3A_77 = arith.constant 5 : index
    %get3A_78 = arith.constant 0 : index
    %get3A_79 = arith.constant 0 : index
    %get3A_80 = vector.load %arg2[%get3A_77, %get3A_78, %get3A_79] : memref<20x128x128xf32, #tpu.memory_space<vmem>>, vector<1x128x128xf32>
    %get3A_81 = vector.shape_cast %get3A_80 : vector<1x128x128xf32> to vector<128x128xf32>
    %add3A_82 = arith.addf %get3A_1, %get3A_81 : vector<128x128xf32>
    %reduce_sum3A_83 = arith.constant dense<0.000000e+00> : vector<128xf32>
    %reduce_sum3A_84 = vector.multi_reduction <add>, %add3A_82, %reduce_sum3A_83 [0] : vector<128x128xf32> to vector<128xf32>
    %broadcast_in_dim3A_85 = vector.shape_cast %reduce_sum3A_84 : vector<128xf32> to vector<1x128xf32>
    %add3A_86 = arith.addf %add3A_71, %broadcast_in_dim3A_85 : vector<1x128xf32>
    %mul3A_87 = arith.mulf %add3A_82, %add3A_82 : vector<128x128xf32>
    %reduce_sum3A_88 = arith.constant dense<0.000000e+00> : vector<128xf32>
    %reduce_sum3A_89 = vector.multi_reduction <add>, %mul3A_87, %reduce_sum3A_88 [0] : vector<128x128xf32> to vector<128xf32>
    %broadcast_in_dim3A_90 = vector.shape_cast %reduce_sum3A_89 : vector<128xf32> to vector<1x128xf32>
    %add3A_91 = arith.addf %add3A_76, %broadcast_in_dim3A_90 : vector<1x128xf32>
    %get3A_92 = arith.constant 6 : index
    %get3A_93 = arith.constant 0 : index
    %get3A_94 = arith.constant 0 : index
    %get3A_95 = vector.load %arg2[%get3A_92, %get3A_93, %get3A_94] : memref<20x128x128xf32, #tpu.memory_space<vmem>>, vector<1x128x128xf32>
    %get3A_96 = vector.shape_cast %get3A_95 : vector<1x128x128xf32> to vector<128x128xf32>
    %add3A_97 = arith.addf %get3A_1, %get3A_96 : vector<128x128xf32>
    %reduce_sum3A_98 = arith.constant dense<0.000000e+00> : vector<128xf32>
    %reduce_sum3A_99 = vector.multi_reduction <add>, %add3A_97, %reduce_sum3A_98 [0] : vector<128x128xf32> to vector<128xf32>
    %broadcast_in_dim3A_100 = vector.shape_cast %reduce_sum3A_99 : vector<128xf32> to vector<1x128xf32>
    %add3A_101 = arith.addf %add3A_86, %broadcast_in_dim3A_100 : vector<1x128xf32>
    %mul3A_102 = arith.mulf %add3A_97, %add3A_97 : vector<128x128xf32>
    %reduce_sum3A_103 = arith.constant dense<0.000000e+00> : vector<128xf32>
    %reduce_sum3A_104 = vector.multi_reduction <add>, %mul3A_102, %reduce_sum3A_103 [0] : vector<128x128xf32> to vector<128xf32>
    %broadcast_in_dim3A_105 = vector.shape_cast %reduce_sum3A_104 : vector<128xf32> to vector<1x128xf32>
    %add3A_106 = arith.addf %add3A_91, %broadcast_in_dim3A_105 : vector<1x128xf32>
    %get3A_107 = arith.constant 7 : index
    %get3A_108 = arith.constant 0 : index
    %get3A_109 = arith.constant 0 : index
    %get3A_110 = vector.load %arg2[%get3A_107, %get3A_108, %get3A_109] : memref<20x128x128xf32, #tpu.memory_space<vmem>>, vector<1x128x128xf32>
    %get3A_111 = vector.shape_cast %get3A_110 : vector<1x128x128xf32> to vector<128x128xf32>
    %add3A_112 = arith.addf %get3A_1, %get3A_111 : vector<128x128xf32>
    %reduce_sum3A_113 = arith.constant dense<0.000000e+00> : vector<128xf32>
    %reduce_sum3A_114 = vector.multi_reduction <add>, %add3A_112, %reduce_sum3A_113 [0] : vector<128x128xf32> to vector<128xf32>
    %broadcast_in_dim3A_115 = vector.shape_cast %reduce_sum3A_114 : vector<128xf32> to vector<1x128xf32>
    %add3A_116 = arith.addf %add3A_101, %broadcast_in_dim3A_115 : vector<1x128xf32>
    %mul3A_117 = arith.mulf %add3A_112, %add3A_112 : vector<128x128xf32>
    %reduce_sum3A_118 = arith.constant dense<0.000000e+00> : vector<128xf32>
    %reduce_sum3A_119 = vector.multi_reduction <add>, %mul3A_117, %reduce_sum3A_118 [0] : vector<128x128xf32> to vector<128xf32>
    %broadcast_in_dim3A_120 = vector.shape_cast %reduce_sum3A_119 : vector<128xf32> to vector<1x128xf32>
    %add3A_121 = arith.addf %add3A_106, %broadcast_in_dim3A_120 : vector<1x128xf32>
    %get3A_122 = arith.constant 8 : index
    %get3A_123 = arith.constant 0 : index
    %get3A_124 = arith.constant 0 : index
    %get3A_125 = vector.load %arg2[%get3A_122, %get3A_123, %get3A_124] : memref<20x128x128xf32, #tpu.memory_space<vmem>>, vector<1x128x128xf32>
    %get3A_126 = vector.shape_cast %get3A_125 : vector<1x128x128xf32> to vector<128x128xf32>
    %add3A_127 = arith.addf %get3A_1, %get3A_126 : vector<128x128xf32>
    %reduce_sum3A_128 = arith.constant dense<0.000000e+00> : vector<128xf32>
    %reduce_sum3A_129 = vector.multi_reduction <add>, %add3A_127, %reduce_sum3A_128 [0] : vector<128x128xf32> to vector<128xf32>
    %broadcast_in_dim3A_130 = vector.shape_cast %reduce_sum3A_129 : vector<128xf32> to vector<1x128xf32>
    %add3A_131 = arith.addf %add3A_116, %broadcast_in_dim3A_130 : vector<1x128xf32>
    %mul3A_132 = arith.mulf %add3A_127, %add3A_127 : vector<128x128xf32>
    %reduce_sum3A_133 = arith.constant dense<0.000000e+00> : vector<128xf32>
    %reduce_sum3A_134 = vector.multi_reduction <add>, %mul3A_132, %reduce_sum3A_133 [0] : vector<128x128xf32> to vector<128xf32>
    %broadcast_in_dim3A_135 = vector.shape_cast %reduce_sum3A_134 : vector<128xf32> to vector<1x128xf32>
    %add3A_136 = arith.addf %add3A_121, %broadcast_in_dim3A_135 : vector<1x128xf32>
    %get3A_137 = arith.constant 9 : index
    %get3A_138 = arith.constant 0 : index
    %get3A_139 = arith.constant 0 : index
    %get3A_140 = vector.load %arg2[%get3A_137, %get3A_138, %get3A_139] : memref<20x128x128xf32, #tpu.memory_space<vmem>>, vector<1x128x128xf32>
    %get3A_141 = vector.shape_cast %get3A_140 : vector<1x128x128xf32> to vector<128x128xf32>
    %add3A_142 = arith.addf %get3A_1, %get3A_141 : vector<128x128xf32>
    %reduce_sum3A_143 = arith.constant dense<0.000000e+00> : vector<128xf32>
    %reduce_sum3A_144 = vector.multi_reduction <add>, %add3A_142, %reduce_sum3A_143 [0] : vector<128x128xf32> to vector<128xf32>
    %broadcast_in_dim3A_145 = vector.shape_cast %reduce_sum3A_144 : vector<128xf32> to vector<1x128xf32>
    %add3A_146 = arith.addf %add3A_131, %broadcast_in_dim3A_145 : vector<1x128xf32>
    %mul3A_147 = arith.mulf %add3A_142, %add3A_142 : vector<128x128xf32>
    %reduce_sum3A_148 = arith.constant dense<0.000000e+00> : vector<128xf32>
    %reduce_sum3A_149 = vector.multi_reduction <add>, %mul3A_147, %reduce_sum3A_148 [0] : vector<128x128xf32> to vector<128xf32>
    %broadcast_in_dim3A_150 = vector.shape_cast %reduce_sum3A_149 : vector<128xf32> to vector<1x128xf32>
    %add3A_151 = arith.addf %add3A_136, %broadcast_in_dim3A_150 : vector<1x128xf32>
    %get3A_152 = arith.constant 10 : index
    %get3A_153 = arith.constant 0 : index
    %get3A_154 = arith.constant 0 : index
    %get3A_155 = vector.load %arg2[%get3A_152, %get3A_153, %get3A_154] : memref<20x128x128xf32, #tpu.memory_space<vmem>>, vector<1x128x128xf32>
    %get3A_156 = vector.shape_cast %get3A_155 : vector<1x128x128xf32> to vector<128x128xf32>
    %add3A_157 = arith.addf %get3A_1, %get3A_156 : vector<128x128xf32>
    %reduce_sum3A_158 = arith.constant dense<0.000000e+00> : vector<128xf32>
    %reduce_sum3A_159 = vector.multi_reduction <add>, %add3A_157, %reduce_sum3A_158 [0] : vector<128x128xf32> to vector<128xf32>
    %broadcast_in_dim3A_160 = vector.shape_cast %reduce_sum3A_159 : vector<128xf32> to vector<1x128xf32>
    %add3A_161 = arith.addf %add3A_146, %broadcast_in_dim3A_160 : vector<1x128xf32>
    %mul3A_162 = arith.mulf %add3A_157, %add3A_157 : vector<128x128xf32>
    %reduce_sum3A_163 = arith.constant dense<0.000000e+00> : vector<128xf32>
    %reduce_sum3A_164 = vector.multi_reduction <add>, %mul3A_162, %reduce_sum3A_163 [0] : vector<128x128xf32> to vector<128xf32>
    %broadcast_in_dim3A_165 = vector.shape_cast %reduce_sum3A_164 : vector<128xf32> to vector<1x128xf32>
    %add3A_166 = arith.addf %add3A_151, %broadcast_in_dim3A_165 : vector<1x128xf32>
    %get3A_167 = arith.constant 11 : index
    %get3A_168 = arith.constant 0 : index
    %get3A_169 = arith.constant 0 : index
    %get3A_170 = vector.load %arg2[%get3A_167, %get3A_168, %get3A_169] : memref<20x128x128xf32, #tpu.memory_space<vmem>>, vector<1x128x128xf32>
    %get3A_171 = vector.shape_cast %get3A_170 : vector<1x128x128xf32> to vector<128x128xf32>
    %add3A_172 = arith.addf %get3A_1, %get3A_171 : vector<128x128xf32>
    %reduce_sum3A_173 = arith.constant dense<0.000000e+00> : vector<128xf32>
    %reduce_sum3A_174 = vector.multi_reduction <add>, %add3A_172, %reduce_sum3A_173 [0] : vector<128x128xf32> to vector<128xf32>
    %broadcast_in_dim3A_175 = vector.shape_cast %reduce_sum3A_174 : vector<128xf32> to vector<1x128xf32>
    %add3A_176 = arith.addf %add3A_161, %broadcast_in_dim3A_175 : vector<1x128xf32>
    %mul3A_177 = arith.mulf %add3A_172, %add3A_172 : vector<128x128xf32>
    %reduce_sum3A_178 = arith.constant dense<0.000000e+00> : vector<128xf32>
    %reduce_sum3A_179 = vector.multi_reduction <add>, %mul3A_177, %reduce_sum3A_178 [0] : vector<128x128xf32> to vector<128xf32>
    %broadcast_in_dim3A_180 = vector.shape_cast %reduce_sum3A_179 : vector<128xf32> to vector<1x128xf32>
    %add3A_181 = arith.addf %add3A_166, %broadcast_in_dim3A_180 : vector<1x128xf32>
    %get3A_182 = arith.constant 12 : index
    %get3A_183 = arith.constant 0 : index
    %get3A_184 = arith.constant 0 : index
    %get3A_185 = vector.load %arg2[%get3A_182, %get3A_183, %get3A_184] : memref<20x128x128xf32, #tpu.memory_space<vmem>>, vector<1x128x128xf32>
    %get3A_186 = vector.shape_cast %get3A_185 : vector<1x128x128xf32> to vector<128x128xf32>
    %add3A_187 = arith.addf %get3A_1, %get3A_186 : vector<128x128xf32>
    %reduce_sum3A_188 = arith.constant dense<0.000000e+00> : vector<128xf32>
    %reduce_sum3A_189 = vector.multi_reduction <add>, %add3A_187, %reduce_sum3A_188 [0] : vector<128x128xf32> to vector<128xf32>
    %broadcast_in_dim3A_190 = vector.shape_cast %reduce_sum3A_189 : vector<128xf32> to vector<1x128xf32>
    %add3A_191 = arith.addf %add3A_176, %broadcast_in_dim3A_190 : vector<1x128xf32>
    %mul3A_192 = arith.mulf %add3A_187, %add3A_187 : vector<128x128xf32>
    %reduce_sum3A_193 = arith.constant dense<0.000000e+00> : vector<128xf32>
    %reduce_sum3A_194 = vector.multi_reduction <add>, %mul3A_192, %reduce_sum3A_193 [0] : vector<128x128xf32> to vector<128xf32>
    %broadcast_in_dim3A_195 = vector.shape_cast %reduce_sum3A_194 : vector<128xf32> to vector<1x128xf32>
    %add3A_196 = arith.addf %add3A_181, %broadcast_in_dim3A_195 : vector<1x128xf32>
    %get3A_197 = arith.constant 13 : index
    %get3A_198 = arith.constant 0 : index
    %get3A_199 = arith.constant 0 : index
    %get3A_200 = vector.load %arg2[%get3A_197, %get3A_198, %get3A_199] : memref<20x128x128xf32, #tpu.memory_space<vmem>>, vector<1x128x128xf32>
    %get3A_201 = vector.shape_cast %get3A_200 : vector<1x128x128xf32> to vector<128x128xf32>
    %add3A_202 = arith.addf %get3A_1, %get3A_201 : vector<128x128xf32>
    %reduce_sum3A_203 = arith.constant dense<0.000000e+00> : vector<128xf32>
    %reduce_sum3A_204 = vector.multi_reduction <add>, %add3A_202, %reduce_sum3A_203 [0] : vector<128x128xf32> to vector<128xf32>
    %broadcast_in_dim3A_205 = vector.shape_cast %reduce_sum3A_204 : vector<128xf32> to vector<1x128xf32>
    %add3A_206 = arith.addf %add3A_191, %broadcast_in_dim3A_205 : vector<1x128xf32>
    %mul3A_207 = arith.mulf %add3A_202, %add3A_202 : vector<128x128xf32>
    %reduce_sum3A_208 = arith.constant dense<0.000000e+00> : vector<128xf32>
    %reduce_sum3A_209 = vector.multi_reduction <add>, %mul3A_207, %reduce_sum3A_208 [0] : vector<128x128xf32> to vector<128xf32>
    %broadcast_in_dim3A_210 = vector.shape_cast %reduce_sum3A_209 : vector<128xf32> to vector<1x128xf32>
    %add3A_211 = arith.addf %add3A_196, %broadcast_in_dim3A_210 : vector<1x128xf32>
    %get3A_212 = arith.constant 14 : index
    %get3A_213 = arith.constant 0 : index
    %get3A_214 = arith.constant 0 : index
    %get3A_215 = vector.load %arg2[%get3A_212, %get3A_213, %get3A_214] : memref<20x128x128xf32, #tpu.memory_space<vmem>>, vector<1x128x128xf32>
    %get3A_216 = vector.shape_cast %get3A_215 : vector<1x128x128xf32> to vector<128x128xf32>
    %add3A_217 = arith.addf %get3A_1, %get3A_216 : vector<128x128xf32>
    %reduce_sum3A_218 = arith.constant dense<0.000000e+00> : vector<128xf32>
    %reduce_sum3A_219 = vector.multi_reduction <add>, %add3A_217, %reduce_sum3A_218 [0] : vector<128x128xf32> to vector<128xf32>
    %broadcast_in_dim3A_220 = vector.shape_cast %reduce_sum3A_219 : vector<128xf32> to vector<1x128xf32>
    %add3A_221 = arith.addf %add3A_206, %broadcast_in_dim3A_220 : vector<1x128xf32>
    %mul3A_222 = arith.mulf %add3A_217, %add3A_217 : vector<128x128xf32>
    %reduce_sum3A_223 = arith.constant dense<0.000000e+00> : vector<128xf32>
    %reduce_sum3A_224 = vector.multi_reduction <add>, %mul3A_222, %reduce_sum3A_223 [0] : vector<128x128xf32> to vector<128xf32>
    %broadcast_in_dim3A_225 = vector.shape_cast %reduce_sum3A_224 : vector<128xf32> to vector<1x128xf32>
    %add3A_226 = arith.addf %add3A_211, %broadcast_in_dim3A_225 : vector<1x128xf32>
    %get3A_227 = arith.constant 15 : index
    %get3A_228 = arith.constant 0 : index
    %get3A_229 = arith.constant 0 : index
    %get3A_230 = vector.load %arg2[%get3A_227, %get3A_228, %get3A_229] : memref<20x128x128xf32, #tpu.memory_space<vmem>>, vector<1x128x128xf32>
    %get3A_231 = vector.shape_cast %get3A_230 : vector<1x128x128xf32> to vector<128x128xf32>
    %add3A_232 = arith.addf %get3A_1, %get3A_231 : vector<128x128xf32>
    %reduce_sum3A_233 = arith.constant dense<0.000000e+00> : vector<128xf32>
    %reduce_sum3A_234 = vector.multi_reduction <add>, %add3A_232, %reduce_sum3A_233 [0] : vector<128x128xf32> to vector<128xf32>
    %broadcast_in_dim3A_235 = vector.shape_cast %reduce_sum3A_234 : vector<128xf32> to vector<1x128xf32>
    %add3A_236 = arith.addf %add3A_221, %broadcast_in_dim3A_235 : vector<1x128xf32>
    %mul3A_237 = arith.mulf %add3A_232, %add3A_232 : vector<128x128xf32>
    %reduce_sum3A_238 = arith.constant dense<0.000000e+00> : vector<128xf32>
    %reduce_sum3A_239 = vector.multi_reduction <add>, %mul3A_237, %reduce_sum3A_238 [0] : vector<128x128xf32> to vector<128xf32>
    %broadcast_in_dim3A_240 = vector.shape_cast %reduce_sum3A_239 : vector<128xf32> to vector<1x128xf32>
    %add3A_241 = arith.addf %add3A_226, %broadcast_in_dim3A_240 : vector<1x128xf32>
    %get3A_242 = arith.constant 16 : index
    %get3A_243 = arith.constant 0 : index
    %get3A_244 = arith.constant 0 : index
    %get3A_245 = vector.load %arg2[%get3A_242, %get3A_243, %get3A_244] : memref<20x128x128xf32, #tpu.memory_space<vmem>>, vector<1x128x128xf32>
    %get3A_246 = vector.shape_cast %get3A_245 : vector<1x128x128xf32> to vector<128x128xf32>
    %add3A_247 = arith.addf %get3A_1, %get3A_246 : vector<128x128xf32>
    %reduce_sum3A_248 = arith.constant dense<0.000000e+00> : vector<128xf32>
    %reduce_sum3A_249 = vector.multi_reduction <add>, %add3A_247, %reduce_sum3A_248 [0] : vector<128x128xf32> to vector<128xf32>
    %broadcast_in_dim3A_250 = vector.shape_cast %reduce_sum3A_249 : vector<128xf32> to vector<1x128xf32>
    %add3A_251 = arith.addf %add3A_236, %broadcast_in_dim3A_250 : vector<1x128xf32>
    %mul3A_252 = arith.mulf %add3A_247, %add3A_247 : vector<128x128xf32>
    %reduce_sum3A_253 = arith.constant dense<0.000000e+00> : vector<128xf32>
    %reduce_sum3A_254 = vector.multi_reduction <add>, %mul3A_252, %reduce_sum3A_253 [0] : vector<128x128xf32> to vector<128xf32>
    %broadcast_in_dim3A_255 = vector.shape_cast %reduce_sum3A_254 : vector<128xf32> to vector<1x128xf32>
    %add3A_256 = arith.addf %add3A_241, %broadcast_in_dim3A_255 : vector<1x128xf32>
    %get3A_257 = arith.constant 17 : index
    %get3A_258 = arith.constant 0 : index
    %get3A_259 = arith.constant 0 : index
    %get3A_260 = vector.load %arg2[%get3A_257, %get3A_258, %get3A_259] : memref<20x128x128xf32, #tpu.memory_space<vmem>>, vector<1x128x128xf32>
    %get3A_261 = vector.shape_cast %get3A_260 : vector<1x128x128xf32> to vector<128x128xf32>
    %add3A_262 = arith.addf %get3A_1, %get3A_261 : vector<128x128xf32>
    %reduce_sum3A_263 = arith.constant dense<0.000000e+00> : vector<128xf32>
    %reduce_sum3A_264 = vector.multi_reduction <add>, %add3A_262, %reduce_sum3A_263 [0] : vector<128x128xf32> to vector<128xf32>
    %broadcast_in_dim3A_265 = vector.shape_cast %reduce_sum3A_264 : vector<128xf32> to vector<1x128xf32>
    %add3A_266 = arith.addf %add3A_251, %broadcast_in_dim3A_265 : vector<1x128xf32>
    %mul3A_267 = arith.mulf %add3A_262, %add3A_262 : vector<128x128xf32>
    %reduce_sum3A_268 = arith.constant dense<0.000000e+00> : vector<128xf32>
    %reduce_sum3A_269 = vector.multi_reduction <add>, %mul3A_267, %reduce_sum3A_268 [0] : vector<128x128xf32> to vector<128xf32>
    %broadcast_in_dim3A_270 = vector.shape_cast %reduce_sum3A_269 : vector<128xf32> to vector<1x128xf32>
    %add3A_271 = arith.addf %add3A_256, %broadcast_in_dim3A_270 : vector<1x128xf32>
    %get3A_272 = arith.constant 18 : index
    %get3A_273 = arith.constant 0 : index
    %get3A_274 = arith.constant 0 : index
    %get3A_275 = vector.load %arg2[%get3A_272, %get3A_273, %get3A_274] : memref<20x128x128xf32, #tpu.memory_space<vmem>>, vector<1x128x128xf32>
    %get3A_276 = vector.shape_cast %get3A_275 : vector<1x128x128xf32> to vector<128x128xf32>
    %add3A_277 = arith.addf %get3A_1, %get3A_276 : vector<128x128xf32>
    %reduce_sum3A_278 = arith.constant dense<0.000000e+00> : vector<128xf32>
    %reduce_sum3A_279 = vector.multi_reduction <add>, %add3A_277, %reduce_sum3A_278 [0] : vector<128x128xf32> to vector<128xf32>
    %broadcast_in_dim3A_280 = vector.shape_cast %reduce_sum3A_279 : vector<128xf32> to vector<1x128xf32>
    %add3A_281 = arith.addf %add3A_266, %broadcast_in_dim3A_280 : vector<1x128xf32>
    %mul3A_282 = arith.mulf %add3A_277, %add3A_277 : vector<128x128xf32>
    %reduce_sum3A_283 = arith.constant dense<0.000000e+00> : vector<128xf32>
    %reduce_sum3A_284 = vector.multi_reduction <add>, %mul3A_282, %reduce_sum3A_283 [0] : vector<128x128xf32> to vector<128xf32>
    %broadcast_in_dim3A_285 = vector.shape_cast %reduce_sum3A_284 : vector<128xf32> to vector<1x128xf32>
    %add3A_286 = arith.addf %add3A_271, %broadcast_in_dim3A_285 : vector<1x128xf32>
    %get3A_287 = arith.constant 19 : index
    %get3A_288 = arith.constant 0 : index
    %get3A_289 = arith.constant 0 : index
    %get3A_290 = vector.load %arg2[%get3A_287, %get3A_288, %get3A_289] : memref<20x128x128xf32, #tpu.memory_space<vmem>>, vector<1x128x128xf32>
    %get3A_291 = vector.shape_cast %get3A_290 : vector<1x128x128xf32> to vector<128x128xf32>
    %add3A_292 = arith.addf %get3A_1, %get3A_291 : vector<128x128xf32>
    %reduce_sum3A_293 = arith.constant dense<0.000000e+00> : vector<128xf32>
    %reduce_sum3A_294 = vector.multi_reduction <add>, %add3A_292, %reduce_sum3A_293 [0] : vector<128x128xf32> to vector<128xf32>
    %broadcast_in_dim3A_295 = vector.shape_cast %reduce_sum3A_294 : vector<128xf32> to vector<1x128xf32>
    %add3A_296 = arith.addf %add3A_281, %broadcast_in_dim3A_295 : vector<1x128xf32>
    %mul3A_297 = arith.mulf %add3A_292, %add3A_292 : vector<128x128xf32>
    %reduce_sum3A_298 = arith.constant dense<0.000000e+00> : vector<128xf32>
    %reduce_sum3A_299 = vector.multi_reduction <add>, %mul3A_297, %reduce_sum3A_298 [0] : vector<128x128xf32> to vector<128xf32>
    %broadcast_in_dim3A_300 = vector.shape_cast %reduce_sum3A_299 : vector<128xf32> to vector<1x128xf32>
    %add3A_301 = arith.addf %add3A_286, %broadcast_in_dim3A_300 : vector<1x128xf32>
    %broadcast_in_dim3A_302 = arith.constant 0.000000e+00 : f32
    %broadcast_in_dim3A_303 = vector.broadcast %broadcast_in_dim3A_302 : f32 to vector<6x128xf32>
    %concatenate3A = tpu.concatenate %add3A_296, %add3A_301, %broadcast_in_dim3A_303 in 0 : vector<1x128xf32>, vector<1x128xf32>, vector<6x128xf32> -> vector<8x128xf32>
    %eq3A = arith.constant 0 : i32
    %eq3A_304 = arith.cmpi eq, %arg0, %eq3A : i32
    %convert_element_type3A = arith.extui %eq3A_304 : i1 to i32
    %cond3A = arith.constant 0 : i32
    %cond3A_305 = arith.cmpi ne, %convert_element_type3A, %cond3A : i32
    scf.if %cond3A_305 {
      %broadcast_in_dim3A_312 = arith.constant 0.000000e+00 : f32
      %broadcast_in_dim3A_313 = vector.broadcast %broadcast_in_dim3A_312 : f32 to vector<8x128xf32>
      %swap3A_314 = arith.constant 0 : index
      %swap3A_315 = arith.constant 0 : index
      %swap3A_316 = vector.load %arg3[%swap3A_314, %swap3A_315] : memref<8x128xf32, #tpu.memory_space<vmem>>, vector<8x128xf32>
      tpu.vector_store %arg3[%swap3A_314, %swap3A_315], %broadcast_in_dim3A_313 {strides = array<i32>} : memref<8x128xf32, #tpu.memory_space<vmem>>, vector<8x128xf32>,
    } else {
    }
    %get3A_306 = arith.constant 0 : index
    %get3A_307 = arith.constant 0 : index
    %get3A_308 = vector.load %arg3[%get3A_306, %get3A_307] : memref<8x128xf32, #tpu.memory_space<vmem>>, vector<8x128xf32>
    %add3A_309 = arith.addf %get3A_308, %concatenate3A : vector<8x128xf32>
    %swap3A = arith.constant 0 : index
    %swap3A_310 = arith.constant 0 : index
    %swap3A_311 = vector.load %arg3[%swap3A, %swap3A_310] : memref<8x128xf32, #tpu.memory_space<vmem>>, vector<8x128xf32>
    tpu.vector_store %arg3[%swap3A, %swap3A_310], %add3A_309 {strides = array<i32>} : memref<8x128xf32, #tpu.memory_space<vmem>>, vector<8x128xf32>,
    return
  }
  func.func @transform_0(%arg0: i32) -> (i32, i32) {
    %c0_i32 = arith.constant 0 : i32
    %c0_i32_0 = arith.constant 0 : i32
    return %arg0, %c0_i32 : i32, i32
  }
  func.func @transform_1(%arg0: i32) -> (i32, i32, i32) {
    %c0_i32 = arith.constant 0 : i32
    %c0_i32_0 = arith.constant 0 : i32
    %c0_i32_1 = arith.constant 0 : i32
    return %c0_i32, %arg0, %c0_i32_0 : i32, i32, i32
  }
  func.func @transform_2(%arg0: i32) -> (i32, i32) {
    %c0_i32 = arith.constant 0 : i32
    %c0_i32_0 = arith.constant 0 : i32
    %c0_i32_1 = arith.constant 0 : i32
    return %c0_i32, %c0_i32_0 : i32, i32
  }
}

module attributes {stable_mosaic.version = 14 : i64} {
  func.func @_c1fin_body(%arg0: i32, %arg1: memref<128x128xf32, #tpu.memory_space<vmem>>, %arg2: memref<20x128x128xf32, #tpu.memory_space<vmem>>, %arg3: memref<8x128xf32, #tpu.memory_space<vmem>>, %arg4: memref<1x128xf32, #tpu.memory_space<vmem>>, %arg5: memref<1x128xf32, #tpu.memory_space<vmem>>, %arg6: memref<128x64xf32, #tpu.memory_space<vmem>>, %arg7: memref<1x64xf32, #tpu.memory_space<vmem>>, %arg8: memref<128x64xf32, #tpu.memory_space<vmem>>) attributes {dimension_semantics = [#tpu.dimension_semantics<arbitrary>], iteration_bounds = array<i64: 64>, scalar_prefetch = 0 : i64, scratch_operands = 0 : i64, tpu.core_type = #tpu.core_type<tc>, window_params = [{transform_indices = @transform_0, window_bounds = array<i64: 128, 128>}, {transform_indices = @transform_1, window_bounds = array<i64: 20, 128, 128>}, {pipeline_mode = #tpu.pipeline_mode<synchronous>, transform_indices = @transform_2, window_bounds = array<i64: 8, 128>}, {pipeline_mode = #tpu.pipeline_mode<synchronous>, transform_indices = @transform_3, window_bounds = array<i64: 1, 128>}, {pipeline_mode = #tpu.pipeline_mode<synchronous>, transform_indices = @transform_4, window_bounds = array<i64: 1, 128>}, {pipeline_mode = #tpu.pipeline_mode<synchronous>, transform_indices = @transform_5, window_bounds = array<i64: 128, 64>}, {pipeline_mode = #tpu.pipeline_mode<synchronous>, transform_indices = @transform_6, window_bounds = array<i64: 1, 64>}, {transform_indices = @transform_7, window_bounds = array<i64: 128, 64>}]} {
    %get3A = arith.constant 0 : index
    %get3A_0 = arith.constant 0 : index
    %get3A_1 = vector.load %arg3[%get3A, %get3A_0] : memref<8x128xf32, #tpu.memory_space<vmem>>, vector<1x128xf32>
    %get3A_2 = arith.constant 1 : index
    %get3A_3 = arith.constant 0 : index
    %get3A_4 = vector.load %arg3[%get3A_2, %get3A_3] : memref<8x128xf32, #tpu.memory_space<vmem>>, vector<1x128xf32>
    %div3A = arith.constant 1.638400e+05 : f32
    %div3A_5 = vector.broadcast %div3A : f32 to vector<1x128xf32>
    %div3A_6 = arith.divf %get3A_1, %div3A_5 : vector<1x128xf32>
    %div3A_7 = arith.constant 1.638400e+05 : f32
    %div3A_8 = vector.broadcast %div3A_7 : f32 to vector<1x128xf32>
    %div3A_9 = arith.divf %get3A_4, %div3A_8 : vector<1x128xf32>
    %mul3A = arith.mulf %div3A_6, %div3A_6 : vector<1x128xf32>
    %sub3A = arith.subf %div3A_9, %mul3A : vector<1x128xf32>
    %get3A_10 = arith.constant 0 : index
    %get3A_11 = arith.constant 0 : index
    %get3A_12 = vector.load %arg4[%get3A_10, %get3A_11] : memref<1x128xf32, #tpu.memory_space<vmem>>, vector<1x128xf32>
    %add3A = arith.constant 9.99999974E-6 : f32
    %add3A_13 = vector.broadcast %add3A : f32 to vector<1x128xf32>
    %add3A_14 = arith.addf %sub3A, %add3A_13 : vector<1x128xf32>
    %sqrt3A = math.sqrt %add3A_14 : vector<1x128xf32>
    %div3A_15 = arith.divf %get3A_12, %sqrt3A : vector<1x128xf32>
    %get3A_16 = arith.constant 0 : index
    %get3A_17 = arith.constant 0 : index
    %get3A_18 = vector.load %arg5[%get3A_16, %get3A_17] : memref<1x128xf32, #tpu.memory_space<vmem>>, vector<1x128xf32>
    %mul3A_19 = arith.mulf %div3A_6, %div3A_15 : vector<1x128xf32>
    %sub3A_20 = arith.subf %get3A_18, %mul3A_19 : vector<1x128xf32>
    %get3A_21 = arith.constant 0 : index
    %get3A_22 = arith.constant 0 : index
    %get3A_23 = vector.load %arg6[%get3A_21, %get3A_22] : memref<128x64xf32, #tpu.memory_space<vmem>>, vector<128x64xf32>
    %get3A_24 = arith.constant 0 : index
    %get3A_25 = arith.constant 0 : index
    %get3A_26 = vector.load %arg1[%get3A_24, %get3A_25] : memref<128x128xf32, #tpu.memory_space<vmem>>, vector<128x128xf32>
    %get3A_27 = arith.constant 0 : index
    %get3A_28 = arith.constant 0 : index
    %get3A_29 = arith.constant 0 : index
    %get3A_30 = vector.load %arg2[%get3A_27, %get3A_28, %get3A_29] : memref<20x128x128xf32, #tpu.memory_space<vmem>>, vector<1x128x128xf32>
    %get3A_31 = vector.shape_cast %get3A_30 : vector<1x128x128xf32> to vector<128x128xf32>
    %add3A_32 = arith.addf %get3A_26, %get3A_31 : vector<128x128xf32>
    %mul3A_33 = vector.broadcast %div3A_15 : vector<1x128xf32> to vector<128x128xf32>
    %mul3A_34 = arith.mulf %mul3A_33, %add3A_32 : vector<128x128xf32>
    %add3A_35 = vector.broadcast %sub3A_20 : vector<1x128xf32> to vector<128x128xf32>
    %add3A_36 = arith.addf %mul3A_34, %add3A_35 : vector<128x128xf32>
    %max3A = arith.constant 0.000000e+00 : f32
    %max3A_37 = vector.broadcast %max3A : f32 to vector<128x128xf32>
    %max3A_38 = arith.maximumf %add3A_36, %max3A_37 : vector<128x128xf32>
    %dot_general3A = arith.constant dense<0.000000e+00> : vector<128x64xf32>
    %dot_general3A_39 = tpu.matmul %max3A_38, %get3A_23, %dot_general3A {dimension_numbers = #tpu.dot_dimension_numbers<[1], [0], [0], [1], [0, 0, 1, 1], [], []>, precision = #tpu.contract_precision<fp32>, transpose_lhs_hint = false} : vector<128x128xf32>, vector<128x64xf32>, vector<128x64xf32> -> vector<128x64xf32>
    %get3A_40 = arith.constant 1 : index
    %get3A_41 = arith.constant 0 : index
    %get3A_42 = arith.constant 0 : index
    %get3A_43 = vector.load %arg2[%get3A_40, %get3A_41, %get3A_42] : memref<20x128x128xf32, #tpu.memory_space<vmem>>, vector<1x128x128xf32>
    %get3A_44 = vector.shape_cast %get3A_43 : vector<1x128x128xf32> to vector<128x128xf32>
    %add3A_45 = arith.addf %get3A_26, %get3A_44 : vector<128x128xf32>
    %mul3A_46 = vector.broadcast %div3A_15 : vector<1x128xf32> to vector<128x128xf32>
    %mul3A_47 = arith.mulf %mul3A_46, %add3A_45 : vector<128x128xf32>
    %add3A_48 = vector.broadcast %sub3A_20 : vector<1x128xf32> to vector<128x128xf32>
    %add3A_49 = arith.addf %mul3A_47, %add3A_48 : vector<128x128xf32>
    %max3A_50 = arith.constant 0.000000e+00 : f32
    %max3A_51 = vector.broadcast %max3A_50 : f32 to vector<128x128xf32>
    %max3A_52 = arith.maximumf %add3A_49, %max3A_51 : vector<128x128xf32>
    %dot_general3A_53 = arith.constant dense<0.000000e+00> : vector<128x64xf32>
    %dot_general3A_54 = tpu.matmul %max3A_52, %get3A_23, %dot_general3A_53 {dimension_numbers = #tpu.dot_dimension_numbers<[1], [0], [0], [1], [0, 0, 1, 1], [], []>, precision = #tpu.contract_precision<fp32>, transpose_lhs_hint = false} : vector<128x128xf32>, vector<128x64xf32>, vector<128x64xf32> -> vector<128x64xf32>
    %max3A_55 = arith.maximumf %dot_general3A_39, %dot_general3A_54 : vector<128x64xf32>
    %get3A_56 = arith.constant 2 : index
    %get3A_57 = arith.constant 0 : index
    %get3A_58 = arith.constant 0 : index
    %get3A_59 = vector.load %arg2[%get3A_56, %get3A_57, %get3A_58] : memref<20x128x128xf32, #tpu.memory_space<vmem>>, vector<1x128x128xf32>
    %get3A_60 = vector.shape_cast %get3A_59 : vector<1x128x128xf32> to vector<128x128xf32>
    %add3A_61 = arith.addf %get3A_26, %get3A_60 : vector<128x128xf32>
    %mul3A_62 = vector.broadcast %div3A_15 : vector<1x128xf32> to vector<128x128xf32>
    %mul3A_63 = arith.mulf %mul3A_62, %add3A_61 : vector<128x128xf32>
    %add3A_64 = vector.broadcast %sub3A_20 : vector<1x128xf32> to vector<128x128xf32>
    %add3A_65 = arith.addf %mul3A_63, %add3A_64 : vector<128x128xf32>
    %max3A_66 = arith.constant 0.000000e+00 : f32
    %max3A_67 = vector.broadcast %max3A_66 : f32 to vector<128x128xf32>
    %max3A_68 = arith.maximumf %add3A_65, %max3A_67 : vector<128x128xf32>
    %dot_general3A_69 = arith.constant dense<0.000000e+00> : vector<128x64xf32>
    %dot_general3A_70 = tpu.matmul %max3A_68, %get3A_23, %dot_general3A_69 {dimension_numbers = #tpu.dot_dimension_numbers<[1], [0], [0], [1], [0, 0, 1, 1], [], []>, precision = #tpu.contract_precision<fp32>, transpose_lhs_hint = false} : vector<128x128xf32>, vector<128x64xf32>, vector<128x64xf32> -> vector<128x64xf32>
    %max3A_71 = arith.maximumf %max3A_55, %dot_general3A_70 : vector<128x64xf32>
    %get3A_72 = arith.constant 3 : index
    %get3A_73 = arith.constant 0 : index
    %get3A_74 = arith.constant 0 : index
    %get3A_75 = vector.load %arg2[%get3A_72, %get3A_73, %get3A_74] : memref<20x128x128xf32, #tpu.memory_space<vmem>>, vector<1x128x128xf32>
    %get3A_76 = vector.shape_cast %get3A_75 : vector<1x128x128xf32> to vector<128x128xf32>
    %add3A_77 = arith.addf %get3A_26, %get3A_76 : vector<128x128xf32>
    %mul3A_78 = vector.broadcast %div3A_15 : vector<1x128xf32> to vector<128x128xf32>
    %mul3A_79 = arith.mulf %mul3A_78, %add3A_77 : vector<128x128xf32>
    %add3A_80 = vector.broadcast %sub3A_20 : vector<1x128xf32> to vector<128x128xf32>
    %add3A_81 = arith.addf %mul3A_79, %add3A_80 : vector<128x128xf32>
    %max3A_82 = arith.constant 0.000000e+00 : f32
    %max3A_83 = vector.broadcast %max3A_82 : f32 to vector<128x128xf32>
    %max3A_84 = arith.maximumf %add3A_81, %max3A_83 : vector<128x128xf32>
    %dot_general3A_85 = arith.constant dense<0.000000e+00> : vector<128x64xf32>
    %dot_general3A_86 = tpu.matmul %max3A_84, %get3A_23, %dot_general3A_85 {dimension_numbers = #tpu.dot_dimension_numbers<[1], [0], [0], [1], [0, 0, 1, 1], [], []>, precision = #tpu.contract_precision<fp32>, transpose_lhs_hint = false} : vector<128x128xf32>, vector<128x64xf32>, vector<128x64xf32> -> vector<128x64xf32>
    %max3A_87 = arith.maximumf %max3A_71, %dot_general3A_86 : vector<128x64xf32>
    %get3A_88 = arith.constant 4 : index
    %get3A_89 = arith.constant 0 : index
    %get3A_90 = arith.constant 0 : index
    %get3A_91 = vector.load %arg2[%get3A_88, %get3A_89, %get3A_90] : memref<20x128x128xf32, #tpu.memory_space<vmem>>, vector<1x128x128xf32>
    %get3A_92 = vector.shape_cast %get3A_91 : vector<1x128x128xf32> to vector<128x128xf32>
    %add3A_93 = arith.addf %get3A_26, %get3A_92 : vector<128x128xf32>
    %mul3A_94 = vector.broadcast %div3A_15 : vector<1x128xf32> to vector<128x128xf32>
    %mul3A_95 = arith.mulf %mul3A_94, %add3A_93 : vector<128x128xf32>
    %add3A_96 = vector.broadcast %sub3A_20 : vector<1x128xf32> to vector<128x128xf32>
    %add3A_97 = arith.addf %mul3A_95, %add3A_96 : vector<128x128xf32>
    %max3A_98 = arith.constant 0.000000e+00 : f32
    %max3A_99 = vector.broadcast %max3A_98 : f32 to vector<128x128xf32>
    %max3A_100 = arith.maximumf %add3A_97, %max3A_99 : vector<128x128xf32>
    %dot_general3A_101 = arith.constant dense<0.000000e+00> : vector<128x64xf32>
    %dot_general3A_102 = tpu.matmul %max3A_100, %get3A_23, %dot_general3A_101 {dimension_numbers = #tpu.dot_dimension_numbers<[1], [0], [0], [1], [0, 0, 1, 1], [], []>, precision = #tpu.contract_precision<fp32>, transpose_lhs_hint = false} : vector<128x128xf32>, vector<128x64xf32>, vector<128x64xf32> -> vector<128x64xf32>
    %max3A_103 = arith.maximumf %max3A_87, %dot_general3A_102 : vector<128x64xf32>
    %get3A_104 = arith.constant 5 : index
    %get3A_105 = arith.constant 0 : index
    %get3A_106 = arith.constant 0 : index
    %get3A_107 = vector.load %arg2[%get3A_104, %get3A_105, %get3A_106] : memref<20x128x128xf32, #tpu.memory_space<vmem>>, vector<1x128x128xf32>
    %get3A_108 = vector.shape_cast %get3A_107 : vector<1x128x128xf32> to vector<128x128xf32>
    %add3A_109 = arith.addf %get3A_26, %get3A_108 : vector<128x128xf32>
    %mul3A_110 = vector.broadcast %div3A_15 : vector<1x128xf32> to vector<128x128xf32>
    %mul3A_111 = arith.mulf %mul3A_110, %add3A_109 : vector<128x128xf32>
    %add3A_112 = vector.broadcast %sub3A_20 : vector<1x128xf32> to vector<128x128xf32>
    %add3A_113 = arith.addf %mul3A_111, %add3A_112 : vector<128x128xf32>
    %max3A_114 = arith.constant 0.000000e+00 : f32
    %max3A_115 = vector.broadcast %max3A_114 : f32 to vector<128x128xf32>
    %max3A_116 = arith.maximumf %add3A_113, %max3A_115 : vector<128x128xf32>
    %dot_general3A_117 = arith.constant dense<0.000000e+00> : vector<128x64xf32>
    %dot_general3A_118 = tpu.matmul %max3A_116, %get3A_23, %dot_general3A_117 {dimension_numbers = #tpu.dot_dimension_numbers<[1], [0], [0], [1], [0, 0, 1, 1], [], []>, precision = #tpu.contract_precision<fp32>, transpose_lhs_hint = false} : vector<128x128xf32>, vector<128x64xf32>, vector<128x64xf32> -> vector<128x64xf32>
    %max3A_119 = arith.maximumf %max3A_103, %dot_general3A_118 : vector<128x64xf32>
    %get3A_120 = arith.constant 6 : index
    %get3A_121 = arith.constant 0 : index
    %get3A_122 = arith.constant 0 : index
    %get3A_123 = vector.load %arg2[%get3A_120, %get3A_121, %get3A_122] : memref<20x128x128xf32, #tpu.memory_space<vmem>>, vector<1x128x128xf32>
    %get3A_124 = vector.shape_cast %get3A_123 : vector<1x128x128xf32> to vector<128x128xf32>
    %add3A_125 = arith.addf %get3A_26, %get3A_124 : vector<128x128xf32>
    %mul3A_126 = vector.broadcast %div3A_15 : vector<1x128xf32> to vector<128x128xf32>
    %mul3A_127 = arith.mulf %mul3A_126, %add3A_125 : vector<128x128xf32>
    %add3A_128 = vector.broadcast %sub3A_20 : vector<1x128xf32> to vector<128x128xf32>
    %add3A_129 = arith.addf %mul3A_127, %add3A_128 : vector<128x128xf32>
    %max3A_130 = arith.constant 0.000000e+00 : f32
    %max3A_131 = vector.broadcast %max3A_130 : f32 to vector<128x128xf32>
    %max3A_132 = arith.maximumf %add3A_129, %max3A_131 : vector<128x128xf32>
    %dot_general3A_133 = arith.constant dense<0.000000e+00> : vector<128x64xf32>
    %dot_general3A_134 = tpu.matmul %max3A_132, %get3A_23, %dot_general3A_133 {dimension_numbers = #tpu.dot_dimension_numbers<[1], [0], [0], [1], [0, 0, 1, 1], [], []>, precision = #tpu.contract_precision<fp32>, transpose_lhs_hint = false} : vector<128x128xf32>, vector<128x64xf32>, vector<128x64xf32> -> vector<128x64xf32>
    %max3A_135 = arith.maximumf %max3A_119, %dot_general3A_134 : vector<128x64xf32>
    %get3A_136 = arith.constant 7 : index
    %get3A_137 = arith.constant 0 : index
    %get3A_138 = arith.constant 0 : index
    %get3A_139 = vector.load %arg2[%get3A_136, %get3A_137, %get3A_138] : memref<20x128x128xf32, #tpu.memory_space<vmem>>, vector<1x128x128xf32>
    %get3A_140 = vector.shape_cast %get3A_139 : vector<1x128x128xf32> to vector<128x128xf32>
    %add3A_141 = arith.addf %get3A_26, %get3A_140 : vector<128x128xf32>
    %mul3A_142 = vector.broadcast %div3A_15 : vector<1x128xf32> to vector<128x128xf32>
    %mul3A_143 = arith.mulf %mul3A_142, %add3A_141 : vector<128x128xf32>
    %add3A_144 = vector.broadcast %sub3A_20 : vector<1x128xf32> to vector<128x128xf32>
    %add3A_145 = arith.addf %mul3A_143, %add3A_144 : vector<128x128xf32>
    %max3A_146 = arith.constant 0.000000e+00 : f32
    %max3A_147 = vector.broadcast %max3A_146 : f32 to vector<128x128xf32>
    %max3A_148 = arith.maximumf %add3A_145, %max3A_147 : vector<128x128xf32>
    %dot_general3A_149 = arith.constant dense<0.000000e+00> : vector<128x64xf32>
    %dot_general3A_150 = tpu.matmul %max3A_148, %get3A_23, %dot_general3A_149 {dimension_numbers = #tpu.dot_dimension_numbers<[1], [0], [0], [1], [0, 0, 1, 1], [], []>, precision = #tpu.contract_precision<fp32>, transpose_lhs_hint = false} : vector<128x128xf32>, vector<128x64xf32>, vector<128x64xf32> -> vector<128x64xf32>
    %max3A_151 = arith.maximumf %max3A_135, %dot_general3A_150 : vector<128x64xf32>
    %get3A_152 = arith.constant 8 : index
    %get3A_153 = arith.constant 0 : index
    %get3A_154 = arith.constant 0 : index
    %get3A_155 = vector.load %arg2[%get3A_152, %get3A_153, %get3A_154] : memref<20x128x128xf32, #tpu.memory_space<vmem>>, vector<1x128x128xf32>
    %get3A_156 = vector.shape_cast %get3A_155 : vector<1x128x128xf32> to vector<128x128xf32>
    %add3A_157 = arith.addf %get3A_26, %get3A_156 : vector<128x128xf32>
    %mul3A_158 = vector.broadcast %div3A_15 : vector<1x128xf32> to vector<128x128xf32>
    %mul3A_159 = arith.mulf %mul3A_158, %add3A_157 : vector<128x128xf32>
    %add3A_160 = vector.broadcast %sub3A_20 : vector<1x128xf32> to vector<128x128xf32>
    %add3A_161 = arith.addf %mul3A_159, %add3A_160 : vector<128x128xf32>
    %max3A_162 = arith.constant 0.000000e+00 : f32
    %max3A_163 = vector.broadcast %max3A_162 : f32 to vector<128x128xf32>
    %max3A_164 = arith.maximumf %add3A_161, %max3A_163 : vector<128x128xf32>
    %dot_general3A_165 = arith.constant dense<0.000000e+00> : vector<128x64xf32>
    %dot_general3A_166 = tpu.matmul %max3A_164, %get3A_23, %dot_general3A_165 {dimension_numbers = #tpu.dot_dimension_numbers<[1], [0], [0], [1], [0, 0, 1, 1], [], []>, precision = #tpu.contract_precision<fp32>, transpose_lhs_hint = false} : vector<128x128xf32>, vector<128x64xf32>, vector<128x64xf32> -> vector<128x64xf32>
    %max3A_167 = arith.maximumf %max3A_151, %dot_general3A_166 : vector<128x64xf32>
    %get3A_168 = arith.constant 9 : index
    %get3A_169 = arith.constant 0 : index
    %get3A_170 = arith.constant 0 : index
    %get3A_171 = vector.load %arg2[%get3A_168, %get3A_169, %get3A_170] : memref<20x128x128xf32, #tpu.memory_space<vmem>>, vector<1x128x128xf32>
    %get3A_172 = vector.shape_cast %get3A_171 : vector<1x128x128xf32> to vector<128x128xf32>
    %add3A_173 = arith.addf %get3A_26, %get3A_172 : vector<128x128xf32>
    %mul3A_174 = vector.broadcast %div3A_15 : vector<1x128xf32> to vector<128x128xf32>
    %mul3A_175 = arith.mulf %mul3A_174, %add3A_173 : vector<128x128xf32>
    %add3A_176 = vector.broadcast %sub3A_20 : vector<1x128xf32> to vector<128x128xf32>
    %add3A_177 = arith.addf %mul3A_175, %add3A_176 : vector<128x128xf32>
    %max3A_178 = arith.constant 0.000000e+00 : f32
    %max3A_179 = vector.broadcast %max3A_178 : f32 to vector<128x128xf32>
    %max3A_180 = arith.maximumf %add3A_177, %max3A_179 : vector<128x128xf32>
    %dot_general3A_181 = arith.constant dense<0.000000e+00> : vector<128x64xf32>
    %dot_general3A_182 = tpu.matmul %max3A_180, %get3A_23, %dot_general3A_181 {dimension_numbers = #tpu.dot_dimension_numbers<[1], [0], [0], [1], [0, 0, 1, 1], [], []>, precision = #tpu.contract_precision<fp32>, transpose_lhs_hint = false} : vector<128x128xf32>, vector<128x64xf32>, vector<128x64xf32> -> vector<128x64xf32>
    %max3A_183 = arith.maximumf %max3A_167, %dot_general3A_182 : vector<128x64xf32>
    %get3A_184 = arith.constant 10 : index
    %get3A_185 = arith.constant 0 : index
    %get3A_186 = arith.constant 0 : index
    %get3A_187 = vector.load %arg2[%get3A_184, %get3A_185, %get3A_186] : memref<20x128x128xf32, #tpu.memory_space<vmem>>, vector<1x128x128xf32>
    %get3A_188 = vector.shape_cast %get3A_187 : vector<1x128x128xf32> to vector<128x128xf32>
    %add3A_189 = arith.addf %get3A_26, %get3A_188 : vector<128x128xf32>
    %mul3A_190 = vector.broadcast %div3A_15 : vector<1x128xf32> to vector<128x128xf32>
    %mul3A_191 = arith.mulf %mul3A_190, %add3A_189 : vector<128x128xf32>
    %add3A_192 = vector.broadcast %sub3A_20 : vector<1x128xf32> to vector<128x128xf32>
    %add3A_193 = arith.addf %mul3A_191, %add3A_192 : vector<128x128xf32>
    %max3A_194 = arith.constant 0.000000e+00 : f32
    %max3A_195 = vector.broadcast %max3A_194 : f32 to vector<128x128xf32>
    %max3A_196 = arith.maximumf %add3A_193, %max3A_195 : vector<128x128xf32>
    %dot_general3A_197 = arith.constant dense<0.000000e+00> : vector<128x64xf32>
    %dot_general3A_198 = tpu.matmul %max3A_196, %get3A_23, %dot_general3A_197 {dimension_numbers = #tpu.dot_dimension_numbers<[1], [0], [0], [1], [0, 0, 1, 1], [], []>, precision = #tpu.contract_precision<fp32>, transpose_lhs_hint = false} : vector<128x128xf32>, vector<128x64xf32>, vector<128x64xf32> -> vector<128x64xf32>
    %max3A_199 = arith.maximumf %max3A_183, %dot_general3A_198 : vector<128x64xf32>
    %get3A_200 = arith.constant 11 : index
    %get3A_201 = arith.constant 0 : index
    %get3A_202 = arith.constant 0 : index
    %get3A_203 = vector.load %arg2[%get3A_200, %get3A_201, %get3A_202] : memref<20x128x128xf32, #tpu.memory_space<vmem>>, vector<1x128x128xf32>
    %get3A_204 = vector.shape_cast %get3A_203 : vector<1x128x128xf32> to vector<128x128xf32>
    %add3A_205 = arith.addf %get3A_26, %get3A_204 : vector<128x128xf32>
    %mul3A_206 = vector.broadcast %div3A_15 : vector<1x128xf32> to vector<128x128xf32>
    %mul3A_207 = arith.mulf %mul3A_206, %add3A_205 : vector<128x128xf32>
    %add3A_208 = vector.broadcast %sub3A_20 : vector<1x128xf32> to vector<128x128xf32>
    %add3A_209 = arith.addf %mul3A_207, %add3A_208 : vector<128x128xf32>
    %max3A_210 = arith.constant 0.000000e+00 : f32
    %max3A_211 = vector.broadcast %max3A_210 : f32 to vector<128x128xf32>
    %max3A_212 = arith.maximumf %add3A_209, %max3A_211 : vector<128x128xf32>
    %dot_general3A_213 = arith.constant dense<0.000000e+00> : vector<128x64xf32>
    %dot_general3A_214 = tpu.matmul %max3A_212, %get3A_23, %dot_general3A_213 {dimension_numbers = #tpu.dot_dimension_numbers<[1], [0], [0], [1], [0, 0, 1, 1], [], []>, precision = #tpu.contract_precision<fp32>, transpose_lhs_hint = false} : vector<128x128xf32>, vector<128x64xf32>, vector<128x64xf32> -> vector<128x64xf32>
    %max3A_215 = arith.maximumf %max3A_199, %dot_general3A_214 : vector<128x64xf32>
    %get3A_216 = arith.constant 12 : index
    %get3A_217 = arith.constant 0 : index
    %get3A_218 = arith.constant 0 : index
    %get3A_219 = vector.load %arg2[%get3A_216, %get3A_217, %get3A_218] : memref<20x128x128xf32, #tpu.memory_space<vmem>>, vector<1x128x128xf32>
    %get3A_220 = vector.shape_cast %get3A_219 : vector<1x128x128xf32> to vector<128x128xf32>
    %add3A_221 = arith.addf %get3A_26, %get3A_220 : vector<128x128xf32>
    %mul3A_222 = vector.broadcast %div3A_15 : vector<1x128xf32> to vector<128x128xf32>
    %mul3A_223 = arith.mulf %mul3A_222, %add3A_221 : vector<128x128xf32>
    %add3A_224 = vector.broadcast %sub3A_20 : vector<1x128xf32> to vector<128x128xf32>
    %add3A_225 = arith.addf %mul3A_223, %add3A_224 : vector<128x128xf32>
    %max3A_226 = arith.constant 0.000000e+00 : f32
    %max3A_227 = vector.broadcast %max3A_226 : f32 to vector<128x128xf32>
    %max3A_228 = arith.maximumf %add3A_225, %max3A_227 : vector<128x128xf32>
    %dot_general3A_229 = arith.constant dense<0.000000e+00> : vector<128x64xf32>
    %dot_general3A_230 = tpu.matmul %max3A_228, %get3A_23, %dot_general3A_229 {dimension_numbers = #tpu.dot_dimension_numbers<[1], [0], [0], [1], [0, 0, 1, 1], [], []>, precision = #tpu.contract_precision<fp32>, transpose_lhs_hint = false} : vector<128x128xf32>, vector<128x64xf32>, vector<128x64xf32> -> vector<128x64xf32>
    %max3A_231 = arith.maximumf %max3A_215, %dot_general3A_230 : vector<128x64xf32>
    %get3A_232 = arith.constant 13 : index
    %get3A_233 = arith.constant 0 : index
    %get3A_234 = arith.constant 0 : index
    %get3A_235 = vector.load %arg2[%get3A_232, %get3A_233, %get3A_234] : memref<20x128x128xf32, #tpu.memory_space<vmem>>, vector<1x128x128xf32>
    %get3A_236 = vector.shape_cast %get3A_235 : vector<1x128x128xf32> to vector<128x128xf32>
    %add3A_237 = arith.addf %get3A_26, %get3A_236 : vector<128x128xf32>
    %mul3A_238 = vector.broadcast %div3A_15 : vector<1x128xf32> to vector<128x128xf32>
    %mul3A_239 = arith.mulf %mul3A_238, %add3A_237 : vector<128x128xf32>
    %add3A_240 = vector.broadcast %sub3A_20 : vector<1x128xf32> to vector<128x128xf32>
    %add3A_241 = arith.addf %mul3A_239, %add3A_240 : vector<128x128xf32>
    %max3A_242 = arith.constant 0.000000e+00 : f32
    %max3A_243 = vector.broadcast %max3A_242 : f32 to vector<128x128xf32>
    %max3A_244 = arith.maximumf %add3A_241, %max3A_243 : vector<128x128xf32>
    %dot_general3A_245 = arith.constant dense<0.000000e+00> : vector<128x64xf32>
    %dot_general3A_246 = tpu.matmul %max3A_244, %get3A_23, %dot_general3A_245 {dimension_numbers = #tpu.dot_dimension_numbers<[1], [0], [0], [1], [0, 0, 1, 1], [], []>, precision = #tpu.contract_precision<fp32>, transpose_lhs_hint = false} : vector<128x128xf32>, vector<128x64xf32>, vector<128x64xf32> -> vector<128x64xf32>
    %max3A_247 = arith.maximumf %max3A_231, %dot_general3A_246 : vector<128x64xf32>
    %get3A_248 = arith.constant 14 : index
    %get3A_249 = arith.constant 0 : index
    %get3A_250 = arith.constant 0 : index
    %get3A_251 = vector.load %arg2[%get3A_248, %get3A_249, %get3A_250] : memref<20x128x128xf32, #tpu.memory_space<vmem>>, vector<1x128x128xf32>
    %get3A_252 = vector.shape_cast %get3A_251 : vector<1x128x128xf32> to vector<128x128xf32>
    %add3A_253 = arith.addf %get3A_26, %get3A_252 : vector<128x128xf32>
    %mul3A_254 = vector.broadcast %div3A_15 : vector<1x128xf32> to vector<128x128xf32>
    %mul3A_255 = arith.mulf %mul3A_254, %add3A_253 : vector<128x128xf32>
    %add3A_256 = vector.broadcast %sub3A_20 : vector<1x128xf32> to vector<128x128xf32>
    %add3A_257 = arith.addf %mul3A_255, %add3A_256 : vector<128x128xf32>
    %max3A_258 = arith.constant 0.000000e+00 : f32
    %max3A_259 = vector.broadcast %max3A_258 : f32 to vector<128x128xf32>
    %max3A_260 = arith.maximumf %add3A_257, %max3A_259 : vector<128x128xf32>
    %dot_general3A_261 = arith.constant dense<0.000000e+00> : vector<128x64xf32>
    %dot_general3A_262 = tpu.matmul %max3A_260, %get3A_23, %dot_general3A_261 {dimension_numbers = #tpu.dot_dimension_numbers<[1], [0], [0], [1], [0, 0, 1, 1], [], []>, precision = #tpu.contract_precision<fp32>, transpose_lhs_hint = false} : vector<128x128xf32>, vector<128x64xf32>, vector<128x64xf32> -> vector<128x64xf32>
    %max3A_263 = arith.maximumf %max3A_247, %dot_general3A_262 : vector<128x64xf32>
    %get3A_264 = arith.constant 15 : index
    %get3A_265 = arith.constant 0 : index
    %get3A_266 = arith.constant 0 : index
    %get3A_267 = vector.load %arg2[%get3A_264, %get3A_265, %get3A_266] : memref<20x128x128xf32, #tpu.memory_space<vmem>>, vector<1x128x128xf32>
    %get3A_268 = vector.shape_cast %get3A_267 : vector<1x128x128xf32> to vector<128x128xf32>
    %add3A_269 = arith.addf %get3A_26, %get3A_268 : vector<128x128xf32>
    %mul3A_270 = vector.broadcast %div3A_15 : vector<1x128xf32> to vector<128x128xf32>
    %mul3A_271 = arith.mulf %mul3A_270, %add3A_269 : vector<128x128xf32>
    %add3A_272 = vector.broadcast %sub3A_20 : vector<1x128xf32> to vector<128x128xf32>
    %add3A_273 = arith.addf %mul3A_271, %add3A_272 : vector<128x128xf32>
    %max3A_274 = arith.constant 0.000000e+00 : f32
    %max3A_275 = vector.broadcast %max3A_274 : f32 to vector<128x128xf32>
    %max3A_276 = arith.maximumf %add3A_273, %max3A_275 : vector<128x128xf32>
    %dot_general3A_277 = arith.constant dense<0.000000e+00> : vector<128x64xf32>
    %dot_general3A_278 = tpu.matmul %max3A_276, %get3A_23, %dot_general3A_277 {dimension_numbers = #tpu.dot_dimension_numbers<[1], [0], [0], [1], [0, 0, 1, 1], [], []>, precision = #tpu.contract_precision<fp32>, transpose_lhs_hint = false} : vector<128x128xf32>, vector<128x64xf32>, vector<128x64xf32> -> vector<128x64xf32>
    %max3A_279 = arith.maximumf %max3A_263, %dot_general3A_278 : vector<128x64xf32>
    %get3A_280 = arith.constant 16 : index
    %get3A_281 = arith.constant 0 : index
    %get3A_282 = arith.constant 0 : index
    %get3A_283 = vector.load %arg2[%get3A_280, %get3A_281, %get3A_282] : memref<20x128x128xf32, #tpu.memory_space<vmem>>, vector<1x128x128xf32>
    %get3A_284 = vector.shape_cast %get3A_283 : vector<1x128x128xf32> to vector<128x128xf32>
    %add3A_285 = arith.addf %get3A_26, %get3A_284 : vector<128x128xf32>
    %mul3A_286 = vector.broadcast %div3A_15 : vector<1x128xf32> to vector<128x128xf32>
    %mul3A_287 = arith.mulf %mul3A_286, %add3A_285 : vector<128x128xf32>
    %add3A_288 = vector.broadcast %sub3A_20 : vector<1x128xf32> to vector<128x128xf32>
    %add3A_289 = arith.addf %mul3A_287, %add3A_288 : vector<128x128xf32>
    %max3A_290 = arith.constant 0.000000e+00 : f32
    %max3A_291 = vector.broadcast %max3A_290 : f32 to vector<128x128xf32>
    %max3A_292 = arith.maximumf %add3A_289, %max3A_291 : vector<128x128xf32>
    %dot_general3A_293 = arith.constant dense<0.000000e+00> : vector<128x64xf32>
    %dot_general3A_294 = tpu.matmul %max3A_292, %get3A_23, %dot_general3A_293 {dimension_numbers = #tpu.dot_dimension_numbers<[1], [0], [0], [1], [0, 0, 1, 1], [], []>, precision = #tpu.contract_precision<fp32>, transpose_lhs_hint = false} : vector<128x128xf32>, vector<128x64xf32>, vector<128x64xf32> -> vector<128x64xf32>
    %max3A_295 = arith.maximumf %max3A_279, %dot_general3A_294 : vector<128x64xf32>
    %get3A_296 = arith.constant 17 : index
    %get3A_297 = arith.constant 0 : index
    %get3A_298 = arith.constant 0 : index
    %get3A_299 = vector.load %arg2[%get3A_296, %get3A_297, %get3A_298] : memref<20x128x128xf32, #tpu.memory_space<vmem>>, vector<1x128x128xf32>
    %get3A_300 = vector.shape_cast %get3A_299 : vector<1x128x128xf32> to vector<128x128xf32>
    %add3A_301 = arith.addf %get3A_26, %get3A_300 : vector<128x128xf32>
    %mul3A_302 = vector.broadcast %div3A_15 : vector<1x128xf32> to vector<128x128xf32>
    %mul3A_303 = arith.mulf %mul3A_302, %add3A_301 : vector<128x128xf32>
    %add3A_304 = vector.broadcast %sub3A_20 : vector<1x128xf32> to vector<128x128xf32>
    %add3A_305 = arith.addf %mul3A_303, %add3A_304 : vector<128x128xf32>
    %max3A_306 = arith.constant 0.000000e+00 : f32
    %max3A_307 = vector.broadcast %max3A_306 : f32 to vector<128x128xf32>
    %max3A_308 = arith.maximumf %add3A_305, %max3A_307 : vector<128x128xf32>
    %dot_general3A_309 = arith.constant dense<0.000000e+00> : vector<128x64xf32>
    %dot_general3A_310 = tpu.matmul %max3A_308, %get3A_23, %dot_general3A_309 {dimension_numbers = #tpu.dot_dimension_numbers<[1], [0], [0], [1], [0, 0, 1, 1], [], []>, precision = #tpu.contract_precision<fp32>, transpose_lhs_hint = false} : vector<128x128xf32>, vector<128x64xf32>, vector<128x64xf32> -> vector<128x64xf32>
    %max3A_311 = arith.maximumf %max3A_295, %dot_general3A_310 : vector<128x64xf32>
    %get3A_312 = arith.constant 18 : index
    %get3A_313 = arith.constant 0 : index
    %get3A_314 = arith.constant 0 : index
    %get3A_315 = vector.load %arg2[%get3A_312, %get3A_313, %get3A_314] : memref<20x128x128xf32, #tpu.memory_space<vmem>>, vector<1x128x128xf32>
    %get3A_316 = vector.shape_cast %get3A_315 : vector<1x128x128xf32> to vector<128x128xf32>
    %add3A_317 = arith.addf %get3A_26, %get3A_316 : vector<128x128xf32>
    %mul3A_318 = vector.broadcast %div3A_15 : vector<1x128xf32> to vector<128x128xf32>
    %mul3A_319 = arith.mulf %mul3A_318, %add3A_317 : vector<128x128xf32>
    %add3A_320 = vector.broadcast %sub3A_20 : vector<1x128xf32> to vector<128x128xf32>
    %add3A_321 = arith.addf %mul3A_319, %add3A_320 : vector<128x128xf32>
    %max3A_322 = arith.constant 0.000000e+00 : f32
    %max3A_323 = vector.broadcast %max3A_322 : f32 to vector<128x128xf32>
    %max3A_324 = arith.maximumf %add3A_321, %max3A_323 : vector<128x128xf32>
    %dot_general3A_325 = arith.constant dense<0.000000e+00> : vector<128x64xf32>
    %dot_general3A_326 = tpu.matmul %max3A_324, %get3A_23, %dot_general3A_325 {dimension_numbers = #tpu.dot_dimension_numbers<[1], [0], [0], [1], [0, 0, 1, 1], [], []>, precision = #tpu.contract_precision<fp32>, transpose_lhs_hint = false} : vector<128x128xf32>, vector<128x64xf32>, vector<128x64xf32> -> vector<128x64xf32>
    %max3A_327 = arith.maximumf %max3A_311, %dot_general3A_326 : vector<128x64xf32>
    %get3A_328 = arith.constant 19 : index
    %get3A_329 = arith.constant 0 : index
    %get3A_330 = arith.constant 0 : index
    %get3A_331 = vector.load %arg2[%get3A_328, %get3A_329, %get3A_330] : memref<20x128x128xf32, #tpu.memory_space<vmem>>, vector<1x128x128xf32>
    %get3A_332 = vector.shape_cast %get3A_331 : vector<1x128x128xf32> to vector<128x128xf32>
    %add3A_333 = arith.addf %get3A_26, %get3A_332 : vector<128x128xf32>
    %mul3A_334 = vector.broadcast %div3A_15 : vector<1x128xf32> to vector<128x128xf32>
    %mul3A_335 = arith.mulf %mul3A_334, %add3A_333 : vector<128x128xf32>
    %add3A_336 = vector.broadcast %sub3A_20 : vector<1x128xf32> to vector<128x128xf32>
    %add3A_337 = arith.addf %mul3A_335, %add3A_336 : vector<128x128xf32>
    %max3A_338 = arith.constant 0.000000e+00 : f32
    %max3A_339 = vector.broadcast %max3A_338 : f32 to vector<128x128xf32>
    %max3A_340 = arith.maximumf %add3A_337, %max3A_339 : vector<128x128xf32>
    %dot_general3A_341 = arith.constant dense<0.000000e+00> : vector<128x64xf32>
    %dot_general3A_342 = tpu.matmul %max3A_340, %get3A_23, %dot_general3A_341 {dimension_numbers = #tpu.dot_dimension_numbers<[1], [0], [0], [1], [0, 0, 1, 1], [], []>, precision = #tpu.contract_precision<fp32>, transpose_lhs_hint = false} : vector<128x128xf32>, vector<128x64xf32>, vector<128x64xf32> -> vector<128x64xf32>
    %max3A_343 = arith.maximumf %max3A_327, %dot_general3A_342 : vector<128x64xf32>
    %get3A_344 = arith.constant 0 : index
    %get3A_345 = arith.constant 0 : index
    %get3A_346 = vector.load %arg7[%get3A_344, %get3A_345] : memref<1x64xf32, #tpu.memory_space<vmem>>, vector<1x64xf32>
    %add3A_347 = vector.broadcast %get3A_346 : vector<1x64xf32> to vector<128x64xf32>
    %add3A_348 = arith.addf %max3A_343, %add3A_347 : vector<128x64xf32>
    %swap3A = arith.constant 0 : index
    %swap3A_349 = arith.constant 0 : index
    %swap3A_350 = vector.load %arg8[%swap3A, %swap3A_349] : memref<128x64xf32, #tpu.memory_space<vmem>>, vector<128x64xf32>
    tpu.vector_store %arg8[%swap3A, %swap3A_349], %add3A_348 {strides = array<i32>} : memref<128x64xf32, #tpu.memory_space<vmem>>, vector<128x64xf32>,
    return
  }
  func.func @transform_0(%arg0: i32) -> (i32, i32) {
    %c0_i32 = arith.constant 0 : i32
    %c0_i32_0 = arith.constant 0 : i32
    return %arg0, %c0_i32 : i32, i32
  }
  func.func @transform_1(%arg0: i32) -> (i32, i32, i32) {
    %c0_i32 = arith.constant 0 : i32
    %c0_i32_0 = arith.constant 0 : i32
    %c0_i32_1 = arith.constant 0 : i32
    return %c0_i32, %arg0, %c0_i32_0 : i32, i32, i32
  }
  func.func @transform_2(%arg0: i32) -> (i32, i32) {
    %c0_i32 = arith.constant 0 : i32
    %c0_i32_0 = arith.constant 0 : i32
    %c0_i32_1 = arith.constant 0 : i32
    return %c0_i32, %c0_i32_0 : i32, i32
  }
  func.func @transform_3(%arg0: i32) -> (i32, i32) {
    %c0_i32 = arith.constant 0 : i32
    %c0_i32_0 = arith.constant 0 : i32
    %c0_i32_1 = arith.constant 0 : i32
    return %c0_i32, %c0_i32_0 : i32, i32
  }
  func.func @transform_4(%arg0: i32) -> (i32, i32) {
    %c0_i32 = arith.constant 0 : i32
    %c0_i32_0 = arith.constant 0 : i32
    %c0_i32_1 = arith.constant 0 : i32
    return %c0_i32, %c0_i32_0 : i32, i32
  }
  func.func @transform_5(%arg0: i32) -> (i32, i32) {
    %c0_i32 = arith.constant 0 : i32
    %c0_i32_0 = arith.constant 0 : i32
    %c0_i32_1 = arith.constant 0 : i32
    return %c0_i32, %c0_i32_0 : i32, i32
  }
  func.func @transform_6(%arg0: i32) -> (i32, i32) {
    %c0_i32 = arith.constant 0 : i32
    %c0_i32_0 = arith.constant 0 : i32
    %c0_i32_1 = arith.constant 0 : i32
    return %c0_i32, %c0_i32_0 : i32, i32
  }
  func.func @transform_7(%arg0: i32) -> (i32, i32) {
    %c0_i32 = arith.constant 0 : i32
    %c0_i32_0 = arith.constant 0 : i32
    return %arg0, %c0_i32 : i32, i32
  }
}

module attributes {stable_mosaic.version = 14 : i64} {
  func.func @_knn_body(%arg0: i32, %arg1: memref<128x64xf32, #tpu.memory_space<vmem>>, %arg2: memref<8192x64xf32, #tpu.memory_space<vmem>>, %arg3: memref<64x8192xf32, #tpu.memory_space<vmem>>, %arg4: memref<128x1xi32, #tpu.memory_space<vmem>>, %arg5: memref<1x8192xi32, #tpu.memory_space<vmem>>, %arg6: memref<64x128xf32, #tpu.memory_space<vmem>>, %arg7: memref<1x128xf32, #tpu.memory_space<vmem>>, %arg8: memref<64x128xf32, #tpu.memory_space<vmem>>, %arg9: memref<128x20xi32, #tpu.memory_space<vmem>>, %arg10: memref<128x128xf32, #tpu.memory_space<vmem>>, %arg11: memref<128x128xf32, #tpu.memory_space<vmem>>) attributes {dimension_semantics = [#tpu.dimension_semantics<arbitrary>], iteration_bounds = array<i64: 64>, scalar_prefetch = 0 : i64, scratch_operands = 0 : i64, tpu.core_type = #tpu.core_type<tc>, window_params = [{transform_indices = @transform_0, window_bounds = array<i64: 128, 64>}, {pipeline_mode = #tpu.pipeline_mode<synchronous>, transform_indices = @transform_1, window_bounds = array<i64: 8192, 64>}, {pipeline_mode = #tpu.pipeline_mode<synchronous>, transform_indices = @transform_2, window_bounds = array<i64: 64, 8192>}, {transform_indices = @transform_3, window_bounds = array<i64: 128, 1>}, {pipeline_mode = #tpu.pipeline_mode<synchronous>, transform_indices = @transform_4, window_bounds = array<i64: 1, 8192>}, {pipeline_mode = #tpu.pipeline_mode<synchronous>, transform_indices = @transform_5, window_bounds = array<i64: 64, 128>}, {pipeline_mode = #tpu.pipeline_mode<synchronous>, transform_indices = @transform_6, window_bounds = array<i64: 1, 128>}, {pipeline_mode = #tpu.pipeline_mode<synchronous>, transform_indices = @transform_7, window_bounds = array<i64: 64, 128>}, {transform_indices = @transform_8, window_bounds = array<i64: 128, 20>}, {transform_indices = @transform_9, window_bounds = array<i64: 128, 128>}, {transform_indices = @transform_10, window_bounds = array<i64: 128, 128>}]} {
    %get3A = arith.constant 0 : index
    %get3A_0 = arith.constant 0 : index
    %get3A_1 = vector.load %arg1[%get3A, %get3A_0] : memref<128x64xf32, #tpu.memory_space<vmem>>, vector<128x64xf32>
    %get3A_2 = arith.constant 0 : index
    %get3A_3 = arith.constant 0 : index
    %get3A_4 = vector.load %arg2[%get3A_2, %get3A_3] : memref<8192x64xf32, #tpu.memory_space<vmem>>, vector<8192x64xf32>
    %get3A_5 = arith.constant 0 : index
    %get3A_6 = arith.constant 0 : index
    %get3A_7 = vector.load %arg6[%get3A_5, %get3A_6] : memref<64x128xf32, #tpu.memory_space<vmem>>, vector<64x128xf32>
    %dot_general3A = arith.constant dense<0.000000e+00> : vector<128x128xf32>
    %dot_general3A_8 = tpu.matmul %get3A_1, %get3A_7, %dot_general3A {dimension_numbers = #tpu.dot_dimension_numbers<[1], [0], [0], [1], [0, 0, 1, 1], [], []>, precision = #tpu.contract_precision<fp32>, transpose_lhs_hint = false} : vector<128x64xf32>, vector<64x128xf32>, vector<128x128xf32> -> vector<128x128xf32>
    %get3A_9 = arith.constant 0 : index
    %get3A_10 = arith.constant 0 : index
    %get3A_11 = vector.load %arg7[%get3A_9, %get3A_10] : memref<1x128xf32, #tpu.memory_space<vmem>>, vector<1x128xf32>
    %add3A = vector.broadcast %get3A_11 : vector<1x128xf32> to vector<128x128xf32>
    %add3A_12 = arith.addf %dot_general3A_8, %add3A : vector<128x128xf32>
    %swap3A = arith.constant 0 : index
    %swap3A_13 = arith.constant 0 : index
    %swap3A_14 = vector.load %arg10[%swap3A, %swap3A_13] : memref<128x128xf32, #tpu.memory_space<vmem>>, vector<128x128xf32>
    tpu.vector_store %arg10[%swap3A, %swap3A_13], %add3A_12 {strides = array<i32>} : memref<128x128xf32, #tpu.memory_space<vmem>>, vector<128x128xf32>,
    %get3A_15 = arith.constant 0 : index
    %get3A_16 = arith.constant 0 : index
    %get3A_17 = vector.load %arg8[%get3A_15, %get3A_16] : memref<64x128xf32, #tpu.memory_space<vmem>>, vector<64x128xf32>
    %dot_general3A_18 = arith.constant dense<0.000000e+00> : vector<128x128xf32>
    %dot_general3A_19 = tpu.matmul %get3A_1, %get3A_17, %dot_general3A_18 {dimension_numbers = #tpu.dot_dimension_numbers<[1], [0], [0], [1], [0, 0, 1, 1], [], []>, precision = #tpu.contract_precision<fp32>, transpose_lhs_hint = false} : vector<128x64xf32>, vector<64x128xf32>, vector<128x128xf32> -> vector<128x128xf32>
    %swap3A_20 = arith.constant 0 : index
    %swap3A_21 = arith.constant 0 : index
    %swap3A_22 = vector.load %arg11[%swap3A_20, %swap3A_21] : memref<128x128xf32, #tpu.memory_space<vmem>>, vector<128x128xf32>
    tpu.vector_store %arg11[%swap3A_20, %swap3A_21], %dot_general3A_19 {strides = array<i32>} : memref<128x128xf32, #tpu.memory_space<vmem>>, vector<128x128xf32>,
    %get3A_23 = arith.constant 0 : index
    %get3A_24 = arith.constant 0 : index
    %get3A_25 = vector.load %arg3[%get3A_23, %get3A_24] : memref<64x8192xf32, #tpu.memory_space<vmem>>, vector<1x8192xf32>
    %get3A_26 = arith.constant 0 : index
    %get3A_27 = arith.constant 0 : index
    %get3A_28 = vector.load %arg3[%get3A_26, %get3A_27] : memref<64x8192xf32, #tpu.memory_space<vmem>>, vector<1x8192xf32>
    %mul3A = arith.mulf %get3A_25, %get3A_28 : vector<1x8192xf32>
    %get3A_29 = arith.constant 1 : index
    %get3A_30 = arith.constant 0 : index
    %get3A_31 = vector.load %arg3[%get3A_29, %get3A_30] : memref<64x8192xf32, #tpu.memory_space<vmem>>, vector<1x8192xf32>
    %mul3A_32 = arith.mulf %get3A_31, %get3A_31 : vector<1x8192xf32>
    %add3A_33 = arith.addf %mul3A, %mul3A_32 : vector<1x8192xf32>
    %get3A_34 = arith.constant 2 : index
    %get3A_35 = arith.constant 0 : index
    %get3A_36 = vector.load %arg3[%get3A_34, %get3A_35] : memref<64x8192xf32, #tpu.memory_space<vmem>>, vector<1x8192xf32>
    %mul3A_37 = arith.mulf %get3A_36, %get3A_36 : vector<1x8192xf32>
    %add3A_38 = arith.addf %add3A_33, %mul3A_37 : vector<1x8192xf32>
    %get3A_39 = arith.constant 3 : index
    %get3A_40 = arith.constant 0 : index
    %get3A_41 = vector.load %arg3[%get3A_39, %get3A_40] : memref<64x8192xf32, #tpu.memory_space<vmem>>, vector<1x8192xf32>
    %mul3A_42 = arith.mulf %get3A_41, %get3A_41 : vector<1x8192xf32>
    %add3A_43 = arith.addf %add3A_38, %mul3A_42 : vector<1x8192xf32>
    %get3A_44 = arith.constant 4 : index
    %get3A_45 = arith.constant 0 : index
    %get3A_46 = vector.load %arg3[%get3A_44, %get3A_45] : memref<64x8192xf32, #tpu.memory_space<vmem>>, vector<1x8192xf32>
    %mul3A_47 = arith.mulf %get3A_46, %get3A_46 : vector<1x8192xf32>
    %add3A_48 = arith.addf %add3A_43, %mul3A_47 : vector<1x8192xf32>
    %get3A_49 = arith.constant 5 : index
    %get3A_50 = arith.constant 0 : index
    %get3A_51 = vector.load %arg3[%get3A_49, %get3A_50] : memref<64x8192xf32, #tpu.memory_space<vmem>>, vector<1x8192xf32>
    %mul3A_52 = arith.mulf %get3A_51, %get3A_51 : vector<1x8192xf32>
    %add3A_53 = arith.addf %add3A_48, %mul3A_52 : vector<1x8192xf32>
    %get3A_54 = arith.constant 6 : index
    %get3A_55 = arith.constant 0 : index
    %get3A_56 = vector.load %arg3[%get3A_54, %get3A_55] : memref<64x8192xf32, #tpu.memory_space<vmem>>, vector<1x8192xf32>
    %mul3A_57 = arith.mulf %get3A_56, %get3A_56 : vector<1x8192xf32>
    %add3A_58 = arith.addf %add3A_53, %mul3A_57 : vector<1x8192xf32>
    %get3A_59 = arith.constant 7 : index
    %get3A_60 = arith.constant 0 : index
    %get3A_61 = vector.load %arg3[%get3A_59, %get3A_60] : memref<64x8192xf32, #tpu.memory_space<vmem>>, vector<1x8192xf32>
    %mul3A_62 = arith.mulf %get3A_61, %get3A_61 : vector<1x8192xf32>
    %add3A_63 = arith.addf %add3A_58, %mul3A_62 : vector<1x8192xf32>
    %get3A_64 = arith.constant 8 : index
    %get3A_65 = arith.constant 0 : index
    %get3A_66 = vector.load %arg3[%get3A_64, %get3A_65] : memref<64x8192xf32, #tpu.memory_space<vmem>>, vector<1x8192xf32>
    %mul3A_67 = arith.mulf %get3A_66, %get3A_66 : vector<1x8192xf32>
    %add3A_68 = arith.addf %add3A_63, %mul3A_67 : vector<1x8192xf32>
    %get3A_69 = arith.constant 9 : index
    %get3A_70 = arith.constant 0 : index
    %get3A_71 = vector.load %arg3[%get3A_69, %get3A_70] : memref<64x8192xf32, #tpu.memory_space<vmem>>, vector<1x8192xf32>
    %mul3A_72 = arith.mulf %get3A_71, %get3A_71 : vector<1x8192xf32>
    %add3A_73 = arith.addf %add3A_68, %mul3A_72 : vector<1x8192xf32>
    %get3A_74 = arith.constant 10 : index
    %get3A_75 = arith.constant 0 : index
    %get3A_76 = vector.load %arg3[%get3A_74, %get3A_75] : memref<64x8192xf32, #tpu.memory_space<vmem>>, vector<1x8192xf32>
    %mul3A_77 = arith.mulf %get3A_76, %get3A_76 : vector<1x8192xf32>
    %add3A_78 = arith.addf %add3A_73, %mul3A_77 : vector<1x8192xf32>
    %get3A_79 = arith.constant 11 : index
    %get3A_80 = arith.constant 0 : index
    %get3A_81 = vector.load %arg3[%get3A_79, %get3A_80] : memref<64x8192xf32, #tpu.memory_space<vmem>>, vector<1x8192xf32>
    %mul3A_82 = arith.mulf %get3A_81, %get3A_81 : vector<1x8192xf32>
    %add3A_83 = arith.addf %add3A_78, %mul3A_82 : vector<1x8192xf32>
    %get3A_84 = arith.constant 12 : index
    %get3A_85 = arith.constant 0 : index
    %get3A_86 = vector.load %arg3[%get3A_84, %get3A_85] : memref<64x8192xf32, #tpu.memory_space<vmem>>, vector<1x8192xf32>
    %mul3A_87 = arith.mulf %get3A_86, %get3A_86 : vector<1x8192xf32>
    %add3A_88 = arith.addf %add3A_83, %mul3A_87 : vector<1x8192xf32>
    %get3A_89 = arith.constant 13 : index
    %get3A_90 = arith.constant 0 : index
    %get3A_91 = vector.load %arg3[%get3A_89, %get3A_90] : memref<64x8192xf32, #tpu.memory_space<vmem>>, vector<1x8192xf32>
    %mul3A_92 = arith.mulf %get3A_91, %get3A_91 : vector<1x8192xf32>
    %add3A_93 = arith.addf %add3A_88, %mul3A_92 : vector<1x8192xf32>
    %get3A_94 = arith.constant 14 : index
    %get3A_95 = arith.constant 0 : index
    %get3A_96 = vector.load %arg3[%get3A_94, %get3A_95] : memref<64x8192xf32, #tpu.memory_space<vmem>>, vector<1x8192xf32>
    %mul3A_97 = arith.mulf %get3A_96, %get3A_96 : vector<1x8192xf32>
    %add3A_98 = arith.addf %add3A_93, %mul3A_97 : vector<1x8192xf32>
    %get3A_99 = arith.constant 15 : index
    %get3A_100 = arith.constant 0 : index
    %get3A_101 = vector.load %arg3[%get3A_99, %get3A_100] : memref<64x8192xf32, #tpu.memory_space<vmem>>, vector<1x8192xf32>
    %mul3A_102 = arith.mulf %get3A_101, %get3A_101 : vector<1x8192xf32>
    %add3A_103 = arith.addf %add3A_98, %mul3A_102 : vector<1x8192xf32>
    %get3A_104 = arith.constant 16 : index
    %get3A_105 = arith.constant 0 : index
    %get3A_106 = vector.load %arg3[%get3A_104, %get3A_105] : memref<64x8192xf32, #tpu.memory_space<vmem>>, vector<1x8192xf32>
    %mul3A_107 = arith.mulf %get3A_106, %get3A_106 : vector<1x8192xf32>
    %add3A_108 = arith.addf %add3A_103, %mul3A_107 : vector<1x8192xf32>
    %get3A_109 = arith.constant 17 : index
    %get3A_110 = arith.constant 0 : index
    %get3A_111 = vector.load %arg3[%get3A_109, %get3A_110] : memref<64x8192xf32, #tpu.memory_space<vmem>>, vector<1x8192xf32>
    %mul3A_112 = arith.mulf %get3A_111, %get3A_111 : vector<1x8192xf32>
    %add3A_113 = arith.addf %add3A_108, %mul3A_112 : vector<1x8192xf32>
    %get3A_114 = arith.constant 18 : index
    %get3A_115 = arith.constant 0 : index
    %get3A_116 = vector.load %arg3[%get3A_114, %get3A_115] : memref<64x8192xf32, #tpu.memory_space<vmem>>, vector<1x8192xf32>
    %mul3A_117 = arith.mulf %get3A_116, %get3A_116 : vector<1x8192xf32>
    %add3A_118 = arith.addf %add3A_113, %mul3A_117 : vector<1x8192xf32>
    %get3A_119 = arith.constant 19 : index
    %get3A_120 = arith.constant 0 : index
    %get3A_121 = vector.load %arg3[%get3A_119, %get3A_120] : memref<64x8192xf32, #tpu.memory_space<vmem>>, vector<1x8192xf32>
    %mul3A_122 = arith.mulf %get3A_121, %get3A_121 : vector<1x8192xf32>
    %add3A_123 = arith.addf %add3A_118, %mul3A_122 : vector<1x8192xf32>
    %get3A_124 = arith.constant 20 : index
    %get3A_125 = arith.constant 0 : index
    %get3A_126 = vector.load %arg3[%get3A_124, %get3A_125] : memref<64x8192xf32, #tpu.memory_space<vmem>>, vector<1x8192xf32>
    %mul3A_127 = arith.mulf %get3A_126, %get3A_126 : vector<1x8192xf32>
    %add3A_128 = arith.addf %add3A_123, %mul3A_127 : vector<1x8192xf32>
    %get3A_129 = arith.constant 21 : index
    %get3A_130 = arith.constant 0 : index
    %get3A_131 = vector.load %arg3[%get3A_129, %get3A_130] : memref<64x8192xf32, #tpu.memory_space<vmem>>, vector<1x8192xf32>
    %mul3A_132 = arith.mulf %get3A_131, %get3A_131 : vector<1x8192xf32>
    %add3A_133 = arith.addf %add3A_128, %mul3A_132 : vector<1x8192xf32>
    %get3A_134 = arith.constant 22 : index
    %get3A_135 = arith.constant 0 : index
    %get3A_136 = vector.load %arg3[%get3A_134, %get3A_135] : memref<64x8192xf32, #tpu.memory_space<vmem>>, vector<1x8192xf32>
    %mul3A_137 = arith.mulf %get3A_136, %get3A_136 : vector<1x8192xf32>
    %add3A_138 = arith.addf %add3A_133, %mul3A_137 : vector<1x8192xf32>
    %get3A_139 = arith.constant 23 : index
    %get3A_140 = arith.constant 0 : index
    %get3A_141 = vector.load %arg3[%get3A_139, %get3A_140] : memref<64x8192xf32, #tpu.memory_space<vmem>>, vector<1x8192xf32>
    %mul3A_142 = arith.mulf %get3A_141, %get3A_141 : vector<1x8192xf32>
    %add3A_143 = arith.addf %add3A_138, %mul3A_142 : vector<1x8192xf32>
    %get3A_144 = arith.constant 24 : index
    %get3A_145 = arith.constant 0 : index
    %get3A_146 = vector.load %arg3[%get3A_144, %get3A_145] : memref<64x8192xf32, #tpu.memory_space<vmem>>, vector<1x8192xf32>
    %mul3A_147 = arith.mulf %get3A_146, %get3A_146 : vector<1x8192xf32>
    %add3A_148 = arith.addf %add3A_143, %mul3A_147 : vector<1x8192xf32>
    %get3A_149 = arith.constant 25 : index
    %get3A_150 = arith.constant 0 : index
    %get3A_151 = vector.load %arg3[%get3A_149, %get3A_150] : memref<64x8192xf32, #tpu.memory_space<vmem>>, vector<1x8192xf32>
    %mul3A_152 = arith.mulf %get3A_151, %get3A_151 : vector<1x8192xf32>
    %add3A_153 = arith.addf %add3A_148, %mul3A_152 : vector<1x8192xf32>
    %get3A_154 = arith.constant 26 : index
    %get3A_155 = arith.constant 0 : index
    %get3A_156 = vector.load %arg3[%get3A_154, %get3A_155] : memref<64x8192xf32, #tpu.memory_space<vmem>>, vector<1x8192xf32>
    %mul3A_157 = arith.mulf %get3A_156, %get3A_156 : vector<1x8192xf32>
    %add3A_158 = arith.addf %add3A_153, %mul3A_157 : vector<1x8192xf32>
    %get3A_159 = arith.constant 27 : index
    %get3A_160 = arith.constant 0 : index
    %get3A_161 = vector.load %arg3[%get3A_159, %get3A_160] : memref<64x8192xf32, #tpu.memory_space<vmem>>, vector<1x8192xf32>
    %mul3A_162 = arith.mulf %get3A_161, %get3A_161 : vector<1x8192xf32>
    %add3A_163 = arith.addf %add3A_158, %mul3A_162 : vector<1x8192xf32>
    %get3A_164 = arith.constant 28 : index
    %get3A_165 = arith.constant 0 : index
    %get3A_166 = vector.load %arg3[%get3A_164, %get3A_165] : memref<64x8192xf32, #tpu.memory_space<vmem>>, vector<1x8192xf32>
    %mul3A_167 = arith.mulf %get3A_166, %get3A_166 : vector<1x8192xf32>
    %add3A_168 = arith.addf %add3A_163, %mul3A_167 : vector<1x8192xf32>
    %get3A_169 = arith.constant 29 : index
    %get3A_170 = arith.constant 0 : index
    %get3A_171 = vector.load %arg3[%get3A_169, %get3A_170] : memref<64x8192xf32, #tpu.memory_space<vmem>>, vector<1x8192xf32>
    %mul3A_172 = arith.mulf %get3A_171, %get3A_171 : vector<1x8192xf32>
    %add3A_173 = arith.addf %add3A_168, %mul3A_172 : vector<1x8192xf32>
    %get3A_174 = arith.constant 30 : index
    %get3A_175 = arith.constant 0 : index
    %get3A_176 = vector.load %arg3[%get3A_174, %get3A_175] : memref<64x8192xf32, #tpu.memory_space<vmem>>, vector<1x8192xf32>
    %mul3A_177 = arith.mulf %get3A_176, %get3A_176 : vector<1x8192xf32>
    %add3A_178 = arith.addf %add3A_173, %mul3A_177 : vector<1x8192xf32>
    %get3A_179 = arith.constant 31 : index
    %get3A_180 = arith.constant 0 : index
    %get3A_181 = vector.load %arg3[%get3A_179, %get3A_180] : memref<64x8192xf32, #tpu.memory_space<vmem>>, vector<1x8192xf32>
    %mul3A_182 = arith.mulf %get3A_181, %get3A_181 : vector<1x8192xf32>
    %add3A_183 = arith.addf %add3A_178, %mul3A_182 : vector<1x8192xf32>
    %get3A_184 = arith.constant 32 : index
    %get3A_185 = arith.constant 0 : index
    %get3A_186 = vector.load %arg3[%get3A_184, %get3A_185] : memref<64x8192xf32, #tpu.memory_space<vmem>>, vector<1x8192xf32>
    %mul3A_187 = arith.mulf %get3A_186, %get3A_186 : vector<1x8192xf32>
    %add3A_188 = arith.addf %add3A_183, %mul3A_187 : vector<1x8192xf32>
    %get3A_189 = arith.constant 33 : index
    %get3A_190 = arith.constant 0 : index
    %get3A_191 = vector.load %arg3[%get3A_189, %get3A_190] : memref<64x8192xf32, #tpu.memory_space<vmem>>, vector<1x8192xf32>
    %mul3A_192 = arith.mulf %get3A_191, %get3A_191 : vector<1x8192xf32>
    %add3A_193 = arith.addf %add3A_188, %mul3A_192 : vector<1x8192xf32>
    %get3A_194 = arith.constant 34 : index
    %get3A_195 = arith.constant 0 : index
    %get3A_196 = vector.load %arg3[%get3A_194, %get3A_195] : memref<64x8192xf32, #tpu.memory_space<vmem>>, vector<1x8192xf32>
    %mul3A_197 = arith.mulf %get3A_196, %get3A_196 : vector<1x8192xf32>
    %add3A_198 = arith.addf %add3A_193, %mul3A_197 : vector<1x8192xf32>
    %get3A_199 = arith.constant 35 : index
    %get3A_200 = arith.constant 0 : index
    %get3A_201 = vector.load %arg3[%get3A_199, %get3A_200] : memref<64x8192xf32, #tpu.memory_space<vmem>>, vector<1x8192xf32>
    %mul3A_202 = arith.mulf %get3A_201, %get3A_201 : vector<1x8192xf32>
    %add3A_203 = arith.addf %add3A_198, %mul3A_202 : vector<1x8192xf32>
    %get3A_204 = arith.constant 36 : index
    %get3A_205 = arith.constant 0 : index
    %get3A_206 = vector.load %arg3[%get3A_204, %get3A_205] : memref<64x8192xf32, #tpu.memory_space<vmem>>, vector<1x8192xf32>
    %mul3A_207 = arith.mulf %get3A_206, %get3A_206 : vector<1x8192xf32>
    %add3A_208 = arith.addf %add3A_203, %mul3A_207 : vector<1x8192xf32>
    %get3A_209 = arith.constant 37 : index
    %get3A_210 = arith.constant 0 : index
    %get3A_211 = vector.load %arg3[%get3A_209, %get3A_210] : memref<64x8192xf32, #tpu.memory_space<vmem>>, vector<1x8192xf32>
    %mul3A_212 = arith.mulf %get3A_211, %get3A_211 : vector<1x8192xf32>
    %add3A_213 = arith.addf %add3A_208, %mul3A_212 : vector<1x8192xf32>
    %get3A_214 = arith.constant 38 : index
    %get3A_215 = arith.constant 0 : index
    %get3A_216 = vector.load %arg3[%get3A_214, %get3A_215] : memref<64x8192xf32, #tpu.memory_space<vmem>>, vector<1x8192xf32>
    %mul3A_217 = arith.mulf %get3A_216, %get3A_216 : vector<1x8192xf32>
    %add3A_218 = arith.addf %add3A_213, %mul3A_217 : vector<1x8192xf32>
    %get3A_219 = arith.constant 39 : index
    %get3A_220 = arith.constant 0 : index
    %get3A_221 = vector.load %arg3[%get3A_219, %get3A_220] : memref<64x8192xf32, #tpu.memory_space<vmem>>, vector<1x8192xf32>
    %mul3A_222 = arith.mulf %get3A_221, %get3A_221 : vector<1x8192xf32>
    %add3A_223 = arith.addf %add3A_218, %mul3A_222 : vector<1x8192xf32>
    %get3A_224 = arith.constant 40 : index
    %get3A_225 = arith.constant 0 : index
    %get3A_226 = vector.load %arg3[%get3A_224, %get3A_225] : memref<64x8192xf32, #tpu.memory_space<vmem>>, vector<1x8192xf32>
    %mul3A_227 = arith.mulf %get3A_226, %get3A_226 : vector<1x8192xf32>
    %add3A_228 = arith.addf %add3A_223, %mul3A_227 : vector<1x8192xf32>
    %get3A_229 = arith.constant 41 : index
    %get3A_230 = arith.constant 0 : index
    %get3A_231 = vector.load %arg3[%get3A_229, %get3A_230] : memref<64x8192xf32, #tpu.memory_space<vmem>>, vector<1x8192xf32>
    %mul3A_232 = arith.mulf %get3A_231, %get3A_231 : vector<1x8192xf32>
    %add3A_233 = arith.addf %add3A_228, %mul3A_232 : vector<1x8192xf32>
    %get3A_234 = arith.constant 42 : index
    %get3A_235 = arith.constant 0 : index
    %get3A_236 = vector.load %arg3[%get3A_234, %get3A_235] : memref<64x8192xf32, #tpu.memory_space<vmem>>, vector<1x8192xf32>
    %mul3A_237 = arith.mulf %get3A_236, %get3A_236 : vector<1x8192xf32>
    %add3A_238 = arith.addf %add3A_233, %mul3A_237 : vector<1x8192xf32>
    %get3A_239 = arith.constant 43 : index
    %get3A_240 = arith.constant 0 : index
    %get3A_241 = vector.load %arg3[%get3A_239, %get3A_240] : memref<64x8192xf32, #tpu.memory_space<vmem>>, vector<1x8192xf32>
    %mul3A_242 = arith.mulf %get3A_241, %get3A_241 : vector<1x8192xf32>
    %add3A_243 = arith.addf %add3A_238, %mul3A_242 : vector<1x8192xf32>
    %get3A_244 = arith.constant 44 : index
    %get3A_245 = arith.constant 0 : index
    %get3A_246 = vector.load %arg3[%get3A_244, %get3A_245] : memref<64x8192xf32, #tpu.memory_space<vmem>>, vector<1x8192xf32>
    %mul3A_247 = arith.mulf %get3A_246, %get3A_246 : vector<1x8192xf32>
    %add3A_248 = arith.addf %add3A_243, %mul3A_247 : vector<1x8192xf32>
    %get3A_249 = arith.constant 45 : index
    %get3A_250 = arith.constant 0 : index
    %get3A_251 = vector.load %arg3[%get3A_249, %get3A_250] : memref<64x8192xf32, #tpu.memory_space<vmem>>, vector<1x8192xf32>
    %mul3A_252 = arith.mulf %get3A_251, %get3A_251 : vector<1x8192xf32>
    %add3A_253 = arith.addf %add3A_248, %mul3A_252 : vector<1x8192xf32>
    %get3A_254 = arith.constant 46 : index
    %get3A_255 = arith.constant 0 : index
    %get3A_256 = vector.load %arg3[%get3A_254, %get3A_255] : memref<64x8192xf32, #tpu.memory_space<vmem>>, vector<1x8192xf32>
    %mul3A_257 = arith.mulf %get3A_256, %get3A_256 : vector<1x8192xf32>
    %add3A_258 = arith.addf %add3A_253, %mul3A_257 : vector<1x8192xf32>
    %get3A_259 = arith.constant 47 : index
    %get3A_260 = arith.constant 0 : index
    %get3A_261 = vector.load %arg3[%get3A_259, %get3A_260] : memref<64x8192xf32, #tpu.memory_space<vmem>>, vector<1x8192xf32>
    %mul3A_262 = arith.mulf %get3A_261, %get3A_261 : vector<1x8192xf32>
    %add3A_263 = arith.addf %add3A_258, %mul3A_262 : vector<1x8192xf32>
    %get3A_264 = arith.constant 48 : index
    %get3A_265 = arith.constant 0 : index
    %get3A_266 = vector.load %arg3[%get3A_264, %get3A_265] : memref<64x8192xf32, #tpu.memory_space<vmem>>, vector<1x8192xf32>
    %mul3A_267 = arith.mulf %get3A_266, %get3A_266 : vector<1x8192xf32>
    %add3A_268 = arith.addf %add3A_263, %mul3A_267 : vector<1x8192xf32>
    %get3A_269 = arith.constant 49 : index
    %get3A_270 = arith.constant 0 : index
    %get3A_271 = vector.load %arg3[%get3A_269, %get3A_270] : memref<64x8192xf32, #tpu.memory_space<vmem>>, vector<1x8192xf32>
    %mul3A_272 = arith.mulf %get3A_271, %get3A_271 : vector<1x8192xf32>
    %add3A_273 = arith.addf %add3A_268, %mul3A_272 : vector<1x8192xf32>
    %get3A_274 = arith.constant 50 : index
    %get3A_275 = arith.constant 0 : index
    %get3A_276 = vector.load %arg3[%get3A_274, %get3A_275] : memref<64x8192xf32, #tpu.memory_space<vmem>>, vector<1x8192xf32>
    %mul3A_277 = arith.mulf %get3A_276, %get3A_276 : vector<1x8192xf32>
    %add3A_278 = arith.addf %add3A_273, %mul3A_277 : vector<1x8192xf32>
    %get3A_279 = arith.constant 51 : index
    %get3A_280 = arith.constant 0 : index
    %get3A_281 = vector.load %arg3[%get3A_279, %get3A_280] : memref<64x8192xf32, #tpu.memory_space<vmem>>, vector<1x8192xf32>
    %mul3A_282 = arith.mulf %get3A_281, %get3A_281 : vector<1x8192xf32>
    %add3A_283 = arith.addf %add3A_278, %mul3A_282 : vector<1x8192xf32>
    %get3A_284 = arith.constant 52 : index
    %get3A_285 = arith.constant 0 : index
    %get3A_286 = vector.load %arg3[%get3A_284, %get3A_285] : memref<64x8192xf32, #tpu.memory_space<vmem>>, vector<1x8192xf32>
    %mul3A_287 = arith.mulf %get3A_286, %get3A_286 : vector<1x8192xf32>
    %add3A_288 = arith.addf %add3A_283, %mul3A_287 : vector<1x8192xf32>
    %get3A_289 = arith.constant 53 : index
    %get3A_290 = arith.constant 0 : index
    %get3A_291 = vector.load %arg3[%get3A_289, %get3A_290] : memref<64x8192xf32, #tpu.memory_space<vmem>>, vector<1x8192xf32>
    %mul3A_292 = arith.mulf %get3A_291, %get3A_291 : vector<1x8192xf32>
    %add3A_293 = arith.addf %add3A_288, %mul3A_292 : vector<1x8192xf32>
    %get3A_294 = arith.constant 54 : index
    %get3A_295 = arith.constant 0 : index
    %get3A_296 = vector.load %arg3[%get3A_294, %get3A_295] : memref<64x8192xf32, #tpu.memory_space<vmem>>, vector<1x8192xf32>
    %mul3A_297 = arith.mulf %get3A_296, %get3A_296 : vector<1x8192xf32>
    %add3A_298 = arith.addf %add3A_293, %mul3A_297 : vector<1x8192xf32>
    %get3A_299 = arith.constant 55 : index
    %get3A_300 = arith.constant 0 : index
    %get3A_301 = vector.load %arg3[%get3A_299, %get3A_300] : memref<64x8192xf32, #tpu.memory_space<vmem>>, vector<1x8192xf32>
    %mul3A_302 = arith.mulf %get3A_301, %get3A_301 : vector<1x8192xf32>
    %add3A_303 = arith.addf %add3A_298, %mul3A_302 : vector<1x8192xf32>
    %get3A_304 = arith.constant 56 : index
    %get3A_305 = arith.constant 0 : index
    %get3A_306 = vector.load %arg3[%get3A_304, %get3A_305] : memref<64x8192xf32, #tpu.memory_space<vmem>>, vector<1x8192xf32>
    %mul3A_307 = arith.mulf %get3A_306, %get3A_306 : vector<1x8192xf32>
    %add3A_308 = arith.addf %add3A_303, %mul3A_307 : vector<1x8192xf32>
    %get3A_309 = arith.constant 57 : index
    %get3A_310 = arith.constant 0 : index
    %get3A_311 = vector.load %arg3[%get3A_309, %get3A_310] : memref<64x8192xf32, #tpu.memory_space<vmem>>, vector<1x8192xf32>
    %mul3A_312 = arith.mulf %get3A_311, %get3A_311 : vector<1x8192xf32>
    %add3A_313 = arith.addf %add3A_308, %mul3A_312 : vector<1x8192xf32>
    %get3A_314 = arith.constant 58 : index
    %get3A_315 = arith.constant 0 : index
    %get3A_316 = vector.load %arg3[%get3A_314, %get3A_315] : memref<64x8192xf32, #tpu.memory_space<vmem>>, vector<1x8192xf32>
    %mul3A_317 = arith.mulf %get3A_316, %get3A_316 : vector<1x8192xf32>
    %add3A_318 = arith.addf %add3A_313, %mul3A_317 : vector<1x8192xf32>
    %get3A_319 = arith.constant 59 : index
    %get3A_320 = arith.constant 0 : index
    %get3A_321 = vector.load %arg3[%get3A_319, %get3A_320] : memref<64x8192xf32, #tpu.memory_space<vmem>>, vector<1x8192xf32>
    %mul3A_322 = arith.mulf %get3A_321, %get3A_321 : vector<1x8192xf32>
    %add3A_323 = arith.addf %add3A_318, %mul3A_322 : vector<1x8192xf32>
    %get3A_324 = arith.constant 60 : index
    %get3A_325 = arith.constant 0 : index
    %get3A_326 = vector.load %arg3[%get3A_324, %get3A_325] : memref<64x8192xf32, #tpu.memory_space<vmem>>, vector<1x8192xf32>
    %mul3A_327 = arith.mulf %get3A_326, %get3A_326 : vector<1x8192xf32>
    %add3A_328 = arith.addf %add3A_323, %mul3A_327 : vector<1x8192xf32>
    %get3A_329 = arith.constant 61 : index
    %get3A_330 = arith.constant 0 : index
    %get3A_331 = vector.load %arg3[%get3A_329, %get3A_330] : memref<64x8192xf32, #tpu.memory_space<vmem>>, vector<1x8192xf32>
    %mul3A_332 = arith.mulf %get3A_331, %get3A_331 : vector<1x8192xf32>
    %add3A_333 = arith.addf %add3A_328, %mul3A_332 : vector<1x8192xf32>
    %get3A_334 = arith.constant 62 : index
    %get3A_335 = arith.constant 0 : index
    %get3A_336 = vector.load %arg3[%get3A_334, %get3A_335] : memref<64x8192xf32, #tpu.memory_space<vmem>>, vector<1x8192xf32>
    %mul3A_337 = arith.mulf %get3A_336, %get3A_336 : vector<1x8192xf32>
    %add3A_338 = arith.addf %add3A_333, %mul3A_337 : vector<1x8192xf32>
    %get3A_339 = arith.constant 63 : index
    %get3A_340 = arith.constant 0 : index
    %get3A_341 = vector.load %arg3[%get3A_339, %get3A_340] : memref<64x8192xf32, #tpu.memory_space<vmem>>, vector<1x8192xf32>
    %mul3A_342 = arith.mulf %get3A_341, %get3A_341 : vector<1x8192xf32>
    %add3A_343 = arith.addf %add3A_338, %mul3A_342 : vector<1x8192xf32>
    %mul3A_344 = arith.mulf %get3A_1, %get3A_1 : vector<128x64xf32>
    %reduce_sum3A = arith.constant dense<0.000000e+00> : vector<128xf32>
    %reduce_sum3A_345 = vector.multi_reduction <add>, %mul3A_344, %reduce_sum3A [1] : vector<128x64xf32> to vector<128xf32>
    %broadcast_in_dim3A = vector.shape_cast %reduce_sum3A_345 : vector<128xf32> to vector<128x1xf32>
    %dot_general3A_346 = arith.constant dense<0.000000e+00> : vector<128x8192xf32>
    %dot_general3A_347 = tpu.matmul %get3A_1, %get3A_4, %dot_general3A_346 {dimension_numbers = #tpu.dot_dimension_numbers<[1], [1], [0], [0], [0, 0, 1, 0], [], []>, transpose_lhs_hint = false} : vector<128x64xf32>, vector<8192x64xf32>, vector<128x8192xf32> -> vector<128x8192xf32>
    %add3A_348 = vector.broadcast %broadcast_in_dim3A : vector<128x1xf32> to vector<128x8192xf32>
    %add3A_349 = vector.broadcast %add3A_343 : vector<1x8192xf32> to vector<128x8192xf32>
    %add3A_350 = arith.addf %add3A_348, %add3A_349 : vector<128x8192xf32>
    %mul3A_351 = arith.constant 2.000000e+00 : f32
    %mul3A_352 = vector.broadcast %mul3A_351 : f32 to vector<128x8192xf32>
    %mul3A_353 = arith.mulf %mul3A_352, %dot_general3A_347 : vector<128x8192xf32>
    %sub3A = arith.subf %add3A_350, %mul3A_353 : vector<128x8192xf32>
    %get3A_354 = arith.constant 0 : index
    %get3A_355 = arith.constant 0 : index
    %get3A_356 = vector.load %arg4[%get3A_354, %get3A_355] : memref<128x1xi32, #tpu.memory_space<vmem>>, vector<128x1xi32>
    %get3A_357 = arith.constant 0 : index
    %get3A_358 = arith.constant 0 : index
    %get3A_359 = vector.load %arg5[%get3A_357, %get3A_358] : memref<1x8192xi32, #tpu.memory_space<vmem>>, vector<1x8192xi32>
    %ne3A = vector.broadcast %get3A_356 : vector<128x1xi32> to vector<128x8192xi32>
    %ne3A_360 = vector.broadcast %get3A_359 : vector<1x8192xi32> to vector<128x8192xi32>
    %ne3A_361 = arith.cmpi ne, %ne3A, %ne3A_360 : vector<128x8192xi32>
    %jit3A = arith.constant 0x7F800000 : f32
    %broadcast_in_dim3A_362 = vector.broadcast %jit3A : f32 to vector<128x8192xf32>
    %select_n3A = arith.select %ne3A_361, %broadcast_in_dim3A_362, %sub3A : vector<128x8192xi1>, vector<128x8192xf32>
    %iota3A = tpu.iota {dimensions = array<i32: 1>} : vector<128x8192xi32>
    %reduce_min3A = arith.constant dense<0x7F800000> : vector<128xf32>
    %reduce_min3A_363 = vector.multi_reduction <minimumf>, %select_n3A, %reduce_min3A [1] : vector<128x8192xf32> to vector<128xf32>
    %broadcast_in_dim3A_364 = vector.shape_cast %reduce_min3A_363 : vector<128xf32> to vector<128x1xf32>
    %eq3A = vector.broadcast %broadcast_in_dim3A_364 : vector<128x1xf32> to vector<128x8192xf32>
    %eq3A_365 = arith.cmpf oeq, %select_n3A, %eq3A : vector<128x8192xf32>
    %jit3A_366 = arith.constant 8192 : i32
    %broadcast_in_dim3A_367 = vector.broadcast %jit3A_366 : i32 to vector<128x8192xi32>
    %select_n3A_368 = arith.select %eq3A_365, %iota3A, %broadcast_in_dim3A_367 : vector<128x8192xi1>, vector<128x8192xi32>
    %reduce_min3A_369 = arith.constant dense<2147483647> : vector<128xi32>
    %reduce_min3A_370 = vector.multi_reduction <minsi>, %select_n3A_368, %reduce_min3A_369 [1] : vector<128x8192xi32> to vector<128xi32>
    %broadcast_in_dim3A_371 = vector.shape_cast %reduce_min3A_370 : vector<128xi32> to vector<128x1xi32>
    %eq3A_372 = vector.broadcast %broadcast_in_dim3A_371 : vector<128x1xi32> to vector<128x8192xi32>
    %eq3A_373 = arith.cmpi eq, %iota3A, %eq3A_372 : vector<128x8192xi32>
    %jit3A_374 = arith.constant 0x7F800000 : f32
    %broadcast_in_dim3A_375 = vector.broadcast %jit3A_374 : f32 to vector<128x8192xf32>
    %select_n3A_376 = arith.select %eq3A_373, %broadcast_in_dim3A_375, %select_n3A : vector<128x8192xi1>, vector<128x8192xf32>
    %reduce_min3A_377 = arith.constant dense<0x7F800000> : vector<128xf32>
    %reduce_min3A_378 = vector.multi_reduction <minimumf>, %select_n3A_376, %reduce_min3A_377 [1] : vector<128x8192xf32> to vector<128xf32>
    %broadcast_in_dim3A_379 = vector.shape_cast %reduce_min3A_378 : vector<128xf32> to vector<128x1xf32>
    %eq3A_380 = vector.broadcast %broadcast_in_dim3A_379 : vector<128x1xf32> to vector<128x8192xf32>
    %eq3A_381 = arith.cmpf oeq, %select_n3A_376, %eq3A_380 : vector<128x8192xf32>
    %jit3A_382 = arith.constant 8192 : i32
    %broadcast_in_dim3A_383 = vector.broadcast %jit3A_382 : i32 to vector<128x8192xi32>
    %select_n3A_384 = arith.select %eq3A_381, %iota3A, %broadcast_in_dim3A_383 : vector<128x8192xi1>, vector<128x8192xi32>
    %reduce_min3A_385 = arith.constant dense<2147483647> : vector<128xi32>
    %reduce_min3A_386 = vector.multi_reduction <minsi>, %select_n3A_384, %reduce_min3A_385 [1] : vector<128x8192xi32> to vector<128xi32>
    %broadcast_in_dim3A_387 = vector.shape_cast %reduce_min3A_386 : vector<128xi32> to vector<128x1xi32>
    %eq3A_388 = vector.broadcast %broadcast_in_dim3A_387 : vector<128x1xi32> to vector<128x8192xi32>
    %eq3A_389 = arith.cmpi eq, %iota3A, %eq3A_388 : vector<128x8192xi32>
    %jit3A_390 = arith.constant 0x7F800000 : f32
    %broadcast_in_dim3A_391 = vector.broadcast %jit3A_390 : f32 to vector<128x8192xf32>
    %select_n3A_392 = arith.select %eq3A_389, %broadcast_in_dim3A_391, %select_n3A_376 : vector<128x8192xi1>, vector<128x8192xf32>
    %reduce_min3A_393 = arith.constant dense<0x7F800000> : vector<128xf32>
    %reduce_min3A_394 = vector.multi_reduction <minimumf>, %select_n3A_392, %reduce_min3A_393 [1] : vector<128x8192xf32> to vector<128xf32>
    %broadcast_in_dim3A_395 = vector.shape_cast %reduce_min3A_394 : vector<128xf32> to vector<128x1xf32>
    %eq3A_396 = vector.broadcast %broadcast_in_dim3A_395 : vector<128x1xf32> to vector<128x8192xf32>
    %eq3A_397 = arith.cmpf oeq, %select_n3A_392, %eq3A_396 : vector<128x8192xf32>
    %jit3A_398 = arith.constant 8192 : i32
    %broadcast_in_dim3A_399 = vector.broadcast %jit3A_398 : i32 to vector<128x8192xi32>
    %select_n3A_400 = arith.select %eq3A_397, %iota3A, %broadcast_in_dim3A_399 : vector<128x8192xi1>, vector<128x8192xi32>
    %reduce_min3A_401 = arith.constant dense<2147483647> : vector<128xi32>
    %reduce_min3A_402 = vector.multi_reduction <minsi>, %select_n3A_400, %reduce_min3A_401 [1] : vector<128x8192xi32> to vector<128xi32>
    %broadcast_in_dim3A_403 = vector.shape_cast %reduce_min3A_402 : vector<128xi32> to vector<128x1xi32>
    %eq3A_404 = vector.broadcast %broadcast_in_dim3A_403 : vector<128x1xi32> to vector<128x8192xi32>
    %eq3A_405 = arith.cmpi eq, %iota3A, %eq3A_404 : vector<128x8192xi32>
    %jit3A_406 = arith.constant 0x7F800000 : f32
    %broadcast_in_dim3A_407 = vector.broadcast %jit3A_406 : f32 to vector<128x8192xf32>
    %select_n3A_408 = arith.select %eq3A_405, %broadcast_in_dim3A_407, %select_n3A_392 : vector<128x8192xi1>, vector<128x8192xf32>
    %reduce_min3A_409 = arith.constant dense<0x7F800000> : vector<128xf32>
    %reduce_min3A_410 = vector.multi_reduction <minimumf>, %select_n3A_408, %reduce_min3A_409 [1] : vector<128x8192xf32> to vector<128xf32>
    %broadcast_in_dim3A_411 = vector.shape_cast %reduce_min3A_410 : vector<128xf32> to vector<128x1xf32>
    %eq3A_412 = vector.broadcast %broadcast_in_dim3A_411 : vector<128x1xf32> to vector<128x8192xf32>
    %eq3A_413 = arith.cmpf oeq, %select_n3A_408, %eq3A_412 : vector<128x8192xf32>
    %jit3A_414 = arith.constant 8192 : i32
    %broadcast_in_dim3A_415 = vector.broadcast %jit3A_414 : i32 to vector<128x8192xi32>
    %select_n3A_416 = arith.select %eq3A_413, %iota3A, %broadcast_in_dim3A_415 : vector<128x8192xi1>, vector<128x8192xi32>
    %reduce_min3A_417 = arith.constant dense<2147483647> : vector<128xi32>
    %reduce_min3A_418 = vector.multi_reduction <minsi>, %select_n3A_416, %reduce_min3A_417 [1] : vector<128x8192xi32> to vector<128xi32>
    %broadcast_in_dim3A_419 = vector.shape_cast %reduce_min3A_418 : vector<128xi32> to vector<128x1xi32>
    %eq3A_420 = vector.broadcast %broadcast_in_dim3A_419 : vector<128x1xi32> to vector<128x8192xi32>
    %eq3A_421 = arith.cmpi eq, %iota3A, %eq3A_420 : vector<128x8192xi32>
    %jit3A_422 = arith.constant 0x7F800000 : f32
    %broadcast_in_dim3A_423 = vector.broadcast %jit3A_422 : f32 to vector<128x8192xf32>
    %select_n3A_424 = arith.select %eq3A_421, %broadcast_in_dim3A_423, %select_n3A_408 : vector<128x8192xi1>, vector<128x8192xf32>
    %reduce_min3A_425 = arith.constant dense<0x7F800000> : vector<128xf32>
    %reduce_min3A_426 = vector.multi_reduction <minimumf>, %select_n3A_424, %reduce_min3A_425 [1] : vector<128x8192xf32> to vector<128xf32>
    %broadcast_in_dim3A_427 = vector.shape_cast %reduce_min3A_426 : vector<128xf32> to vector<128x1xf32>
    %eq3A_428 = vector.broadcast %broadcast_in_dim3A_427 : vector<128x1xf32> to vector<128x8192xf32>
    %eq3A_429 = arith.cmpf oeq, %select_n3A_424, %eq3A_428 : vector<128x8192xf32>
    %jit3A_430 = arith.constant 8192 : i32
    %broadcast_in_dim3A_431 = vector.broadcast %jit3A_430 : i32 to vector<128x8192xi32>
    %select_n3A_432 = arith.select %eq3A_429, %iota3A, %broadcast_in_dim3A_431 : vector<128x8192xi1>, vector<128x8192xi32>
    %reduce_min3A_433 = arith.constant dense<2147483647> : vector<128xi32>
    %reduce_min3A_434 = vector.multi_reduction <minsi>, %select_n3A_432, %reduce_min3A_433 [1] : vector<128x8192xi32> to vector<128xi32>
    %broadcast_in_dim3A_435 = vector.shape_cast %reduce_min3A_434 : vector<128xi32> to vector<128x1xi32>
    %eq3A_436 = vector.broadcast %broadcast_in_dim3A_435 : vector<128x1xi32> to vector<128x8192xi32>
    %eq3A_437 = arith.cmpi eq, %iota3A, %eq3A_436 : vector<128x8192xi32>
    %jit3A_438 = arith.constant 0x7F800000 : f32
    %broadcast_in_dim3A_439 = vector.broadcast %jit3A_438 : f32 to vector<128x8192xf32>
    %select_n3A_440 = arith.select %eq3A_437, %broadcast_in_dim3A_439, %select_n3A_424 : vector<128x8192xi1>, vector<128x8192xf32>
    %reduce_min3A_441 = arith.constant dense<0x7F800000> : vector<128xf32>
    %reduce_min3A_442 = vector.multi_reduction <minimumf>, %select_n3A_440, %reduce_min3A_441 [1] : vector<128x8192xf32> to vector<128xf32>
    %broadcast_in_dim3A_443 = vector.shape_cast %reduce_min3A_442 : vector<128xf32> to vector<128x1xf32>
    %eq3A_444 = vector.broadcast %broadcast_in_dim3A_443 : vector<128x1xf32> to vector<128x8192xf32>
    %eq3A_445 = arith.cmpf oeq, %select_n3A_440, %eq3A_444 : vector<128x8192xf32>
    %jit3A_446 = arith.constant 8192 : i32
    %broadcast_in_dim3A_447 = vector.broadcast %jit3A_446 : i32 to vector<128x8192xi32>
    %select_n3A_448 = arith.select %eq3A_445, %iota3A, %broadcast_in_dim3A_447 : vector<128x8192xi1>, vector<128x8192xi32>
    %reduce_min3A_449 = arith.constant dense<2147483647> : vector<128xi32>
    %reduce_min3A_450 = vector.multi_reduction <minsi>, %select_n3A_448, %reduce_min3A_449 [1] : vector<128x8192xi32> to vector<128xi32>
    %broadcast_in_dim3A_451 = vector.shape_cast %reduce_min3A_450 : vector<128xi32> to vector<128x1xi32>
    %eq3A_452 = vector.broadcast %broadcast_in_dim3A_451 : vector<128x1xi32> to vector<128x8192xi32>
    %eq3A_453 = arith.cmpi eq, %iota3A, %eq3A_452 : vector<128x8192xi32>
    %jit3A_454 = arith.constant 0x7F800000 : f32
    %broadcast_in_dim3A_455 = vector.broadcast %jit3A_454 : f32 to vector<128x8192xf32>
    %select_n3A_456 = arith.select %eq3A_453, %broadcast_in_dim3A_455, %select_n3A_440 : vector<128x8192xi1>, vector<128x8192xf32>
    %reduce_min3A_457 = arith.constant dense<0x7F800000> : vector<128xf32>
    %reduce_min3A_458 = vector.multi_reduction <minimumf>, %select_n3A_456, %reduce_min3A_457 [1] : vector<128x8192xf32> to vector<128xf32>
    %broadcast_in_dim3A_459 = vector.shape_cast %reduce_min3A_458 : vector<128xf32> to vector<128x1xf32>
    %eq3A_460 = vector.broadcast %broadcast_in_dim3A_459 : vector<128x1xf32> to vector<128x8192xf32>
    %eq3A_461 = arith.cmpf oeq, %select_n3A_456, %eq3A_460 : vector<128x8192xf32>
    %jit3A_462 = arith.constant 8192 : i32
    %broadcast_in_dim3A_463 = vector.broadcast %jit3A_462 : i32 to vector<128x8192xi32>
    %select_n3A_464 = arith.select %eq3A_461, %iota3A, %broadcast_in_dim3A_463 : vector<128x8192xi1>, vector<128x8192xi32>
    %reduce_min3A_465 = arith.constant dense<2147483647> : vector<128xi32>
    %reduce_min3A_466 = vector.multi_reduction <minsi>, %select_n3A_464, %reduce_min3A_465 [1] : vector<128x8192xi32> to vector<128xi32>
    %broadcast_in_dim3A_467 = vector.shape_cast %reduce_min3A_466 : vector<128xi32> to vector<128x1xi32>
    %eq3A_468 = vector.broadcast %broadcast_in_dim3A_467 : vector<128x1xi32> to vector<128x8192xi32>
    %eq3A_469 = arith.cmpi eq, %iota3A, %eq3A_468 : vector<128x8192xi32>
    %jit3A_470 = arith.constant 0x7F800000 : f32
    %broadcast_in_dim3A_471 = vector.broadcast %jit3A_470 : f32 to vector<128x8192xf32>
    %select_n3A_472 = arith.select %eq3A_469, %broadcast_in_dim3A_471, %select_n3A_456 : vector<128x8192xi1>, vector<128x8192xf32>
    %reduce_min3A_473 = arith.constant dense<0x7F800000> : vector<128xf32>
    %reduce_min3A_474 = vector.multi_reduction <minimumf>, %select_n3A_472, %reduce_min3A_473 [1] : vector<128x8192xf32> to vector<128xf32>
    %broadcast_in_dim3A_475 = vector.shape_cast %reduce_min3A_474 : vector<128xf32> to vector<128x1xf32>
    %eq3A_476 = vector.broadcast %broadcast_in_dim3A_475 : vector<128x1xf32> to vector<128x8192xf32>
    %eq3A_477 = arith.cmpf oeq, %select_n3A_472, %eq3A_476 : vector<128x8192xf32>
    %jit3A_478 = arith.constant 8192 : i32
    %broadcast_in_dim3A_479 = vector.broadcast %jit3A_478 : i32 to vector<128x8192xi32>
    %select_n3A_480 = arith.select %eq3A_477, %iota3A, %broadcast_in_dim3A_479 : vector<128x8192xi1>, vector<128x8192xi32>
    %reduce_min3A_481 = arith.constant dense<2147483647> : vector<128xi32>
    %reduce_min3A_482 = vector.multi_reduction <minsi>, %select_n3A_480, %reduce_min3A_481 [1] : vector<128x8192xi32> to vector<128xi32>
    %broadcast_in_dim3A_483 = vector.shape_cast %reduce_min3A_482 : vector<128xi32> to vector<128x1xi32>
    %eq3A_484 = vector.broadcast %broadcast_in_dim3A_483 : vector<128x1xi32> to vector<128x8192xi32>
    %eq3A_485 = arith.cmpi eq, %iota3A, %eq3A_484 : vector<128x8192xi32>
    %jit3A_486 = arith.constant 0x7F800000 : f32
    %broadcast_in_dim3A_487 = vector.broadcast %jit3A_486 : f32 to vector<128x8192xf32>
    %select_n3A_488 = arith.select %eq3A_485, %broadcast_in_dim3A_487, %select_n3A_472 : vector<128x8192xi1>, vector<128x8192xf32>
    %reduce_min3A_489 = arith.constant dense<0x7F800000> : vector<128xf32>
    %reduce_min3A_490 = vector.multi_reduction <minimumf>, %select_n3A_488, %reduce_min3A_489 [1] : vector<128x8192xf32> to vector<128xf32>
    %broadcast_in_dim3A_491 = vector.shape_cast %reduce_min3A_490 : vector<128xf32> to vector<128x1xf32>
    %eq3A_492 = vector.broadcast %broadcast_in_dim3A_491 : vector<128x1xf32> to vector<128x8192xf32>
    %eq3A_493 = arith.cmpf oeq, %select_n3A_488, %eq3A_492 : vector<128x8192xf32>
    %jit3A_494 = arith.constant 8192 : i32
    %broadcast_in_dim3A_495 = vector.broadcast %jit3A_494 : i32 to vector<128x8192xi32>
    %select_n3A_496 = arith.select %eq3A_493, %iota3A, %broadcast_in_dim3A_495 : vector<128x8192xi1>, vector<128x8192xi32>
    %reduce_min3A_497 = arith.constant dense<2147483647> : vector<128xi32>
    %reduce_min3A_498 = vector.multi_reduction <minsi>, %select_n3A_496, %reduce_min3A_497 [1] : vector<128x8192xi32> to vector<128xi32>
    %broadcast_in_dim3A_499 = vector.shape_cast %reduce_min3A_498 : vector<128xi32> to vector<128x1xi32>
    %eq3A_500 = vector.broadcast %broadcast_in_dim3A_499 : vector<128x1xi32> to vector<128x8192xi32>
    %eq3A_501 = arith.cmpi eq, %iota3A, %eq3A_500 : vector<128x8192xi32>
    %jit3A_502 = arith.constant 0x7F800000 : f32
    %broadcast_in_dim3A_503 = vector.broadcast %jit3A_502 : f32 to vector<128x8192xf32>
    %select_n3A_504 = arith.select %eq3A_501, %broadcast_in_dim3A_503, %select_n3A_488 : vector<128x8192xi1>, vector<128x8192xf32>
    %reduce_min3A_505 = arith.constant dense<0x7F800000> : vector<128xf32>
    %reduce_min3A_506 = vector.multi_reduction <minimumf>, %select_n3A_504, %reduce_min3A_505 [1] : vector<128x8192xf32> to vector<128xf32>
    %broadcast_in_dim3A_507 = vector.shape_cast %reduce_min3A_506 : vector<128xf32> to vector<128x1xf32>
    %eq3A_508 = vector.broadcast %broadcast_in_dim3A_507 : vector<128x1xf32> to vector<128x8192xf32>
    %eq3A_509 = arith.cmpf oeq, %select_n3A_504, %eq3A_508 : vector<128x8192xf32>
    %jit3A_510 = arith.constant 8192 : i32
    %broadcast_in_dim3A_511 = vector.broadcast %jit3A_510 : i32 to vector<128x8192xi32>
    %select_n3A_512 = arith.select %eq3A_509, %iota3A, %broadcast_in_dim3A_511 : vector<128x8192xi1>, vector<128x8192xi32>
    %reduce_min3A_513 = arith.constant dense<2147483647> : vector<128xi32>
    %reduce_min3A_514 = vector.multi_reduction <minsi>, %select_n3A_512, %reduce_min3A_513 [1] : vector<128x8192xi32> to vector<128xi32>
    %broadcast_in_dim3A_515 = vector.shape_cast %reduce_min3A_514 : vector<128xi32> to vector<128x1xi32>
    %eq3A_516 = vector.broadcast %broadcast_in_dim3A_515 : vector<128x1xi32> to vector<128x8192xi32>
    %eq3A_517 = arith.cmpi eq, %iota3A, %eq3A_516 : vector<128x8192xi32>
    %jit3A_518 = arith.constant 0x7F800000 : f32
    %broadcast_in_dim3A_519 = vector.broadcast %jit3A_518 : f32 to vector<128x8192xf32>
    %select_n3A_520 = arith.select %eq3A_517, %broadcast_in_dim3A_519, %select_n3A_504 : vector<128x8192xi1>, vector<128x8192xf32>
    %reduce_min3A_521 = arith.constant dense<0x7F800000> : vector<128xf32>
    %reduce_min3A_522 = vector.multi_reduction <minimumf>, %select_n3A_520, %reduce_min3A_521 [1] : vector<128x8192xf32> to vector<128xf32>
    %broadcast_in_dim3A_523 = vector.shape_cast %reduce_min3A_522 : vector<128xf32> to vector<128x1xf32>
    %eq3A_524 = vector.broadcast %broadcast_in_dim3A_523 : vector<128x1xf32> to vector<128x8192xf32>
    %eq3A_525 = arith.cmpf oeq, %select_n3A_520, %eq3A_524 : vector<128x8192xf32>
    %jit3A_526 = arith.constant 8192 : i32
    %broadcast_in_dim3A_527 = vector.broadcast %jit3A_526 : i32 to vector<128x8192xi32>
    %select_n3A_528 = arith.select %eq3A_525, %iota3A, %broadcast_in_dim3A_527 : vector<128x8192xi1>, vector<128x8192xi32>
    %reduce_min3A_529 = arith.constant dense<2147483647> : vector<128xi32>
    %reduce_min3A_530 = vector.multi_reduction <minsi>, %select_n3A_528, %reduce_min3A_529 [1] : vector<128x8192xi32> to vector<128xi32>
    %broadcast_in_dim3A_531 = vector.shape_cast %reduce_min3A_530 : vector<128xi32> to vector<128x1xi32>
    %eq3A_532 = vector.broadcast %broadcast_in_dim3A_531 : vector<128x1xi32> to vector<128x8192xi32>
    %eq3A_533 = arith.cmpi eq, %iota3A, %eq3A_532 : vector<128x8192xi32>
    %jit3A_534 = arith.constant 0x7F800000 : f32
    %broadcast_in_dim3A_535 = vector.broadcast %jit3A_534 : f32 to vector<128x8192xf32>
    %select_n3A_536 = arith.select %eq3A_533, %broadcast_in_dim3A_535, %select_n3A_520 : vector<128x8192xi1>, vector<128x8192xf32>
    %reduce_min3A_537 = arith.constant dense<0x7F800000> : vector<128xf32>
    %reduce_min3A_538 = vector.multi_reduction <minimumf>, %select_n3A_536, %reduce_min3A_537 [1] : vector<128x8192xf32> to vector<128xf32>
    %broadcast_in_dim3A_539 = vector.shape_cast %reduce_min3A_538 : vector<128xf32> to vector<128x1xf32>
    %eq3A_540 = vector.broadcast %broadcast_in_dim3A_539 : vector<128x1xf32> to vector<128x8192xf32>
    %eq3A_541 = arith.cmpf oeq, %select_n3A_536, %eq3A_540 : vector<128x8192xf32>
    %jit3A_542 = arith.constant 8192 : i32
    %broadcast_in_dim3A_543 = vector.broadcast %jit3A_542 : i32 to vector<128x8192xi32>
    %select_n3A_544 = arith.select %eq3A_541, %iota3A, %broadcast_in_dim3A_543 : vector<128x8192xi1>, vector<128x8192xi32>
    %reduce_min3A_545 = arith.constant dense<2147483647> : vector<128xi32>
    %reduce_min3A_546 = vector.multi_reduction <minsi>, %select_n3A_544, %reduce_min3A_545 [1] : vector<128x8192xi32> to vector<128xi32>
    %broadcast_in_dim3A_547 = vector.shape_cast %reduce_min3A_546 : vector<128xi32> to vector<128x1xi32>
    %eq3A_548 = vector.broadcast %broadcast_in_dim3A_547 : vector<128x1xi32> to vector<128x8192xi32>
    %eq3A_549 = arith.cmpi eq, %iota3A, %eq3A_548 : vector<128x8192xi32>
    %jit3A_550 = arith.constant 0x7F800000 : f32
    %broadcast_in_dim3A_551 = vector.broadcast %jit3A_550 : f32 to vector<128x8192xf32>
    %select_n3A_552 = arith.select %eq3A_549, %broadcast_in_dim3A_551, %select_n3A_536 : vector<128x8192xi1>, vector<128x8192xf32>
    %reduce_min3A_553 = arith.constant dense<0x7F800000> : vector<128xf32>
    %reduce_min3A_554 = vector.multi_reduction <minimumf>, %select_n3A_552, %reduce_min3A_553 [1] : vector<128x8192xf32> to vector<128xf32>
    %broadcast_in_dim3A_555 = vector.shape_cast %reduce_min3A_554 : vector<128xf32> to vector<128x1xf32>
    %eq3A_556 = vector.broadcast %broadcast_in_dim3A_555 : vector<128x1xf32> to vector<128x8192xf32>
    %eq3A_557 = arith.cmpf oeq, %select_n3A_552, %eq3A_556 : vector<128x8192xf32>
    %jit3A_558 = arith.constant 8192 : i32
    %broadcast_in_dim3A_559 = vector.broadcast %jit3A_558 : i32 to vector<128x8192xi32>
    %select_n3A_560 = arith.select %eq3A_557, %iota3A, %broadcast_in_dim3A_559 : vector<128x8192xi1>, vector<128x8192xi32>
    %reduce_min3A_561 = arith.constant dense<2147483647> : vector<128xi32>
    %reduce_min3A_562 = vector.multi_reduction <minsi>, %select_n3A_560, %reduce_min3A_561 [1] : vector<128x8192xi32> to vector<128xi32>
    %broadcast_in_dim3A_563 = vector.shape_cast %reduce_min3A_562 : vector<128xi32> to vector<128x1xi32>
    %eq3A_564 = vector.broadcast %broadcast_in_dim3A_563 : vector<128x1xi32> to vector<128x8192xi32>
    %eq3A_565 = arith.cmpi eq, %iota3A, %eq3A_564 : vector<128x8192xi32>
    %jit3A_566 = arith.constant 0x7F800000 : f32
    %broadcast_in_dim3A_567 = vector.broadcast %jit3A_566 : f32 to vector<128x8192xf32>
    %select_n3A_568 = arith.select %eq3A_565, %broadcast_in_dim3A_567, %select_n3A_552 : vector<128x8192xi1>, vector<128x8192xf32>
    %reduce_min3A_569 = arith.constant dense<0x7F800000> : vector<128xf32>
    %reduce_min3A_570 = vector.multi_reduction <minimumf>, %select_n3A_568, %reduce_min3A_569 [1] : vector<128x8192xf32> to vector<128xf32>
    %broadcast_in_dim3A_571 = vector.shape_cast %reduce_min3A_570 : vector<128xf32> to vector<128x1xf32>
    %eq3A_572 = vector.broadcast %broadcast_in_dim3A_571 : vector<128x1xf32> to vector<128x8192xf32>
    %eq3A_573 = arith.cmpf oeq, %select_n3A_568, %eq3A_572 : vector<128x8192xf32>
    %jit3A_574 = arith.constant 8192 : i32
    %broadcast_in_dim3A_575 = vector.broadcast %jit3A_574 : i32 to vector<128x8192xi32>
    %select_n3A_576 = arith.select %eq3A_573, %iota3A, %broadcast_in_dim3A_575 : vector<128x8192xi1>, vector<128x8192xi32>
    %reduce_min3A_577 = arith.constant dense<2147483647> : vector<128xi32>
    %reduce_min3A_578 = vector.multi_reduction <minsi>, %select_n3A_576, %reduce_min3A_577 [1] : vector<128x8192xi32> to vector<128xi32>
    %broadcast_in_dim3A_579 = vector.shape_cast %reduce_min3A_578 : vector<128xi32> to vector<128x1xi32>
    %eq3A_580 = vector.broadcast %broadcast_in_dim3A_579 : vector<128x1xi32> to vector<128x8192xi32>
    %eq3A_581 = arith.cmpi eq, %iota3A, %eq3A_580 : vector<128x8192xi32>
    %jit3A_582 = arith.constant 0x7F800000 : f32
    %broadcast_in_dim3A_583 = vector.broadcast %jit3A_582 : f32 to vector<128x8192xf32>
    %select_n3A_584 = arith.select %eq3A_581, %broadcast_in_dim3A_583, %select_n3A_568 : vector<128x8192xi1>, vector<128x8192xf32>
    %reduce_min3A_585 = arith.constant dense<0x7F800000> : vector<128xf32>
    %reduce_min3A_586 = vector.multi_reduction <minimumf>, %select_n3A_584, %reduce_min3A_585 [1] : vector<128x8192xf32> to vector<128xf32>
    %broadcast_in_dim3A_587 = vector.shape_cast %reduce_min3A_586 : vector<128xf32> to vector<128x1xf32>
    %eq3A_588 = vector.broadcast %broadcast_in_dim3A_587 : vector<128x1xf32> to vector<128x8192xf32>
    %eq3A_589 = arith.cmpf oeq, %select_n3A_584, %eq3A_588 : vector<128x8192xf32>
    %jit3A_590 = arith.constant 8192 : i32
    %broadcast_in_dim3A_591 = vector.broadcast %jit3A_590 : i32 to vector<128x8192xi32>
    %select_n3A_592 = arith.select %eq3A_589, %iota3A, %broadcast_in_dim3A_591 : vector<128x8192xi1>, vector<128x8192xi32>
    %reduce_min3A_593 = arith.constant dense<2147483647> : vector<128xi32>
    %reduce_min3A_594 = vector.multi_reduction <minsi>, %select_n3A_592, %reduce_min3A_593 [1] : vector<128x8192xi32> to vector<128xi32>
    %broadcast_in_dim3A_595 = vector.shape_cast %reduce_min3A_594 : vector<128xi32> to vector<128x1xi32>
    %eq3A_596 = vector.broadcast %broadcast_in_dim3A_595 : vector<128x1xi32> to vector<128x8192xi32>
    %eq3A_597 = arith.cmpi eq, %iota3A, %eq3A_596 : vector<128x8192xi32>
    %jit3A_598 = arith.constant 0x7F800000 : f32
    %broadcast_in_dim3A_599 = vector.broadcast %jit3A_598 : f32 to vector<128x8192xf32>
    %select_n3A_600 = arith.select %eq3A_597, %broadcast_in_dim3A_599, %select_n3A_584 : vector<128x8192xi1>, vector<128x8192xf32>
    %reduce_min3A_601 = arith.constant dense<0x7F800000> : vector<128xf32>
    %reduce_min3A_602 = vector.multi_reduction <minimumf>, %select_n3A_600, %reduce_min3A_601 [1] : vector<128x8192xf32> to vector<128xf32>
    %broadcast_in_dim3A_603 = vector.shape_cast %reduce_min3A_602 : vector<128xf32> to vector<128x1xf32>
    %eq3A_604 = vector.broadcast %broadcast_in_dim3A_603 : vector<128x1xf32> to vector<128x8192xf32>
    %eq3A_605 = arith.cmpf oeq, %select_n3A_600, %eq3A_604 : vector<128x8192xf32>
    %jit3A_606 = arith.constant 8192 : i32
    %broadcast_in_dim3A_607 = vector.broadcast %jit3A_606 : i32 to vector<128x8192xi32>
    %select_n3A_608 = arith.select %eq3A_605, %iota3A, %broadcast_in_dim3A_607 : vector<128x8192xi1>, vector<128x8192xi32>
    %reduce_min3A_609 = arith.constant dense<2147483647> : vector<128xi32>
    %reduce_min3A_610 = vector.multi_reduction <minsi>, %select_n3A_608, %reduce_min3A_609 [1] : vector<128x8192xi32> to vector<128xi32>
    %broadcast_in_dim3A_611 = vector.shape_cast %reduce_min3A_610 : vector<128xi32> to vector<128x1xi32>
    %eq3A_612 = vector.broadcast %broadcast_in_dim3A_611 : vector<128x1xi32> to vector<128x8192xi32>
    %eq3A_613 = arith.cmpi eq, %iota3A, %eq3A_612 : vector<128x8192xi32>
    %jit3A_614 = arith.constant 0x7F800000 : f32
    %broadcast_in_dim3A_615 = vector.broadcast %jit3A_614 : f32 to vector<128x8192xf32>
    %select_n3A_616 = arith.select %eq3A_613, %broadcast_in_dim3A_615, %select_n3A_600 : vector<128x8192xi1>, vector<128x8192xf32>
    %reduce_min3A_617 = arith.constant dense<0x7F800000> : vector<128xf32>
    %reduce_min3A_618 = vector.multi_reduction <minimumf>, %select_n3A_616, %reduce_min3A_617 [1] : vector<128x8192xf32> to vector<128xf32>
    %broadcast_in_dim3A_619 = vector.shape_cast %reduce_min3A_618 : vector<128xf32> to vector<128x1xf32>
    %eq3A_620 = vector.broadcast %broadcast_in_dim3A_619 : vector<128x1xf32> to vector<128x8192xf32>
    %eq3A_621 = arith.cmpf oeq, %select_n3A_616, %eq3A_620 : vector<128x8192xf32>
    %jit3A_622 = arith.constant 8192 : i32
    %broadcast_in_dim3A_623 = vector.broadcast %jit3A_622 : i32 to vector<128x8192xi32>
    %select_n3A_624 = arith.select %eq3A_621, %iota3A, %broadcast_in_dim3A_623 : vector<128x8192xi1>, vector<128x8192xi32>
    %reduce_min3A_625 = arith.constant dense<2147483647> : vector<128xi32>
    %reduce_min3A_626 = vector.multi_reduction <minsi>, %select_n3A_624, %reduce_min3A_625 [1] : vector<128x8192xi32> to vector<128xi32>
    %broadcast_in_dim3A_627 = vector.shape_cast %reduce_min3A_626 : vector<128xi32> to vector<128x1xi32>
    %eq3A_628 = vector.broadcast %broadcast_in_dim3A_627 : vector<128x1xi32> to vector<128x8192xi32>
    %eq3A_629 = arith.cmpi eq, %iota3A, %eq3A_628 : vector<128x8192xi32>
    %jit3A_630 = arith.constant 0x7F800000 : f32
    %broadcast_in_dim3A_631 = vector.broadcast %jit3A_630 : f32 to vector<128x8192xf32>
    %select_n3A_632 = arith.select %eq3A_629, %broadcast_in_dim3A_631, %select_n3A_616 : vector<128x8192xi1>, vector<128x8192xf32>
    %reduce_min3A_633 = arith.constant dense<0x7F800000> : vector<128xf32>
    %reduce_min3A_634 = vector.multi_reduction <minimumf>, %select_n3A_632, %reduce_min3A_633 [1] : vector<128x8192xf32> to vector<128xf32>
    %broadcast_in_dim3A_635 = vector.shape_cast %reduce_min3A_634 : vector<128xf32> to vector<128x1xf32>
    %eq3A_636 = vector.broadcast %broadcast_in_dim3A_635 : vector<128x1xf32> to vector<128x8192xf32>
    %eq3A_637 = arith.cmpf oeq, %select_n3A_632, %eq3A_636 : vector<128x8192xf32>
    %jit3A_638 = arith.constant 8192 : i32
    %broadcast_in_dim3A_639 = vector.broadcast %jit3A_638 : i32 to vector<128x8192xi32>
    %select_n3A_640 = arith.select %eq3A_637, %iota3A, %broadcast_in_dim3A_639 : vector<128x8192xi1>, vector<128x8192xi32>
    %reduce_min3A_641 = arith.constant dense<2147483647> : vector<128xi32>
    %reduce_min3A_642 = vector.multi_reduction <minsi>, %select_n3A_640, %reduce_min3A_641 [1] : vector<128x8192xi32> to vector<128xi32>
    %broadcast_in_dim3A_643 = vector.shape_cast %reduce_min3A_642 : vector<128xi32> to vector<128x1xi32>
    %eq3A_644 = vector.broadcast %broadcast_in_dim3A_643 : vector<128x1xi32> to vector<128x8192xi32>
    %eq3A_645 = arith.cmpi eq, %iota3A, %eq3A_644 : vector<128x8192xi32>
    %jit3A_646 = arith.constant 0x7F800000 : f32
    %broadcast_in_dim3A_647 = vector.broadcast %jit3A_646 : f32 to vector<128x8192xf32>
    %select_n3A_648 = arith.select %eq3A_645, %broadcast_in_dim3A_647, %select_n3A_632 : vector<128x8192xi1>, vector<128x8192xf32>
    %reduce_min3A_649 = arith.constant dense<0x7F800000> : vector<128xf32>
    %reduce_min3A_650 = vector.multi_reduction <minimumf>, %select_n3A_648, %reduce_min3A_649 [1] : vector<128x8192xf32> to vector<128xf32>
    %broadcast_in_dim3A_651 = vector.shape_cast %reduce_min3A_650 : vector<128xf32> to vector<128x1xf32>
    %eq3A_652 = vector.broadcast %broadcast_in_dim3A_651 : vector<128x1xf32> to vector<128x8192xf32>
    %eq3A_653 = arith.cmpf oeq, %select_n3A_648, %eq3A_652 : vector<128x8192xf32>
    %jit3A_654 = arith.constant 8192 : i32
    %broadcast_in_dim3A_655 = vector.broadcast %jit3A_654 : i32 to vector<128x8192xi32>
    %select_n3A_656 = arith.select %eq3A_653, %iota3A, %broadcast_in_dim3A_655 : vector<128x8192xi1>, vector<128x8192xi32>
    %reduce_min3A_657 = arith.constant dense<2147483647> : vector<128xi32>
    %reduce_min3A_658 = vector.multi_reduction <minsi>, %select_n3A_656, %reduce_min3A_657 [1] : vector<128x8192xi32> to vector<128xi32>
    %broadcast_in_dim3A_659 = vector.shape_cast %reduce_min3A_658 : vector<128xi32> to vector<128x1xi32>
    %eq3A_660 = vector.broadcast %broadcast_in_dim3A_659 : vector<128x1xi32> to vector<128x8192xi32>
    %eq3A_661 = arith.cmpi eq, %iota3A, %eq3A_660 : vector<128x8192xi32>
    %jit3A_662 = arith.constant 0x7F800000 : f32
    %broadcast_in_dim3A_663 = vector.broadcast %jit3A_662 : f32 to vector<128x8192xf32>
    %select_n3A_664 = arith.select %eq3A_661, %broadcast_in_dim3A_663, %select_n3A_648 : vector<128x8192xi1>, vector<128x8192xf32>
    %reduce_min3A_665 = arith.constant dense<0x7F800000> : vector<128xf32>
    %reduce_min3A_666 = vector.multi_reduction <minimumf>, %select_n3A_664, %reduce_min3A_665 [1] : vector<128x8192xf32> to vector<128xf32>
    %broadcast_in_dim3A_667 = vector.shape_cast %reduce_min3A_666 : vector<128xf32> to vector<128x1xf32>
    %eq3A_668 = vector.broadcast %broadcast_in_dim3A_667 : vector<128x1xf32> to vector<128x8192xf32>
    %eq3A_669 = arith.cmpf oeq, %select_n3A_664, %eq3A_668 : vector<128x8192xf32>
    %jit3A_670 = arith.constant 8192 : i32
    %broadcast_in_dim3A_671 = vector.broadcast %jit3A_670 : i32 to vector<128x8192xi32>
    %select_n3A_672 = arith.select %eq3A_669, %iota3A, %broadcast_in_dim3A_671 : vector<128x8192xi1>, vector<128x8192xi32>
    %reduce_min3A_673 = arith.constant dense<2147483647> : vector<128xi32>
    %reduce_min3A_674 = vector.multi_reduction <minsi>, %select_n3A_672, %reduce_min3A_673 [1] : vector<128x8192xi32> to vector<128xi32>
    %broadcast_in_dim3A_675 = vector.shape_cast %reduce_min3A_674 : vector<128xi32> to vector<128x1xi32>
    %concatenate3A = tpu.concatenate %broadcast_in_dim3A_371, %broadcast_in_dim3A_387, %broadcast_in_dim3A_403, %broadcast_in_dim3A_419, %broadcast_in_dim3A_435, %broadcast_in_dim3A_451, %broadcast_in_dim3A_467, %broadcast_in_dim3A_483, %broadcast_in_dim3A_499, %broadcast_in_dim3A_515, %broadcast_in_dim3A_531, %broadcast_in_dim3A_547, %broadcast_in_dim3A_563, %broadcast_in_dim3A_579, %broadcast_in_dim3A_595, %broadcast_in_dim3A_611, %broadcast_in_dim3A_627, %broadcast_in_dim3A_643, %broadcast_in_dim3A_659, %broadcast_in_dim3A_675 in 1 : vector<128x1xi32>, vector<128x1xi32>, vector<128x1xi32>, vector<128x1xi32>, vector<128x1xi32>, vector<128x1xi32>, vector<128x1xi32>, vector<128x1xi32>, vector<128x1xi32>, vector<128x1xi32>, vector<128x1xi32>, vector<128x1xi32>, vector<128x1xi32>, vector<128x1xi32>, vector<128x1xi32>, vector<128x1xi32>, vector<128x1xi32>, vector<128x1xi32>, vector<128x1xi32>, vector<128x1xi32> -> vector<128x20xi32>
    %swap3A_676 = arith.constant 0 : index
    %swap3A_677 = arith.constant 0 : index
    %swap3A_678 = vector.load %arg9[%swap3A_676, %swap3A_677] : memref<128x20xi32, #tpu.memory_space<vmem>>, vector<128x20xi32>
    tpu.vector_store %arg9[%swap3A_676, %swap3A_677], %concatenate3A {strides = array<i32>} : memref<128x20xi32, #tpu.memory_space<vmem>>, vector<128x20xi32>,
    return
  }
  func.func @transform_0(%arg0: i32) -> (i32, i32) {
    %c0_i32 = arith.constant 0 : i32
    %c0_i32_0 = arith.constant 0 : i32
    return %arg0, %c0_i32 : i32, i32
  }
  func.func @transform_1(%arg0: i32) -> (i32, i32) {
    %c0_i32 = arith.constant 0 : i32
    %c0_i32_0 = arith.constant 0 : i32
    %c0_i32_1 = arith.constant 0 : i32
    return %c0_i32, %c0_i32_0 : i32, i32
  }
  func.func @transform_2(%arg0: i32) -> (i32, i32) {
    %c0_i32 = arith.constant 0 : i32
    %c0_i32_0 = arith.constant 0 : i32
    %c0_i32_1 = arith.constant 0 : i32
    return %c0_i32, %c0_i32_0 : i32, i32
  }
  func.func @transform_3(%arg0: i32) -> (i32, i32) {
    %c0_i32 = arith.constant 0 : i32
    %c0_i32_0 = arith.constant 0 : i32
    return %arg0, %c0_i32 : i32, i32
  }
  func.func @transform_4(%arg0: i32) -> (i32, i32) {
    %c0_i32 = arith.constant 0 : i32
    %c0_i32_0 = arith.constant 0 : i32
    %c0_i32_1 = arith.constant 0 : i32
    return %c0_i32, %c0_i32_0 : i32, i32
  }
  func.func @transform_5(%arg0: i32) -> (i32, i32) {
    %c0_i32 = arith.constant 0 : i32
    %c0_i32_0 = arith.constant 0 : i32
    %c0_i32_1 = arith.constant 0 : i32
    return %c0_i32, %c0_i32_0 : i32, i32
  }
  func.func @transform_6(%arg0: i32) -> (i32, i32) {
    %c0_i32 = arith.constant 0 : i32
    %c0_i32_0 = arith.constant 0 : i32
    %c0_i32_1 = arith.constant 0 : i32
    return %c0_i32, %c0_i32_0 : i32, i32
  }
  func.func @transform_7(%arg0: i32) -> (i32, i32) {
    %c0_i32 = arith.constant 0 : i32
    %c0_i32_0 = arith.constant 0 : i32
    %c0_i32_1 = arith.constant 0 : i32
    return %c0_i32, %c0_i32_0 : i32, i32
  }
  func.func @transform_8(%arg0: i32) -> (i32, i32) {
    %c0_i32 = arith.constant 0 : i32
    %c0_i32_0 = arith.constant 0 : i32
    return %arg0, %c0_i32 : i32, i32
  }
  func.func @transform_9(%arg0: i32) -> (i32, i32) {
    %c0_i32 = arith.constant 0 : i32
    %c0_i32_0 = arith.constant 0 : i32
    return %arg0, %c0_i32 : i32, i32
  }
  func.func @transform_10(%arg0: i32) -> (i32, i32) {
    %c0_i32 = arith.constant 0 : i32
    %c0_i32_0 = arith.constant 0 : i32
    return %arg0, %c0_i32 : i32, i32
  }
}

module attributes {stable_mosaic.version = 14 : i64} {
  func.func @_bfin_body(%arg0: i32, %arg1: memref<128x128xf32, #tpu.memory_space<vmem>>, %arg2: memref<20x128x128xf32, #tpu.memory_space<vmem>>, %arg3: memref<128x64xf32, #tpu.memory_space<vmem>>, %arg4: memref<64x128xf32, #tpu.memory_space<vmem>>, %arg5: memref<128x128xf32, #tpu.memory_space<vmem>>, %arg6: memref<1x128xf32, #tpu.memory_space<vmem>>, %arg7: memref<128x1xi32, #tpu.memory_space<vmem>>, %arg8: memref<8x128xf32, #tpu.memory_space<vmem>>) attributes {dimension_semantics = [#tpu.dimension_semantics<arbitrary>], iteration_bounds = array<i64: 64>, scalar_prefetch = 0 : i64, scratch_operands = 0 : i64, tpu.core_type = #tpu.core_type<tc>, window_params = [{transform_indices = @transform_0, window_bounds = array<i64: 128, 128>}, {transform_indices = @transform_1, window_bounds = array<i64: 20, 128, 128>}, {transform_indices = @transform_2, window_bounds = array<i64: 128, 64>}, {pipeline_mode = #tpu.pipeline_mode<synchronous>, transform_indices = @transform_3, window_bounds = array<i64: 64, 128>}, {pipeline_mode = #tpu.pipeline_mode<synchronous>, transform_indices = @transform_4, window_bounds = array<i64: 128, 128>}, {pipeline_mode = #tpu.pipeline_mode<synchronous>, transform_indices = @transform_5, window_bounds = array<i64: 1, 128>}, {transform_indices = @transform_6, window_bounds = array<i64: 128, 1>}, {pipeline_mode = #tpu.pipeline_mode<synchronous>, transform_indices = @transform_7, window_bounds = array<i64: 8, 128>}]} {
    %get3A = arith.constant 0 : index
    %get3A_0 = arith.constant 0 : index
    %get3A_1 = arith.constant 0 : index
    %get3A_2 = vector.load %arg2[%get3A, %get3A_0, %get3A_1] : memref<20x128x128xf32, #tpu.memory_space<vmem>>, vector<1x128x128xf32>
    %get3A_3 = vector.shape_cast %get3A_2 : vector<1x128x128xf32> to vector<128x128xf32>
    %get3A_4 = arith.constant 1 : index
    %get3A_5 = arith.constant 0 : index
    %get3A_6 = arith.constant 0 : index
    %get3A_7 = vector.load %arg2[%get3A_4, %get3A_5, %get3A_6] : memref<20x128x128xf32, #tpu.memory_space<vmem>>, vector<1x128x128xf32>
    %get3A_8 = vector.shape_cast %get3A_7 : vector<1x128x128xf32> to vector<128x128xf32>
    %max3A = arith.maximumf %get3A_3, %get3A_8 : vector<128x128xf32>
    %get3A_9 = arith.constant 2 : index
    %get3A_10 = arith.constant 0 : index
    %get3A_11 = arith.constant 0 : index
    %get3A_12 = vector.load %arg2[%get3A_9, %get3A_10, %get3A_11] : memref<20x128x128xf32, #tpu.memory_space<vmem>>, vector<1x128x128xf32>
    %get3A_13 = vector.shape_cast %get3A_12 : vector<1x128x128xf32> to vector<128x128xf32>
    %max3A_14 = arith.maximumf %max3A, %get3A_13 : vector<128x128xf32>
    %get3A_15 = arith.constant 3 : index
    %get3A_16 = arith.constant 0 : index
    %get3A_17 = arith.constant 0 : index
    %get3A_18 = vector.load %arg2[%get3A_15, %get3A_16, %get3A_17] : memref<20x128x128xf32, #tpu.memory_space<vmem>>, vector<1x128x128xf32>
    %get3A_19 = vector.shape_cast %get3A_18 : vector<1x128x128xf32> to vector<128x128xf32>
    %max3A_20 = arith.maximumf %max3A_14, %get3A_19 : vector<128x128xf32>
    %get3A_21 = arith.constant 4 : index
    %get3A_22 = arith.constant 0 : index
    %get3A_23 = arith.constant 0 : index
    %get3A_24 = vector.load %arg2[%get3A_21, %get3A_22, %get3A_23] : memref<20x128x128xf32, #tpu.memory_space<vmem>>, vector<1x128x128xf32>
    %get3A_25 = vector.shape_cast %get3A_24 : vector<1x128x128xf32> to vector<128x128xf32>
    %max3A_26 = arith.maximumf %max3A_20, %get3A_25 : vector<128x128xf32>
    %get3A_27 = arith.constant 5 : index
    %get3A_28 = arith.constant 0 : index
    %get3A_29 = arith.constant 0 : index
    %get3A_30 = vector.load %arg2[%get3A_27, %get3A_28, %get3A_29] : memref<20x128x128xf32, #tpu.memory_space<vmem>>, vector<1x128x128xf32>
    %get3A_31 = vector.shape_cast %get3A_30 : vector<1x128x128xf32> to vector<128x128xf32>
    %max3A_32 = arith.maximumf %max3A_26, %get3A_31 : vector<128x128xf32>
    %get3A_33 = arith.constant 6 : index
    %get3A_34 = arith.constant 0 : index
    %get3A_35 = arith.constant 0 : index
    %get3A_36 = vector.load %arg2[%get3A_33, %get3A_34, %get3A_35] : memref<20x128x128xf32, #tpu.memory_space<vmem>>, vector<1x128x128xf32>
    %get3A_37 = vector.shape_cast %get3A_36 : vector<1x128x128xf32> to vector<128x128xf32>
    %max3A_38 = arith.maximumf %max3A_32, %get3A_37 : vector<128x128xf32>
    %get3A_39 = arith.constant 7 : index
    %get3A_40 = arith.constant 0 : index
    %get3A_41 = arith.constant 0 : index
    %get3A_42 = vector.load %arg2[%get3A_39, %get3A_40, %get3A_41] : memref<20x128x128xf32, #tpu.memory_space<vmem>>, vector<1x128x128xf32>
    %get3A_43 = vector.shape_cast %get3A_42 : vector<1x128x128xf32> to vector<128x128xf32>
    %max3A_44 = arith.maximumf %max3A_38, %get3A_43 : vector<128x128xf32>
    %get3A_45 = arith.constant 8 : index
    %get3A_46 = arith.constant 0 : index
    %get3A_47 = arith.constant 0 : index
    %get3A_48 = vector.load %arg2[%get3A_45, %get3A_46, %get3A_47] : memref<20x128x128xf32, #tpu.memory_space<vmem>>, vector<1x128x128xf32>
    %get3A_49 = vector.shape_cast %get3A_48 : vector<1x128x128xf32> to vector<128x128xf32>
    %max3A_50 = arith.maximumf %max3A_44, %get3A_49 : vector<128x128xf32>
    %get3A_51 = arith.constant 9 : index
    %get3A_52 = arith.constant 0 : index
    %get3A_53 = arith.constant 0 : index
    %get3A_54 = vector.load %arg2[%get3A_51, %get3A_52, %get3A_53] : memref<20x128x128xf32, #tpu.memory_space<vmem>>, vector<1x128x128xf32>
    %get3A_55 = vector.shape_cast %get3A_54 : vector<1x128x128xf32> to vector<128x128xf32>
    %max3A_56 = arith.maximumf %max3A_50, %get3A_55 : vector<128x128xf32>
    %get3A_57 = arith.constant 10 : index
    %get3A_58 = arith.constant 0 : index
    %get3A_59 = arith.constant 0 : index
    %get3A_60 = vector.load %arg2[%get3A_57, %get3A_58, %get3A_59] : memref<20x128x128xf32, #tpu.memory_space<vmem>>, vector<1x128x128xf32>
    %get3A_61 = vector.shape_cast %get3A_60 : vector<1x128x128xf32> to vector<128x128xf32>
    %max3A_62 = arith.maximumf %max3A_56, %get3A_61 : vector<128x128xf32>
    %get3A_63 = arith.constant 11 : index
    %get3A_64 = arith.constant 0 : index
    %get3A_65 = arith.constant 0 : index
    %get3A_66 = vector.load %arg2[%get3A_63, %get3A_64, %get3A_65] : memref<20x128x128xf32, #tpu.memory_space<vmem>>, vector<1x128x128xf32>
    %get3A_67 = vector.shape_cast %get3A_66 : vector<1x128x128xf32> to vector<128x128xf32>
    %max3A_68 = arith.maximumf %max3A_62, %get3A_67 : vector<128x128xf32>
    %get3A_69 = arith.constant 12 : index
    %get3A_70 = arith.constant 0 : index
    %get3A_71 = arith.constant 0 : index
    %get3A_72 = vector.load %arg2[%get3A_69, %get3A_70, %get3A_71] : memref<20x128x128xf32, #tpu.memory_space<vmem>>, vector<1x128x128xf32>
    %get3A_73 = vector.shape_cast %get3A_72 : vector<1x128x128xf32> to vector<128x128xf32>
    %max3A_74 = arith.maximumf %max3A_68, %get3A_73 : vector<128x128xf32>
    %get3A_75 = arith.constant 13 : index
    %get3A_76 = arith.constant 0 : index
    %get3A_77 = arith.constant 0 : index
    %get3A_78 = vector.load %arg2[%get3A_75, %get3A_76, %get3A_77] : memref<20x128x128xf32, #tpu.memory_space<vmem>>, vector<1x128x128xf32>
    %get3A_79 = vector.shape_cast %get3A_78 : vector<1x128x128xf32> to vector<128x128xf32>
    %max3A_80 = arith.maximumf %max3A_74, %get3A_79 : vector<128x128xf32>
    %get3A_81 = arith.constant 14 : index
    %get3A_82 = arith.constant 0 : index
    %get3A_83 = arith.constant 0 : index
    %get3A_84 = vector.load %arg2[%get3A_81, %get3A_82, %get3A_83] : memref<20x128x128xf32, #tpu.memory_space<vmem>>, vector<1x128x128xf32>
    %get3A_85 = vector.shape_cast %get3A_84 : vector<1x128x128xf32> to vector<128x128xf32>
    %max3A_86 = arith.maximumf %max3A_80, %get3A_85 : vector<128x128xf32>
    %get3A_87 = arith.constant 15 : index
    %get3A_88 = arith.constant 0 : index
    %get3A_89 = arith.constant 0 : index
    %get3A_90 = vector.load %arg2[%get3A_87, %get3A_88, %get3A_89] : memref<20x128x128xf32, #tpu.memory_space<vmem>>, vector<1x128x128xf32>
    %get3A_91 = vector.shape_cast %get3A_90 : vector<1x128x128xf32> to vector<128x128xf32>
    %max3A_92 = arith.maximumf %max3A_86, %get3A_91 : vector<128x128xf32>
    %get3A_93 = arith.constant 16 : index
    %get3A_94 = arith.constant 0 : index
    %get3A_95 = arith.constant 0 : index
    %get3A_96 = vector.load %arg2[%get3A_93, %get3A_94, %get3A_95] : memref<20x128x128xf32, #tpu.memory_space<vmem>>, vector<1x128x128xf32>
    %get3A_97 = vector.shape_cast %get3A_96 : vector<1x128x128xf32> to vector<128x128xf32>
    %max3A_98 = arith.maximumf %max3A_92, %get3A_97 : vector<128x128xf32>
    %get3A_99 = arith.constant 17 : index
    %get3A_100 = arith.constant 0 : index
    %get3A_101 = arith.constant 0 : index
    %get3A_102 = vector.load %arg2[%get3A_99, %get3A_100, %get3A_101] : memref<20x128x128xf32, #tpu.memory_space<vmem>>, vector<1x128x128xf32>
    %get3A_103 = vector.shape_cast %get3A_102 : vector<1x128x128xf32> to vector<128x128xf32>
    %max3A_104 = arith.maximumf %max3A_98, %get3A_103 : vector<128x128xf32>
    %get3A_105 = arith.constant 18 : index
    %get3A_106 = arith.constant 0 : index
    %get3A_107 = arith.constant 0 : index
    %get3A_108 = vector.load %arg2[%get3A_105, %get3A_106, %get3A_107] : memref<20x128x128xf32, #tpu.memory_space<vmem>>, vector<1x128x128xf32>
    %get3A_109 = vector.shape_cast %get3A_108 : vector<1x128x128xf32> to vector<128x128xf32>
    %max3A_110 = arith.maximumf %max3A_104, %get3A_109 : vector<128x128xf32>
    %get3A_111 = arith.constant 19 : index
    %get3A_112 = arith.constant 0 : index
    %get3A_113 = arith.constant 0 : index
    %get3A_114 = vector.load %arg2[%get3A_111, %get3A_112, %get3A_113] : memref<20x128x128xf32, #tpu.memory_space<vmem>>, vector<1x128x128xf32>
    %get3A_115 = vector.shape_cast %get3A_114 : vector<1x128x128xf32> to vector<128x128xf32>
    %max3A_116 = arith.maximumf %max3A_110, %get3A_115 : vector<128x128xf32>
    %get3A_117 = arith.constant 0 : index
    %get3A_118 = arith.constant 0 : index
    %get3A_119 = vector.load %arg1[%get3A_117, %get3A_118] : memref<128x128xf32, #tpu.memory_space<vmem>>, vector<128x128xf32>
    %add3A = arith.addf %get3A_119, %max3A_116 : vector<128x128xf32>
    %get3A_120 = arith.constant 0 : index
    %get3A_121 = arith.constant 0 : index
    %get3A_122 = vector.load %arg3[%get3A_120, %get3A_121] : memref<128x64xf32, #tpu.memory_space<vmem>>, vector<128x64xf32>
    %get3A_123 = arith.constant 0 : index
    %get3A_124 = arith.constant 0 : index
    %get3A_125 = vector.load %arg4[%get3A_123, %get3A_124] : memref<64x128xf32, #tpu.memory_space<vmem>>, vector<64x128xf32>
    %dot_general3A = arith.constant dense<0.000000e+00> : vector<128x128xf32>
    %dot_general3A_126 = tpu.matmul %get3A_122, %get3A_125, %dot_general3A {dimension_numbers = #tpu.dot_dimension_numbers<[1], [0], [0], [1], [0, 0, 1, 1], [], []>, precision = #tpu.contract_precision<fp32>, transpose_lhs_hint = false} : vector<128x64xf32>, vector<64x128xf32>, vector<128x128xf32> -> vector<128x128xf32>
    %get3A_127 = arith.constant 0 : index
    %get3A_128 = arith.constant 0 : index
    %get3A_129 = vector.load %arg5[%get3A_127, %get3A_128] : memref<128x128xf32, #tpu.memory_space<vmem>>, vector<128x128xf32>
    %dot_general3A_130 = arith.constant dense<0.000000e+00> : vector<128x128xf32>
    %dot_general3A_131 = tpu.matmul %add3A, %get3A_129, %dot_general3A_130 {dimension_numbers = #tpu.dot_dimension_numbers<[1], [0], [0], [1], [0, 0, 1, 1], [], []>, precision = #tpu.contract_precision<fp32>, transpose_lhs_hint = false} : vector<128x128xf32>, vector<128x128xf32>, vector<128x128xf32> -> vector<128x128xf32>
    %add3A_132 = arith.addf %dot_general3A_126, %dot_general3A_131 : vector<128x128xf32>
    %get3A_133 = arith.constant 0 : index
    %get3A_134 = arith.constant 0 : index
    %get3A_135 = vector.load %arg6[%get3A_133, %get3A_134] : memref<1x128xf32, #tpu.memory_space<vmem>>, vector<1x128xf32>
    %add3A_136 = vector.broadcast %get3A_135 : vector<1x128xf32> to vector<128x128xf32>
    %add3A_137 = arith.addf %add3A_132, %add3A_136 : vector<128x128xf32>
    %get3A_138 = arith.constant 0 : index
    %get3A_139 = arith.constant 0 : index
    %get3A_140 = vector.load %arg7[%get3A_138, %get3A_139] : memref<128x1xi32, #tpu.memory_space<vmem>>, vector<128x1xi32>
    %eq3A = arith.constant 0 : i32
    %eq3A_141 = vector.broadcast %eq3A : i32 to vector<128x1xi32>
    %eq3A_142 = arith.cmpi eq, %get3A_140, %eq3A_141 : vector<128x1xi32>
    %jit3A = arith.constant 0xFF800000 : f32
    %broadcast_in_dim3A = vector.shape_cast %eq3A_142 : vector<128x1xi1> to vector<128x1xi1>
    %broadcast_in_dim3A_143 = vector.broadcast %broadcast_in_dim3A : vector<128x1xi1> to vector<128x128xi1>
    %broadcast_in_dim3A_144 = vector.broadcast %jit3A : f32 to vector<128x128xf32>
    %select_n3A = arith.select %broadcast_in_dim3A_143, %add3A_137, %broadcast_in_dim3A_144 : vector<128x128xi1>, vector<128x128xf32>
    %reduce_max3A = arith.constant dense<0xFF800000> : vector<128xf32>
    %reduce_max3A_145 = vector.multi_reduction <maximumf>, %select_n3A, %reduce_max3A [0] : vector<128x128xf32> to vector<128xf32>
    %broadcast_in_dim3A_146 = vector.shape_cast %reduce_max3A_145 : vector<128xf32> to vector<1x128xf32>
    %eq3A_147 = arith.constant 1 : i32
    %eq3A_148 = vector.broadcast %eq3A_147 : i32 to vector<128x1xi32>
    %eq3A_149 = arith.cmpi eq, %get3A_140, %eq3A_148 : vector<128x1xi32>
    %jit3A_150 = arith.constant 0xFF800000 : f32
    %broadcast_in_dim3A_151 = vector.shape_cast %eq3A_149 : vector<128x1xi1> to vector<128x1xi1>
    %broadcast_in_dim3A_152 = vector.broadcast %broadcast_in_dim3A_151 : vector<128x1xi1> to vector<128x128xi1>
    %broadcast_in_dim3A_153 = vector.broadcast %jit3A_150 : f32 to vector<128x128xf32>
    %select_n3A_154 = arith.select %broadcast_in_dim3A_152, %add3A_137, %broadcast_in_dim3A_153 : vector<128x128xi1>, vector<128x128xf32>
    %reduce_max3A_155 = arith.constant dense<0xFF800000> : vector<128xf32>
    %reduce_max3A_156 = vector.multi_reduction <maximumf>, %select_n3A_154, %reduce_max3A_155 [0] : vector<128x128xf32> to vector<128xf32>
    %broadcast_in_dim3A_157 = vector.shape_cast %reduce_max3A_156 : vector<128xf32> to vector<1x128xf32>
    %eq3A_158 = arith.constant 2 : i32
    %eq3A_159 = vector.broadcast %eq3A_158 : i32 to vector<128x1xi32>
    %eq3A_160 = arith.cmpi eq, %get3A_140, %eq3A_159 : vector<128x1xi32>
    %jit3A_161 = arith.constant 0xFF800000 : f32
    %broadcast_in_dim3A_162 = vector.shape_cast %eq3A_160 : vector<128x1xi1> to vector<128x1xi1>
    %broadcast_in_dim3A_163 = vector.broadcast %broadcast_in_dim3A_162 : vector<128x1xi1> to vector<128x128xi1>
    %broadcast_in_dim3A_164 = vector.broadcast %jit3A_161 : f32 to vector<128x128xf32>
    %select_n3A_165 = arith.select %broadcast_in_dim3A_163, %add3A_137, %broadcast_in_dim3A_164 : vector<128x128xi1>, vector<128x128xf32>
    %reduce_max3A_166 = arith.constant dense<0xFF800000> : vector<128xf32>
    %reduce_max3A_167 = vector.multi_reduction <maximumf>, %select_n3A_165, %reduce_max3A_166 [0] : vector<128x128xf32> to vector<128xf32>
    %broadcast_in_dim3A_168 = vector.shape_cast %reduce_max3A_167 : vector<128xf32> to vector<1x128xf32>
    %eq3A_169 = arith.constant 3 : i32
    %eq3A_170 = vector.broadcast %eq3A_169 : i32 to vector<128x1xi32>
    %eq3A_171 = arith.cmpi eq, %get3A_140, %eq3A_170 : vector<128x1xi32>
    %jit3A_172 = arith.constant 0xFF800000 : f32
    %broadcast_in_dim3A_173 = vector.shape_cast %eq3A_171 : vector<128x1xi1> to vector<128x1xi1>
    %broadcast_in_dim3A_174 = vector.broadcast %broadcast_in_dim3A_173 : vector<128x1xi1> to vector<128x128xi1>
    %broadcast_in_dim3A_175 = vector.broadcast %jit3A_172 : f32 to vector<128x128xf32>
    %select_n3A_176 = arith.select %broadcast_in_dim3A_174, %add3A_137, %broadcast_in_dim3A_175 : vector<128x128xi1>, vector<128x128xf32>
    %reduce_max3A_177 = arith.constant dense<0xFF800000> : vector<128xf32>
    %reduce_max3A_178 = vector.multi_reduction <maximumf>, %select_n3A_176, %reduce_max3A_177 [0] : vector<128x128xf32> to vector<128xf32>
    %broadcast_in_dim3A_179 = vector.shape_cast %reduce_max3A_178 : vector<128xf32> to vector<1x128xf32>
    %eq3A_180 = arith.constant 4 : i32
    %eq3A_181 = vector.broadcast %eq3A_180 : i32 to vector<128x1xi32>
    %eq3A_182 = arith.cmpi eq, %get3A_140, %eq3A_181 : vector<128x1xi32>
    %jit3A_183 = arith.constant 0xFF800000 : f32
    %broadcast_in_dim3A_184 = vector.shape_cast %eq3A_182 : vector<128x1xi1> to vector<128x1xi1>
    %broadcast_in_dim3A_185 = vector.broadcast %broadcast_in_dim3A_184 : vector<128x1xi1> to vector<128x128xi1>
    %broadcast_in_dim3A_186 = vector.broadcast %jit3A_183 : f32 to vector<128x128xf32>
    %select_n3A_187 = arith.select %broadcast_in_dim3A_185, %add3A_137, %broadcast_in_dim3A_186 : vector<128x128xi1>, vector<128x128xf32>
    %reduce_max3A_188 = arith.constant dense<0xFF800000> : vector<128xf32>
    %reduce_max3A_189 = vector.multi_reduction <maximumf>, %select_n3A_187, %reduce_max3A_188 [0] : vector<128x128xf32> to vector<128xf32>
    %broadcast_in_dim3A_190 = vector.shape_cast %reduce_max3A_189 : vector<128xf32> to vector<1x128xf32>
    %eq3A_191 = arith.constant 5 : i32
    %eq3A_192 = vector.broadcast %eq3A_191 : i32 to vector<128x1xi32>
    %eq3A_193 = arith.cmpi eq, %get3A_140, %eq3A_192 : vector<128x1xi32>
    %jit3A_194 = arith.constant 0xFF800000 : f32
    %broadcast_in_dim3A_195 = vector.shape_cast %eq3A_193 : vector<128x1xi1> to vector<128x1xi1>
    %broadcast_in_dim3A_196 = vector.broadcast %broadcast_in_dim3A_195 : vector<128x1xi1> to vector<128x128xi1>
    %broadcast_in_dim3A_197 = vector.broadcast %jit3A_194 : f32 to vector<128x128xf32>
    %select_n3A_198 = arith.select %broadcast_in_dim3A_196, %add3A_137, %broadcast_in_dim3A_197 : vector<128x128xi1>, vector<128x128xf32>
    %reduce_max3A_199 = arith.constant dense<0xFF800000> : vector<128xf32>
    %reduce_max3A_200 = vector.multi_reduction <maximumf>, %select_n3A_198, %reduce_max3A_199 [0] : vector<128x128xf32> to vector<128xf32>
    %broadcast_in_dim3A_201 = vector.shape_cast %reduce_max3A_200 : vector<128xf32> to vector<1x128xf32>
    %eq3A_202 = arith.constant 6 : i32
    %eq3A_203 = vector.broadcast %eq3A_202 : i32 to vector<128x1xi32>
    %eq3A_204 = arith.cmpi eq, %get3A_140, %eq3A_203 : vector<128x1xi32>
    %jit3A_205 = arith.constant 0xFF800000 : f32
    %broadcast_in_dim3A_206 = vector.shape_cast %eq3A_204 : vector<128x1xi1> to vector<128x1xi1>
    %broadcast_in_dim3A_207 = vector.broadcast %broadcast_in_dim3A_206 : vector<128x1xi1> to vector<128x128xi1>
    %broadcast_in_dim3A_208 = vector.broadcast %jit3A_205 : f32 to vector<128x128xf32>
    %select_n3A_209 = arith.select %broadcast_in_dim3A_207, %add3A_137, %broadcast_in_dim3A_208 : vector<128x128xi1>, vector<128x128xf32>
    %reduce_max3A_210 = arith.constant dense<0xFF800000> : vector<128xf32>
    %reduce_max3A_211 = vector.multi_reduction <maximumf>, %select_n3A_209, %reduce_max3A_210 [0] : vector<128x128xf32> to vector<128xf32>
    %broadcast_in_dim3A_212 = vector.shape_cast %reduce_max3A_211 : vector<128xf32> to vector<1x128xf32>
    %eq3A_213 = arith.constant 7 : i32
    %eq3A_214 = vector.broadcast %eq3A_213 : i32 to vector<128x1xi32>
    %eq3A_215 = arith.cmpi eq, %get3A_140, %eq3A_214 : vector<128x1xi32>
    %jit3A_216 = arith.constant 0xFF800000 : f32
    %broadcast_in_dim3A_217 = vector.shape_cast %eq3A_215 : vector<128x1xi1> to vector<128x1xi1>
    %broadcast_in_dim3A_218 = vector.broadcast %broadcast_in_dim3A_217 : vector<128x1xi1> to vector<128x128xi1>
    %broadcast_in_dim3A_219 = vector.broadcast %jit3A_216 : f32 to vector<128x128xf32>
    %select_n3A_220 = arith.select %broadcast_in_dim3A_218, %add3A_137, %broadcast_in_dim3A_219 : vector<128x128xi1>, vector<128x128xf32>
    %reduce_max3A_221 = arith.constant dense<0xFF800000> : vector<128xf32>
    %reduce_max3A_222 = vector.multi_reduction <maximumf>, %select_n3A_220, %reduce_max3A_221 [0] : vector<128x128xf32> to vector<128xf32>
    %broadcast_in_dim3A_223 = vector.shape_cast %reduce_max3A_222 : vector<128xf32> to vector<1x128xf32>
    %concatenate3A = tpu.concatenate %broadcast_in_dim3A_146, %broadcast_in_dim3A_157, %broadcast_in_dim3A_168, %broadcast_in_dim3A_179, %broadcast_in_dim3A_190, %broadcast_in_dim3A_201, %broadcast_in_dim3A_212, %broadcast_in_dim3A_223 in 0 : vector<1x128xf32>, vector<1x128xf32>, vector<1x128xf32>, vector<1x128xf32>, vector<1x128xf32>, vector<1x128xf32>, vector<1x128xf32>, vector<1x128xf32> -> vector<8x128xf32>
    %eq3A_224 = arith.constant 0 : i32
    %eq3A_225 = arith.cmpi eq, %arg0, %eq3A_224 : i32
    %convert_element_type3A = arith.extui %eq3A_225 : i1 to i32
    %cond3A = arith.constant 0 : i32
    %cond3A_226 = arith.cmpi ne, %convert_element_type3A, %cond3A : i32
    scf.if %cond3A_226 {
      %broadcast_in_dim3A_233 = arith.constant 0xFF800000 : f32
      %broadcast_in_dim3A_234 = vector.broadcast %broadcast_in_dim3A_233 : f32 to vector<8x128xf32>
      %swap3A_235 = arith.constant 0 : index
      %swap3A_236 = arith.constant 0 : index
      %swap3A_237 = vector.load %arg8[%swap3A_235, %swap3A_236] : memref<8x128xf32, #tpu.memory_space<vmem>>, vector<8x128xf32>
      tpu.vector_store %arg8[%swap3A_235, %swap3A_236], %broadcast_in_dim3A_234 {strides = array<i32>} : memref<8x128xf32, #tpu.memory_space<vmem>>, vector<8x128xf32>,
    } else {
    }
    %get3A_227 = arith.constant 0 : index
    %get3A_228 = arith.constant 0 : index
    %get3A_229 = vector.load %arg8[%get3A_227, %get3A_228] : memref<8x128xf32, #tpu.memory_space<vmem>>, vector<8x128xf32>
    %max3A_230 = arith.maximumf %get3A_229, %concatenate3A : vector<8x128xf32>
    %swap3A = arith.constant 0 : index
    %swap3A_231 = arith.constant 0 : index
    %swap3A_232 = vector.load %arg8[%swap3A, %swap3A_231] : memref<8x128xf32, #tpu.memory_space<vmem>>, vector<8x128xf32>
    tpu.vector_store %arg8[%swap3A, %swap3A_231], %max3A_230 {strides = array<i32>} : memref<8x128xf32, #tpu.memory_space<vmem>>, vector<8x128xf32>,
    return
  }
  func.func @transform_0(%arg0: i32) -> (i32, i32) {
    %c0_i32 = arith.constant 0 : i32
    %c0_i32_0 = arith.constant 0 : i32
    return %arg0, %c0_i32 : i32, i32
  }
  func.func @transform_1(%arg0: i32) -> (i32, i32, i32) {
    %c0_i32 = arith.constant 0 : i32
    %c0_i32_0 = arith.constant 0 : i32
    %c0_i32_1 = arith.constant 0 : i32
    return %c0_i32, %arg0, %c0_i32_0 : i32, i32, i32
  }
  func.func @transform_2(%arg0: i32) -> (i32, i32) {
    %c0_i32 = arith.constant 0 : i32
    %c0_i32_0 = arith.constant 0 : i32
    return %arg0, %c0_i32 : i32, i32
  }
  func.func @transform_3(%arg0: i32) -> (i32, i32) {
    %c0_i32 = arith.constant 0 : i32
    %c0_i32_0 = arith.constant 0 : i32
    %c0_i32_1 = arith.constant 0 : i32
    return %c0_i32, %c0_i32_0 : i32, i32
  }
  func.func @transform_4(%arg0: i32) -> (i32, i32) {
    %c0_i32 = arith.constant 0 : i32
    %c0_i32_0 = arith.constant 0 : i32
    %c0_i32_1 = arith.constant 0 : i32
    return %c0_i32, %c0_i32_0 : i32, i32
  }
  func.func @transform_5(%arg0: i32) -> (i32, i32) {
    %c0_i32 = arith.constant 0 : i32
    %c0_i32_0 = arith.constant 0 : i32
    %c0_i32_1 = arith.constant 0 : i32
    return %c0_i32, %c0_i32_0 : i32, i32
  }
  func.func @transform_6(%arg0: i32) -> (i32, i32) {
    %c0_i32 = arith.constant 0 : i32
    %c0_i32_0 = arith.constant 0 : i32
    return %arg0, %c0_i32 : i32, i32
  }
  func.func @transform_7(%arg0: i32) -> (i32, i32) {
    %c0_i32 = arith.constant 0 : i32
    %c0_i32_0 = arith.constant 0 : i32
    %c0_i32_1 = arith.constant 0 : i32
    return %c0_i32, %c0_i32_0 : i32, i32
  }
}

module attributes {stable_mosaic.version = 14 : i64} {
  func.func @_mlp_body(%arg0: memref<16x128xf32, #tpu.memory_space<vmem>>, %arg1: memref<128x256xf32, #tpu.memory_space<vmem>>, %arg2: memref<1x256xf32, #tpu.memory_space<vmem>>, %arg3: memref<256x32xf32, #tpu.memory_space<vmem>>, %arg4: memref<1x32xf32, #tpu.memory_space<vmem>>, %arg5: memref<16x32xf32, #tpu.memory_space<vmem>>) attributes {dimension_semantics = [], scalar_prefetch = 0 : i64, scratch_operands = 0 : i64, tpu.core_type = #tpu.core_type<tc>} {
    %get3A = arith.constant 0 : index
    %get3A_0 = arith.constant 0 : index
    %get3A_1 = vector.load %arg0[%get3A, %get3A_0] : memref<16x128xf32, #tpu.memory_space<vmem>>, vector<16x128xf32>
    %get3A_2 = arith.constant 0 : index
    %get3A_3 = arith.constant 0 : index
    %get3A_4 = vector.load %arg1[%get3A_2, %get3A_3] : memref<128x256xf32, #tpu.memory_space<vmem>>, vector<128x256xf32>
    %dot_general3A = arith.constant dense<0.000000e+00> : vector<16x256xf32>
    %dot_general3A_5 = tpu.matmul %get3A_1, %get3A_4, %dot_general3A {dimension_numbers = #tpu.dot_dimension_numbers<[1], [0], [0], [1], [0, 0, 1, 1], [], []>, precision = #tpu.contract_precision<fp32>, transpose_lhs_hint = false} : vector<16x128xf32>, vector<128x256xf32>, vector<16x256xf32> -> vector<16x256xf32>
    %get3A_6 = arith.constant 0 : index
    %get3A_7 = arith.constant 0 : index
    %get3A_8 = vector.load %arg2[%get3A_6, %get3A_7] : memref<1x256xf32, #tpu.memory_space<vmem>>, vector<1x256xf32>
    %add3A = vector.broadcast %get3A_8 : vector<1x256xf32> to vector<16x256xf32>
    %add3A_9 = arith.addf %dot_general3A_5, %add3A : vector<16x256xf32>
    %max3A = arith.constant 0.000000e+00 : f32
    %max3A_10 = vector.broadcast %max3A : f32 to vector<16x256xf32>
    %max3A_11 = arith.maximumf %add3A_9, %max3A_10 : vector<16x256xf32>
    %get3A_12 = arith.constant 0 : index
    %get3A_13 = arith.constant 0 : index
    %get3A_14 = vector.load %arg3[%get3A_12, %get3A_13] : memref<256x32xf32, #tpu.memory_space<vmem>>, vector<256x32xf32>
    %dot_general3A_15 = arith.constant dense<0.000000e+00> : vector<16x32xf32>
    %dot_general3A_16 = tpu.matmul %max3A_11, %get3A_14, %dot_general3A_15 {dimension_numbers = #tpu.dot_dimension_numbers<[1], [0], [0], [1], [0, 0, 1, 1], [], []>, precision = #tpu.contract_precision<fp32>, transpose_lhs_hint = false} : vector<16x256xf32>, vector<256x32xf32>, vector<16x32xf32> -> vector<16x32xf32>
    %get3A_17 = arith.constant 0 : index
    %get3A_18 = arith.constant 0 : index
    %get3A_19 = vector.load %arg4[%get3A_17, %get3A_18] : memref<1x32xf32, #tpu.memory_space<vmem>>, vector<1x32xf32>
    %add3A_20 = vector.broadcast %get3A_19 : vector<1x32xf32> to vector<16x32xf32>
    %add3A_21 = arith.addf %dot_general3A_16, %add3A_20 : vector<16x32xf32>
    %swap3A = arith.constant 0 : index
    %swap3A_22 = arith.constant 0 : index
    %swap3A_23 = vector.load %arg5[%swap3A, %swap3A_22] : memref<16x32xf32, #tpu.memory_space<vmem>>, vector<16x32xf32>
    tpu.vector_store %arg5[%swap3A, %swap3A_22], %add3A_21 {strides = array<i32>} : memref<16x32xf32, #tpu.memory_space<vmem>>, vector<16x32xf32>,
    return
  }
}

</mosaic_0001>

<sc_bundles>
// kernel: kernel.17.cloned.1.call-start
scs
__scs_entry_jumppad:
0x0: {  	(pc) =	sbr.rel $0x88, $3  }
0x1: {  	(tag) =	ssettag $0x0;
	lr =	simm.s32 $0x1  }
0x2: {  	[smem:$0x3F90] =	sst lr;
	_ =	strace $0xD0000000  }
0x3: {  	_ = 	snop  }
0x4: {  	_ = 	snop  }
0x5: {  	_ = 	snop  }
0x6: {  	_ = 	snop  }
0x7: {  	_ = 	snop  }
__scs_overlays_trampoline_lowered:
0x8: {  	[smem:$0x3F9F] =	sst s0  }
0x9: {  	[smem:$0x3FA0] =	sst s1  }
0xa: {  	[smem:$0x3FA1] =	sst s2  }
0xb: {  	[smem:$0x3FA2] =	sst s3  }
0xc: {  	[smem:$0x3FA3] =	sst s4  }
0xd: {  	[smem:$0x3FA4] =	sst s5  }
0xe: {  	[smem:$0x3FA5] =	sst s6  }
0xf: {  	[smem:$0x3FA6] =	sst s7  }
0x10: {  	[smem:$0x3FA7] =	sst s8  }
0x11: {  	[smem:$0x3FA8] =	sst s9;
	s0 =	simm.s32 @!p0 $0x0  }
0x12: {  	s1 =	sld [smem:$0x3F8E];
	s0 =	simm.s32 @p0 $0x1  }
0x13: {  	[smem:$0x3FA9] =	sst s0;
	s0 =	simm.s32 @!p1 $0x0  }
0x14: {  	s2 =	sld [smem:$0x3F8D];
	s0 =	simm.s32 @p1 $0x1  }
0x15: {  	[smem:$0x3FAA] =	sst s0;
	s0 =	simm.s32 @!p2 $0x0  }
0x16: {  	s3 =	sld [smem:$0x3FDB];
	s0 =	simm.s32 @p2 $0x1  }
0x17: {  	s4 =	simm.s32 $0x1BF5;
	[smem:$0x3FAC] =	sst s0  }
0x18: {  	s0 =	sld [smem:$0x3F8F];
	_ =	swait.ge [sflag:s4], $0x0  }
0x19: {  	s7 =	sld [smem:$0x3F90]  }
0x1a: {  	s8 =	sadd.s32 $0xFFFFE003, lr  }
0x1b: {  	s9 =	sadd.s32 $0xFFFFFEF7, lr;
	s5 =	simm.s32 $0xFFFFFFFF;
	p2 =	slt.u32 s8, $0xFFFFF086  }
0x1c: {  	p1 =	slt.u32 s9, $0xF7A;
	s5 =	simm.s32 @!p2 $0x0  }
0x1d: {  	s5 =	simm.s32 @p1 $0x1;
	p0 =	seq.s32 s7, s2  }
0x1e: {  	s7 =	smul.u32 @!p0 $0xF7A, s2;
	p2 =	seq.s32 @!p0 s5, $0x0  }
0x1f: {  	s9 =	smul.u32 $0xF7A, s1;
	s8 =	simm.s32 @!p0 $0x1BF5;
	p2 =	por !p2, p0  }
0x20: {  	[sflag:s8] =	ssyncset.s32 @!p0 $0xFFFFF086;
	s6 =	sadd.s32 @!p0 s3, s7;
	s7 =	simm.s32 @!p0 $0x108  }
0x21: {  	s3 =	sadd.s32 s3, s9;
	s6 =	sadd.s32 @!p0 $0x88, s6;
	s7 =	simm.s32 @p2 $0x1082  }
0x22: {  	[simem:s7], [sflag:s8] =	dma.local @!p0 [hbm:s6], $0xF7A  }
0x23: {  	s9 =	sor.u32 $0xD0000000, s2;
	s6 =	simm.s32 $0x108;
	_ =	swait.ge @!p0 [sflag:s8], $0x0  }
0x24: {  	s3 =	sadd.s32 $0x88, s3;
	s6 =	simm.s32 @!p1 $0x1082;
	[sflag:s4] =	ssyncset.s32 $0xFFFFF086  }
0x25: {  	[simem:s6], [sflag:s4] =	dma.local [hbm:s3], $0xF7A  }
0x26: {  	[smem:$0x3F90] =	sst s1;
	(tag) =	ssettag s2;
	_ =	strace s9  }
0x27: {  	s1 =	sld [smem:$0x3FA0]  }
0x28: {  	s2 =	sld [smem:$0x3FA1]  }
0x29: {  	s4 =	sld [smem:$0x3FA3]  }
0x2a: {  	p0 =	seq.s32 s5, $0x0;
	s5 =	sld [smem:$0x3FA4]  }
0x2b: {  	s6 =	sld [smem:$0x3FA5]  }
0x2c: {  	s7 =	sld [smem:$0x3FA6]  }
0x2d: {  	s3 =	simm.s32 $0x108;
	s8 =	sld [smem:$0x3FA7]  }
0x2e: {  	s3 =	simm.s32 @!p0 $0x1082;
	s9 =	sld [smem:$0x3FA8]  }
0x2f: {  	lr =	sadd.s32 s0, s3;
	s0 =	sld [smem:$0x3F9F]  }
0x30: {  	s3 =	sld [smem:$0x3FA2]  }
0x31: {  	[smem:$0x3FAB] =	sst s10  }
0x32: {  	s10 =	sld [smem:$0x3FA9];
	_ =	sdelay $0x3  }
0x33: {  	p0 =	seq.s32 s10, $0x1;
	s10 =	sld [smem:$0x3FAB];
	_ =	sdelay $0x3  }
0x34: {  	[smem:$0x3FAB] =	sst s10  }
0x35: {  	s10 =	sld [smem:$0x3FAA];
	_ =	sdelay $0x3  }
0x36: {  	p1 =	seq.s32 s10, $0x1;
	s10 =	sld [smem:$0x3FAB];
	_ =	sdelay $0x3  }
0x37: {  	[smem:$0x3FAB] =	sst s10  }
0x38: {  	s10 =	sld [smem:$0x3FAC]  }
0x39: {  	_ = 	snop;
	(pc) =	sbr.ind lr, $3  }
0x3a: {  	_ = 	snop  }
0x3b: {  	_ = 	snop  }
0x3c: {  	p2 =	seq.s32 s10, $0x1;
	s10 =	sld [smem:$0x3FAB]  }
0x3d: {  	_ =	shalt  }
0x3e: {  	_ =	shalt  }
0x3f: {  	_ =	shalt  }
0x40: {  	_ =	shalt  }
0x41: {  	_ =	shalt  }
0x42: {  	_ =	shalt  }
0x43: {  	_ =	shalt  }
0x44: {  	_ =	shalt  }
0x45: {  	_ =	shalt  }
0x46: {  	_ =	shalt  }
0x47: {  	_ =	shalt  }
0x48: {  	_ =	shalt  }
0x49: {  	_ =	shalt  }
0x4a: {  	_ =	shalt  }
0x4b: {  	_ =	shalt  }
0x4c: {  	_ =	shalt  }
0x4d: {  	_ =	shalt  }
0x4e: {  	_ =	shalt  }
0x4f: {  	_ =	shalt  }
0x50: {  	_ =	shalt  }
0x51: {  	_ =	shalt  }
0x52: {  	_ =	shalt  }
0x53: {  	_ =	shalt  }
0x54: {  	_ =	shalt  }
0x55: {  	_ =	shalt  }
0x56: {  	_ =	shalt  }
0x57: {  	_ =	shalt  }
0x58: {  	_ =	shalt  }
0x59: {  	_ =	shalt  }
0x5a: {  	_ =	shalt  }
0x5b: {  	_ =	shalt  }
0x5c: {  	_ =	shalt  }
0x5d: {  	_ =	shalt  }
0x5e: {  	_ =	shalt  }
0x5f: {  	_ =	shalt  }
0x60: {  	_ =	shalt  }
0x61: {  	_ =	shalt  }
0x62: {  	_ =	shalt  }
0x63: {  	_ =	shalt  }
0x64: {  	_ =	shalt  }
0x65: {  	_ =	shalt  }
0x66: {  	_ =	shalt  }
0x67: {  	_ =	shalt  }
0x68: {  	_ =	shalt  }
0x69: {  	_ =	shalt  }
0x6a: {  	_ =	shalt  }
0x6b: {  	_ =	shalt  }
0x6c: {  	_ =	shalt  }
0x6d: {  	_ =	shalt  }
0x6e: {  	_ =	shalt  }
0x6f: {  	_ =	shalt  }
0x70: {  	_ =	shalt  }
0x71: {  	_ =	shalt  }
0x72: {  	_ =	shalt  }
0x73: {  	_ =	shalt  }
0x74: {  	_ =	shalt  }
0x75: {  	_ =	shalt  }
0x76: {  	_ =	shalt  }
0x77: {  	_ =	shalt  }
0x78: {  	_ =	shalt  }
0x79: {  	_ =	shalt  }
0x7a: {  	_ =	shalt  }
0x7b: {  	_ =	shalt  }
0x7c: {  	_ =	shalt  }
0x7d: {  	_ =	shalt  }
0x7e: {  	_ =	shalt  }
0x7f: {  	_ =	shalt  }
0x80: {  	_ =	shalt  }
0x81: {  	_ =	shalt  }
0x82: {  	_ =	shalt  }
0x83: {  	_ =	shalt  }
0x84: {  	_ =	shalt  }
0x85: {  	_ =	shalt  }
0x86: {  	_ =	shalt  }
0x87: {  	_ =	shalt  }
.Lfunc_end0:
.L_simem_size_0:
called_computation_lowered:
.L_overlay_start_0:
0x88: {  	s2 =	sld [smem:$0x3FD9]  }
0x89: {  	s3 =	sld [smem:$0x3FFE];
	_ =	sdelay $0x1  }
0x8a: {  	s1 =	srdreg.scid  }
0x8b: {  	s0 =	sand.u32 $0x1, s1  }
0x8c: {  	s16 =	sshll.u32 s0, $0xA;
	s2 =	sadd.s32 s3, s2  }
0x8d: {  	s2 =	sadd.s32 s2, s16  }
0x8e: {  	[smem:$0x3FB7] =	sst s2  }
0x8f: {  	_ = 	snop  }
0x90: {  	(tm) =	ssettm $0x1  }
0x91: {  	s17 =	sld [smem:$0x3FFB];
	_ =	sdelay $0x3  }
0x92: {  	_ =	strace s17  }
0x93: {  	s2 =	sld [smem:$0x3FFC];
	_ =	sdelay $0x3  }
0x94: {  	_ =	strace s2  }
0x95: {  	s2 =	sld [smem:$0x3FFD];
	_ =	sdelay $0x3  }
0x96: {  	_ =	strace s2  }
0x97: {  	_ =	strace $0x8FFFFFFF  }
0x98: {  	s18 =	sld [smem:$0x3FDB];
	_ =	sdelay $0x1  }
0x99: {  	s19 =	simm.s32 $_scs_section_size  }
0x9a: {  	s4 =	simm.s32 $_size__tile_overlayer_lowered;
	s5 =	simm.s32 $_tile_overlayer_lowered  }
0x9b: {  	s22 =	simm.s32 $0x1BFF;
	s21 =	sshll.u32 s5, $0x1;
	s2 =	sadd.s32 s19, s18  }
0x9c: {  	s6 =	simm.s32 $0x0;
	s20 =	sshll.u32 s4, $0x1;
	s4 =	sadd.s32 s21, s2  }
0x9d: {  	[timem:s6], [sflag:s22] =	dma.local [hbm:s4], s20  }
0x9e: {  	_ =	swait.ge [sflag:s22], s20  }
0x9f: {  	s3 =	ssub.s32 $0x0, s20;
	[sflag:s22] =	ssyncset.done $0x0  }
0xa0: {  	[sflag:s22] =	ssyncadd.s32 s3;
	_ =	sdelay $0x1  }
0xa1: {  	s23 =	simm.s32 $0x1B8B  }
0xa2: {  	_ =	swait.ge [sflag:s23], $0x1  }
0xa3: {  	[sflag:s23] =	ssyncset.done $0x0  }
0xa4: {  	s25 =	simm.s32 $0x1B8E;
	s24 =	sld [smem:$0x3FFE];
	[sflag:s23] =	ssyncadd.s32 $0xFFFFFFFF  }
0xa5: {  	s26 =	simm.s32 $execute0_lowered;
	[smem:$0x3FD2] =	sst s25  }
0xa6: {  	s4 =	sshll.u32 s26, $0x1;
	_ =	strace $0x80000046;
	[dreg:$0x1] =	wrdreg $0xFFFFFFFF  }
0xa7: {  	s28 =	simm.s32 $_size_execute0_lowered;
	s2 =	sadd.s32 s2, s4;
	[dreg:$0x0] =	wrdreg $0x0  }
0xa8: {  	s4 =	sshll.u32 s28, $0x1;
	[dreg:$0x2] =	wrdreg s2  }
0xa9: {  	[dreg:$0x3] =	wrdreg s4  }
0xaa: {  	[dreg:$0x4] =	wrdreg $0xC0  }
0xab: {  	_ =	task [dreg:s6], $0x5FFFF  }
0xac: {  	[dreg:$0x1] =	wrdreg $0xFFFFFFFF  }
0xad: {  	[dreg:$0x0] =	wrdreg $0x60  }
0xae: {  	[dreg:$0x2] =	wrdreg s24  }
0xaf: {  	[dreg:$0x3] =	wrdreg $0x9  }
0xb0: {  	_ =	task.clear_ibuf [dreg:s6], $0x4FFFF;
	_ =	strace $0x90000046  }
0xb1: {  	s29 =	simm.s32 $0x9;
	_ =	strace $0x80000048  }
0xb2: {  	_ =	swait.ge [sflag:s29], $0x1  }
0xb3: {  	[sflag:s29] =	ssyncadd.s32 $0xFFFFFFFF  }
0xb4: {  	_ =	strace $0x90000048  }
0xb5: {  	_ =	sfence  }
0xb6: {  	s30 =	sld [smem:$0x0];
	_ =	sdelay $0x2  }
0xb7: {  	s31 =	sshll.u32 s1, $0xD;
	s1 =	sshrl.u32 s1, $0x2  }
0xb8: {  	s3 =	sand.u32 $0x4000, s31;
	s1 =	sadd.s32 s1, s30  }
0xb9: {  	s0 =	sor.u32 s3, s0;
	s1 =	sshll.u32 s1, $0x11  }
0xba: {  	s0 =	sor.u32 s1, s0  }
0xbb: {  	s0 =	sadd.s32 $0x8F2B, s0  }
0xbc: {  	[sflag:s0] =	ssyncadd.remote.s32 $0x1  }
0xbd: {  	_ =	sfence.sel $0xFFFF  }
0xbe: {  	[dreg:$0x0] =	wrdreg $0xFFFFFFFF;
	(pc) =	sbr.abs _section_cstart, $3  }
0xbf: {  	[dreg:$0x1] =	wrdreg $0xFFFFFFFF  }
0xc0: {  	_ =	task.clear_ibuf [dreg:s6], $0x2FFFF;
	_ =	strace $0x9FFFFFFF  }
0xc1: {  	(tm) =	ssettm $0x7FFFFFFF  }
tec
execute0_lowered:
.L_overlay_start_1:
0x0: {  	(tag) =	ssettag $0x1  }
0x1: {  	s4 =	rddreg [dreg:$0x0]  }
0x2: {  	s0 =	rddreg [dreg:$0x1];
	s2 =	simm.s32 $0x0;
	s1 =	stileid.u32  }
0x3: {  	s3 =	srdreg.scid;
	s10 =	simm.s32 $0x0;
	s6 =	smul.u32 $0x2800, s1  }
0x4: {  	[smem:$0x7FF] =	sst s2;
	s5 =	sand.u32 $0x1, s3;
	s8 =	smul.u32 $0x28000, s1  }
0x5: {  	s3 =	sadd.s32 $0x26E00, s4;
	s7 =	smul.u32 $0x1400, s5;
	s9 =	ssub.s32 $0x2, s5  }
0x6: {  	_ =	strace $0x80000047;
	s5 =	smul.u32 $0x14000, s5;
	s31 =	sshrl.u32 s9, $0x1  }
0x7: {  	s8 =	sadd.s32 s8, s4;
	s6 =	sadd.s32 s7, s6;
	s7 =	ssub.s32 s9, s31  }
0x8: {  	s5 =	sadd.s32 s5, s8;
	s8 =	simm.s32 $0x80;
	s6 =	sshrl.u32 s6, $0x3  }
0x9: {  	s9 =	simm.s32 $0x1;
	s5 =	sadd.s32 $0x6BE00, s5;
	s6 =	sadd.s32 s6, s4  }
0xa: {  	s4 =	smax.u32 s7, $0x1;
	s7 =	simm.s32 $0x2;
	s6 =	sadd.s32 $0x66E00, s6  }
.LBB2_1:
0xb: {  	s11 =	sadd.s32 $0x0, s6  }
0xc: {  	[tilespmem:s2], [sflag:$0x2] =	stream.linear.gather [hbm4b:s11+s2], $0x80, $0x38;
	[tilespmem:$0x4080] =	vst v63  }
0xd: {  	_ =	swait.ge [sflag:s7], $0x80  }
0xe: {  	[sflag:s7] =	ssyncset.done $0x0  }
0xf: {  	[sflag:s7] =	ssyncadd.s32 $0xFFFFFF80  }
0x10: {  	[tilespmem:s8], [sflag:$0x1] =	stream.indirect.gather [hbm4b:s3+s8], $0x80, s2, s8, $0xb8;
	[tilespmem:$0x4080] =	vst v63  }
0x11: {  	_ =	swait.ge [sflag:s9], $0x4000  }
0x12: {  	[sflag:s9] =	ssyncset.done $0x0  }
0x13: {  	[sflag:s9] =	ssyncadd.s32 $0xFFFFC000  }
0x14: {  	[hbm4b:s5+s2] =	stream.linear.scatter [tilespmem:s8], [sflag:$0x2], $0x4000, $0x38;
	[tilespmem:$0x4080] =	vst v63  }
0x15: {  	s12 =	simm.s32 $0x10;
	_ =	swait.ge [sflag:s7], $0x4000  }
0x16: {  	s13 =	simm.s32 $0x20;
	s11 =	sadd.s32 $0x800, s5;
	[sflag:s7] =	ssyncset.done $0x0  }
.LBB2_2:
0x17: {  	s14 =	sadd.s32 s12, s6  }
0x18: {  	[sflag:s7] =	ssyncadd.s32 $0xFFFFC000;
	s12 =	smov.u32 s13;
	s15 =	sadd.s32 $0x10, s13  }
0x19: {  	[tilespmem:s2], [sflag:$0x2] =	stream.linear.gather [hbm4b:s14+s2], $0x80, $0x38;
	[tilespmem:$0x4080] =	vst v63  }
0x1a: {  	p0 =	sne.s32 s13, $0x270;
	_ =	swait.ge [sflag:s7], $0x80  }
0x1b: {  	[sflag:s7] =	ssyncset.done $0x0  }
0x1c: {  	[sflag:s7] =	ssyncadd.s32 $0xFFFFFF80  }
0x1d: {  	[tilespmem:s8], [sflag:$0x1] =	stream.indirect.gather [hbm4b:s3+s8], $0x80, s2, s8, $0xb8;
	[tilespmem:$0x4080] =	vst v63  }
0x1e: {  	_ =	swait.ge [sflag:s9], $0x4000  }
.Ltmp0:
0x1f: {  	[sflag:s9] =	ssyncset.done $0x0;
	(pc) =	sbr.rel @p0 .LBB2_2-.Ltmp0, $4  }
0x20: {  	[sflag:s9] =	ssyncadd.s32 $0xFFFFC000  }
0x21: {  	[hbm4b:s11+s2] =	stream.linear.scatter [tilespmem:s8], [sflag:$0x2], $0x4000, $0x38;
	[tilespmem:$0x4080] =	vst v63  }
0x22: {  	_ =	swait.ge [sflag:s7], $0x4000  }
0x23: {  	s13 =	smov.u32 s15;
	s11 =	sadd.s32 $0x800, s11;
	[sflag:s7] =	ssyncset.done $0x0  }
0x24: {  	s12 =	sadd.s32 s12, s6;
	[sflag:s7] =	ssyncadd.s32 $0xFFFFC000  }
0x25: {  	[tilespmem:s2], [sflag:$0x2] =	stream.linear.gather [hbm4b:s12+s2], $0x80, $0x38;
	[tilespmem:$0x4080] =	vst v63  }
0x26: {  	_ =	swait.ge [sflag:s7], $0x80  }
0x27: {  	[sflag:s7] =	ssyncset.done $0x0  }
0x28: {  	[sflag:s7] =	ssyncadd.s32 $0xFFFFFF80  }
0x29: {  	[tilespmem:s8], [sflag:$0x1] =	stream.indirect.gather [hbm4b:s3+s8], $0x80, s2, s8, $0xb8;
	[tilespmem:$0x4080] =	vst v63  }
0x2a: {  	s10 =	sadd.s32 $0x1, s10;
	_ =	swait.ge [sflag:s9], $0x4000  }
0x2b: {  	p0 =	sne.s32 s10, s4;
	[sflag:s9] =	ssyncset.done $0x0  }
.Ltmp1:
0x2c: {  	[sflag:s9] =	ssyncadd.s32 $0xFFFFC000;
	(pc) =	sbr.rel @p0 .LBB2_1-.Ltmp1, $4  }
0x2d: {  	[hbm4b:s11+s2] =	stream.linear.scatter [tilespmem:s8], [sflag:$0x2], $0x4000, $0x38;
	[tilespmem:$0x4080] =	vst v63  }
0x2e: {  	_ =	swait.ge [sflag:s7], $0x4000  }
0x2f: {  	[sflag:s7] =	ssyncset.done $0x0  }
0x30: {  	[sflag:s7] =	ssyncadd.s32 $0xFFFFC000  }
0x31: {  	_ =	sfence.sel $0x180000  }
0x32: {  	[bflag:$0x0] =	sbarrier.arrive $0xFFFF  }
0x33: {  	p0 =	sne.s32 s1, $0x0;
	_ =	strace $0x90000047  }
0x34: {  	s0 =	sadd.s32 @!p0 $0x100000, s0;
	[bflag:$0x2] =	sbarrier.arrive $0xFFFF  }
0x35: {  	[sflag:s0] =	ssyncadd.tile.s32 @!p0 $0x1;
	_ =	shalt  }
.Lfunc_end2:
_tile_overlayer_lowered:
.L_overlay_start_2:
0x36: {  	(tag) =	ssettag $0x2  }
0x37: {  	s0 =	rddreg [dreg:$0x0];
	s2 =	stileid.u32  }
0x38: {  	s1 =	rddreg [dreg:$0x1];
	p0 =	sne.s32 s2, $0x0  }
0x39: {  	s3 =	rddreg [dreg:$0x2];
	[bflag:$0x3] =	sbarrier.arrive $0xFFFF;
	s2 =	simm.s32 @!p0 $0x1C02  }
0x3a: {  	[timem:s3], [sflag:s2] =	dma.local @!p0 [hbm:s0], s1  }
0x3b: {  	s0 =	simm.s32 @!p0 $0x2  }
0x3c: {  	_ =	swait.ge @!p0 [sflag:s0], s1  }
0x3d: {  	s1 =	ssub.s32 @!p0 $0x0, s1;
	[sflag:s0] =	ssyncset.done @!p0 $0x0  }
0x3e: {  	[sflag:s0] =	ssyncadd.s32 @!p0 s1  }
0x3f: {  	[bflag:$0x3] =	sbarrier.arrive $0xFFFF  }
0x40: {  	_ =	shalt  }

// kernel: kernel.20.cloned.1.call-start
scs
__scs_entry_jumppad:
0x0: {  	(pc) =	sbr.rel $0x88, $3  }
0x1: {  	(tag) =	ssettag $0x0;
	lr =	simm.s32 $0x1  }
0x2: {  	[smem:$0x3F90] =	sst lr;
	_ =	strace $0xD0000000  }
0x3: {  	_ = 	snop  }
0x4: {  	_ = 	snop  }
0x5: {  	_ = 	snop  }
0x6: {  	_ = 	snop  }
0x7: {  	_ = 	snop  }
__scs_overlays_trampoline_lowered:
0x8: {  	[smem:$0x3F9F] =	sst s0  }
0x9: {  	[smem:$0x3FA0] =	sst s1  }
0xa: {  	[smem:$0x3FA1] =	sst s2  }
0xb: {  	[smem:$0x3FA2] =	sst s3  }
0xc: {  	[smem:$0x3FA3] =	sst s4  }
0xd: {  	[smem:$0x3FA4] =	sst s5  }
0xe: {  	[smem:$0x3FA5] =	sst s6  }
0xf: {  	[smem:$0x3FA6] =	sst s7  }
0x10: {  	[smem:$0x3FA7] =	sst s8  }
0x11: {  	[smem:$0x3FA8] =	sst s9;
	s0 =	simm.s32 @!p0 $0x0  }
0x12: {  	s1 =	sld [smem:$0x3F8E];
	s0 =	simm.s32 @p0 $0x1  }
0x13: {  	[smem:$0x3FA9] =	sst s0;
	s0 =	simm.s32 @!p1 $0x0  }
0x14: {  	s2 =	sld [smem:$0x3F8D];
	s0 =	simm.s32 @p1 $0x1  }
0x15: {  	[smem:$0x3FAA] =	sst s0;
	s0 =	simm.s32 @!p2 $0x0  }
0x16: {  	s3 =	sld [smem:$0x3FDB];
	s0 =	simm.s32 @p2 $0x1  }
0x17: {  	s4 =	simm.s32 $0x1BF5;
	[smem:$0x3FAC] =	sst s0  }
0x18: {  	s0 =	sld [smem:$0x3F8F];
	_ =	swait.ge [sflag:s4], $0x0  }
0x19: {  	s7 =	sld [smem:$0x3F90]  }
0x1a: {  	s8 =	sadd.s32 $0xFFFFE003, lr  }
0x1b: {  	s9 =	sadd.s32 $0xFFFFFEF7, lr;
	s5 =	simm.s32 $0xFFFFFFFF;
	p2 =	slt.u32 s8, $0xFFFFF086  }
0x1c: {  	p1 =	slt.u32 s9, $0xF7A;
	s5 =	simm.s32 @!p2 $0x0  }
0x1d: {  	s5 =	simm.s32 @p1 $0x1;
	p0 =	seq.s32 s7, s2  }
0x1e: {  	s7 =	smul.u32 @!p0 $0xF7A, s2;
	p2 =	seq.s32 @!p0 s5, $0x0  }
0x1f: {  	s9 =	smul.u32 $0xF7A, s1;
	s8 =	simm.s32 @!p0 $0x1BF5;
	p2 =	por !p2, p0  }
0x20: {  	[sflag:s8] =	ssyncset.s32 @!p0 $0xFFFFF086;
	s6 =	sadd.s32 @!p0 s3, s7;
	s7 =	simm.s32 @!p0 $0x108  }
0x21: {  	s3 =	sadd.s32 s3, s9;
	s6 =	sadd.s32 @!p0 $0x88, s6;
	s7 =	simm.s32 @p2 $0x1082  }
0x22: {  	[simem:s7], [sflag:s8] =	dma.local @!p0 [hbm:s6], $0xF7A  }
0x23: {  	s9 =	sor.u32 $0xD0000000, s2;
	s6 =	simm.s32 $0x108;
	_ =	swait.ge @!p0 [sflag:s8], $0x0  }
0x24: {  	s3 =	sadd.s32 $0x88, s3;
	s6 =	simm.s32 @!p1 $0x1082;
	[sflag:s4] =	ssyncset.s32 $0xFFFFF086  }
0x25: {  	[simem:s6], [sflag:s4] =	dma.local [hbm:s3], $0xF7A  }
0x26: {  	[smem:$0x3F90] =	sst s1;
	(tag) =	ssettag s2;
	_ =	strace s9  }
0x27: {  	s1 =	sld [smem:$0x3FA0]  }
0x28: {  	s2 =	sld [smem:$0x3FA1]  }
0x29: {  	s4 =	sld [smem:$0x3FA3]  }
0x2a: {  	p0 =	seq.s32 s5, $0x0;
	s5 =	sld [smem:$0x3FA4]  }
0x2b: {  	s6 =	sld [smem:$0x3FA5]  }
0x2c: {  	s7 =	sld [smem:$0x3FA6]  }
0x2d: {  	s3 =	simm.s32 $0x108;
	s8 =	sld [smem:$0x3FA7]  }
0x2e: {  	s3 =	simm.s32 @!p0 $0x1082;
	s9 =	sld [smem:$0x3FA8]  }
0x2f: {  	lr =	sadd.s32 s0, s3;
	s0 =	sld [smem:$0x3F9F]  }
0x30: {  	s3 =	sld [smem:$0x3FA2]  }
0x31: {  	[smem:$0x3FAB] =	sst s10  }
0x32: {  	s10 =	sld [smem:$0x3FA9];
	_ =	sdelay $0x3  }
0x33: {  	p0 =	seq.s32 s10, $0x1;
	s10 =	sld [smem:$0x3FAB];
	_ =	sdelay $0x3  }
0x34: {  	[smem:$0x3FAB] =	sst s10  }
0x35: {  	s10 =	sld [smem:$0x3FAA];
	_ =	sdelay $0x3  }
0x36: {  	p1 =	seq.s32 s10, $0x1;
	s10 =	sld [smem:$0x3FAB];
	_ =	sdelay $0x3  }
0x37: {  	[smem:$0x3FAB] =	sst s10  }
0x38: {  	s10 =	sld [smem:$0x3FAC]  }
0x39: {  	_ = 	snop;
	(pc) =	sbr.ind lr, $3  }
0x3a: {  	_ = 	snop  }
0x3b: {  	_ = 	snop  }
0x3c: {  	p2 =	seq.s32 s10, $0x1;
	s10 =	sld [smem:$0x3FAB]  }
0x3d: {  	_ =	shalt  }
0x3e: {  	_ =	shalt  }
0x3f: {  	_ =	shalt  }
0x40: {  	_ =	shalt  }
0x41: {  	_ =	shalt  }
0x42: {  	_ =	shalt  }
0x43: {  	_ =	shalt  }
0x44: {  	_ =	shalt  }
0x45: {  	_ =	shalt  }
0x46: {  	_ =	shalt  }
0x47: {  	_ =	shalt  }
0x48: {  	_ =	shalt  }
0x49: {  	_ =	shalt  }
0x4a: {  	_ =	shalt  }
0x4b: {  	_ =	shalt  }
0x4c: {  	_ =	shalt  }
0x4d: {  	_ =	shalt  }
0x4e: {  	_ =	shalt  }
0x4f: {  	_ =	shalt  }
0x50: {  	_ =	shalt  }
0x51: {  	_ =	shalt  }
0x52: {  	_ =	shalt  }
0x53: {  	_ =	shalt  }
0x54: {  	_ =	shalt  }
0x55: {  	_ =	shalt  }
0x56: {  	_ =	shalt  }
0x57: {  	_ =	shalt  }
0x58: {  	_ =	shalt  }
0x59: {  	_ =	shalt  }
0x5a: {  	_ =	shalt  }
0x5b: {  	_ =	shalt  }
0x5c: {  	_ =	shalt  }
0x5d: {  	_ =	shalt  }
0x5e: {  	_ =	shalt  }
0x5f: {  	_ =	shalt  }
0x60: {  	_ =	shalt  }
0x61: {  	_ =	shalt  }
0x62: {  	_ =	shalt  }
0x63: {  	_ =	shalt  }
0x64: {  	_ =	shalt  }
0x65: {  	_ =	shalt  }
0x66: {  	_ =	shalt  }
0x67: {  	_ =	shalt  }
0x68: {  	_ =	shalt  }
0x69: {  	_ =	shalt  }
0x6a: {  	_ =	shalt  }
0x6b: {  	_ =	shalt  }
0x6c: {  	_ =	shalt  }
0x6d: {  	_ =	shalt  }
0x6e: {  	_ =	shalt  }
0x6f: {  	_ =	shalt  }
0x70: {  	_ =	shalt  }
0x71: {  	_ =	shalt  }
0x72: {  	_ =	shalt  }
0x73: {  	_ =	shalt  }
0x74: {  	_ =	shalt  }
0x75: {  	_ =	shalt  }
0x76: {  	_ =	shalt  }
0x77: {  	_ =	shalt  }
0x78: {  	_ =	shalt  }
0x79: {  	_ =	shalt  }
0x7a: {  	_ =	shalt  }
0x7b: {  	_ =	shalt  }
0x7c: {  	_ =	shalt  }
0x7d: {  	_ =	shalt  }
0x7e: {  	_ =	shalt  }
0x7f: {  	_ =	shalt  }
0x80: {  	_ =	shalt  }
0x81: {  	_ =	shalt  }
0x82: {  	_ =	shalt  }
0x83: {  	_ =	shalt  }
0x84: {  	_ =	shalt  }
0x85: {  	_ =	shalt  }
0x86: {  	_ =	shalt  }
0x87: {  	_ =	shalt  }
.Lfunc_end0:
.L_simem_size_0:
called_computation.1_lowered:
.L_overlay_start_0:
0x88: {  	s2 =	sld [smem:$0x3FD9]  }
0x89: {  	s3 =	sld [smem:$0x3FFE];
	_ =	sdelay $0x1  }
0x8a: {  	s1 =	srdreg.scid  }
0x8b: {  	s0 =	sand.u32 $0x1, s1  }
0x8c: {  	s17 =	sshll.u32 s0, $0xA;
	s2 =	sadd.s32 s3, s2  }
0x8d: {  	s2 =	sadd.s32 s2, s17  }
0x8e: {  	[smem:$0x3FB7] =	sst s2  }
0x8f: {  	_ = 	snop  }
0x90: {  	(tm) =	ssettm $0x1  }
0x91: {  	s18 =	sld [smem:$0x3FFB];
	_ =	sdelay $0x3  }
0x92: {  	_ =	strace s18  }
0x93: {  	s2 =	sld [smem:$0x3FFC];
	_ =	sdelay $0x3  }
0x94: {  	_ =	strace s2  }
0x95: {  	s2 =	sld [smem:$0x3FFD];
	_ =	sdelay $0x3  }
0x96: {  	_ =	strace s2  }
0x97: {  	_ =	strace $0x8FFFFFFF  }
0x98: {  	s19 =	sld [smem:$0x3FDB];
	_ =	sdelay $0x1  }
0x99: {  	s20 =	simm.s32 $_scs_section_size  }
0x9a: {  	s4 =	simm.s32 $_size__tile_overlayer_lowered;
	s5 =	simm.s32 $_tile_overlayer_lowered  }
0x9b: {  	s6 =	simm.s32 $0x1BFF;
	s21 =	sshll.u32 s5, $0x1;
	s3 =	sadd.s32 s20, s19  }
0x9c: {  	s22 =	simm.s32 $0x0;
	s4 =	sshll.u32 s4, $0x1;
	s5 =	sadd.s32 s21, s3  }
0x9d: {  	[timem:s22], [sflag:s6] =	dma.local [hbm:s5], s4  }
0x9e: {  	_ =	swait.ge [sflag:s6], s4  }
0x9f: {  	s4 =	ssub.s32 $0x0, s4;
	[sflag:s6] =	ssyncset.done $0x0  }
0xa0: {  	[sflag:s6] =	ssyncadd.s32 s4;
	_ =	sdelay $0x1  }
0xa1: {  	s23 =	simm.s32 $0x1B8B  }
0xa2: {  	_ =	swait.ge [sflag:s23], $0x1  }
0xa3: {  	[sflag:s23] =	ssyncset.done $0x0  }
0xa4: {  	[sflag:s23] =	ssyncadd.s32 $0xFFFFFFFF  }
0xa5: {  	s4 =	sld [smem:$0x0]  }
0xa6: {  	s5 =	sand.u32 $0xFFFFFFFE, s1  }
0xa7: {  	p0 =	sne.s32 s1, s5  }
0xa8: {  	s5 =	sshll.u32 @p0 s5, $0xE  }
0xa9: {  	s5 =	sadd.s32 @p0 $0x11B8D, s5;
	s6 =	sshll.u32 @p0 s4, $0x11  }
0xaa: {  	s5 =	sor.u32 @p0 s6, s5  }
0xab: {  	[sflag:s5] =	ssyncadd.remote.s32 @p0 $0x1;
	_ =	sdelay $0x1  }
0xac: {  	s5 =	simm.s32 @p0 $0x1B8D  }
0xad: {  	_ =	swait.eq @p0 [sflag:s5], $0x1  }
0xae: {  	[sflag:s5] =	ssyncadd.s32 @p0 $0xFFFFFFFF  }
0xaf: {  	s6 =	sshll.u32 @!p0 s1, $0xE  }
0xb0: {  	s6 =	sor.u32 @!p0 $0x4000, s6;
	s5 =	simm.s32 @!p0 $0x1B8D  }
0xb1: {  	s4 =	sshll.u32 @!p0 s4, $0x11;
	s6 =	sadd.s32 @!p0 $0x11B8D, s6;
	_ =	swait.eq @!p0 [sflag:s5], $0x1  }
0xb2: {  	s4 =	sor.u32 @!p0 s4, s6;
	[sflag:s5] =	ssyncadd.s32 @!p0 $0xFFFFFFFF  }
0xb3: {  	s25 =	simm.s32 $0x1B8E;
	s24 =	sld [smem:$0x3FFE];
	[sflag:s4] =	ssyncadd.remote.s32 @!p0 $0x1  }
0xb4: {  	s26 =	simm.s32 $execute0_lowered;
	[smem:$0x3FD2] =	sst s25  }
0xb5: {  	s5 =	sshll.u32 s26, $0x1;
	_ =	strace $0x8000004C;
	[dreg:$0x1] =	wrdreg $0xFFFFFFFF  }
0xb6: {  	s28 =	simm.s32 $_size_execute0_lowered;
	s3 =	sadd.s32 s3, s5;
	[dreg:$0x0] =	wrdreg $0x0  }
0xb7: {  	s5 =	sshll.u32 s28, $0x1;
	[dreg:$0x2] =	wrdreg s3  }
0xb8: {  	[dreg:$0x3] =	wrdreg s5  }
0xb9: {  	[dreg:$0x4] =	wrdreg $0xC0  }
0xba: {  	_ =	task [dreg:s22], $0x5FFFF  }
0xbb: {  	[dreg:$0x1] =	wrdreg $0xFFFFFFFF  }
0xbc: {  	[dreg:$0x0] =	wrdreg $0x60  }
0xbd: {  	[dreg:$0x2] =	wrdreg s24  }
0xbe: {  	[dreg:$0x3] =	wrdreg $0x9  }
0xbf: {  	_ =	task.clear_ibuf [dreg:s22], $0x4FFFF;
	_ =	strace $0x9000004C  }
0xc0: {  	s29 =	simm.s32 $0x9;
	_ =	strace $0x8000004E  }
0xc1: {  	_ =	swait.ge [sflag:s29], $0x1  }
0xc2: {  	[sflag:s29] =	ssyncadd.s32 $0xFFFFFFFF  }
0xc3: {  	_ =	strace $0x9000004E  }
0xc4: {  	_ =	sfence  }
0xc5: {  	s30 =	sld [smem:$0x0];
	_ =	sdelay $0x2  }
0xc6: {  	s31 =	sshll.u32 s1, $0xD;
	s1 =	sshrl.u32 s1, $0x2  }
0xc7: {  	s4 =	sand.u32 $0x4000, s31;
	s1 =	sadd.s32 s1, s30  }
0xc8: {  	s0 =	sor.u32 s4, s0;
	s1 =	sshll.u32 s1, $0x11  }
0xc9: {  	s0 =	sor.u32 s1, s0  }
0xca: {  	s0 =	sadd.s32 $0x8F2B, s0  }
0xcb: {  	[sflag:s0] =	ssyncadd.remote.s32 $0x1  }
0xcc: {  	_ =	sfence.sel $0xFFFF  }
0xcd: {  	[dreg:$0x0] =	wrdreg $0xFFFFFFFF;
	(pc) =	sbr.abs _section_cstart, $3  }
0xce: {  	[dreg:$0x1] =	wrdreg $0xFFFFFFFF  }
0xcf: {  	_ =	task.clear_ibuf [dreg:s22], $0x2FFFF;
	_ =	strace $0x9FFFFFFF  }
0xd0: {  	(tm) =	ssettm $0x7FFFFFFF  }
0xd1: {  	_ =	shalt  }
tec
execute0_lowered:
.L_overlay_start_1:
0x0: {  	(tag) =	ssettag $0x1  }
0x1: {  	s4 =	rddreg [dreg:$0x0]  }
0x2: {  	s0 =	rddreg [dreg:$0x1];
	s2 =	simm.s32 $0x0;
	s1 =	stileid.u32  }
0x3: {  	s3 =	srdreg.scid;
	s10 =	simm.s32 $0x0;
	s6 =	smul.u32 $0x2800, s1  }
0x4: {  	[smem:$0x7FF] =	sst s2;
	s5 =	sand.u32 $0x1, s3;
	s8 =	smul.u32 $0x28000, s1  }
0x5: {  	s3 =	sadd.s32 $0x66E00, s4;
	s7 =	smul.u32 $0x1400, s5;
	s9 =	ssub.s32 $0x2, s5  }
0x6: {  	_ =	strace $0x8000004D;
	s5 =	smul.u32 $0x14000, s5;
	s31 =	sshrl.u32 s9, $0x1  }
0x7: {  	s8 =	sadd.s32 s8, s4;
	s6 =	sadd.s32 s7, s6;
	s7 =	ssub.s32 s9, s31  }
0x8: {  	s5 =	sadd.s32 s5, s8;
	s8 =	simm.s32 $0x80;
	s6 =	sshrl.u32 s6, $0x3  }
0x9: {  	s9 =	simm.s32 $0x1;
	s5 =	sadd.s32 $0x5B1600, s5;
	s6 =	sadd.s32 s6, s4  }
0xa: {  	s4 =	smax.u32 s7, $0x1;
	s7 =	simm.s32 $0x2;
	s6 =	sadd.s32 $0x86E00, s6  }
.LBB2_1:
0xb: {  	s11 =	sadd.s32 $0x0, s6  }
0xc: {  	[tilespmem:s2], [sflag:$0x2] =	stream.linear.gather [hbm4b:s11+s2], $0x80, $0x38;
	[tilespmem:$0x4080] =	vst v63  }
0xd: {  	_ =	swait.ge [sflag:s7], $0x80  }
0xe: {  	[sflag:s7] =	ssyncset.done $0x0  }
0xf: {  	[sflag:s7] =	ssyncadd.s32 $0xFFFFFF80  }
0x10: {  	[tilespmem:s8], [sflag:$0x1] =	stream.indirect.gather [hbm4b:s3+s8], $0x80, s2, s8, $0xb8;
	[tilespmem:$0x4080] =	vst v63  }
0x11: {  	_ =	swait.ge [sflag:s9], $0x4000  }
0x12: {  	[sflag:s9] =	ssyncset.done $0x0  }
0x13: {  	[sflag:s9] =	ssyncadd.s32 $0xFFFFC000  }
0x14: {  	[hbm4b:s5+s2] =	stream.linear.scatter [tilespmem:s8], [sflag:$0x2], $0x4000, $0x38;
	[tilespmem:$0x4080] =	vst v63  }
0x15: {  	s12 =	simm.s32 $0x10;
	_ =	swait.ge [sflag:s7], $0x4000  }
0x16: {  	s13 =	simm.s32 $0x20;
	s11 =	sadd.s32 $0x800, s5;
	[sflag:s7] =	ssyncset.done $0x0  }
.LBB2_2:
0x17: {  	s14 =	sadd.s32 s12, s6  }
0x18: {  	[sflag:s7] =	ssyncadd.s32 $0xFFFFC000;
	s12 =	smov.u32 s13;
	s15 =	sadd.s32 $0x10, s13  }
0x19: {  	[tilespmem:s2], [sflag:$0x2] =	stream.linear.gather [hbm4b:s14+s2], $0x80, $0x38;
	[tilespmem:$0x4080] =	vst v63  }
0x1a: {  	p0 =	sne.s32 s13, $0x270;
	_ =	swait.ge [sflag:s7], $0x80  }
0x1b: {  	[sflag:s7] =	ssyncset.done $0x0  }
0x1c: {  	[sflag:s7] =	ssyncadd.s32 $0xFFFFFF80  }
0x1d: {  	[tilespmem:s8], [sflag:$0x1] =	stream.indirect.gather [hbm4b:s3+s8], $0x80, s2, s8, $0xb8;
	[tilespmem:$0x4080] =	vst v63  }
0x1e: {  	_ =	swait.ge [sflag:s9], $0x4000  }
.Ltmp0:
0x1f: {  	[sflag:s9] =	ssyncset.done $0x0;
	(pc) =	sbr.rel @p0 .LBB2_2-.Ltmp0, $4  }
0x20: {  	[sflag:s9] =	ssyncadd.s32 $0xFFFFC000  }
0x21: {  	[hbm4b:s11+s2] =	stream.linear.scatter [tilespmem:s8], [sflag:$0x2], $0x4000, $0x38;
	[tilespmem:$0x4080] =	vst v63  }
0x22: {  	_ =	swait.ge [sflag:s7], $0x4000  }
0x23: {  	s13 =	smov.u32 s15;
	s11 =	sadd.s32 $0x800, s11;
	[sflag:s7] =	ssyncset.done $0x0  }
0x24: {  	s12 =	sadd.s32 s12, s6;
	[sflag:s7] =	ssyncadd.s32 $0xFFFFC000  }
0x25: {  	[tilespmem:s2], [sflag:$0x2] =	stream.linear.gather [hbm4b:s12+s2], $0x80, $0x38;
	[tilespmem:$0x4080] =	vst v63  }
0x26: {  	_ =	swait.ge [sflag:s7], $0x80  }
0x27: {  	[sflag:s7] =	ssyncset.done $0x0  }
0x28: {  	[sflag:s7] =	ssyncadd.s32 $0xFFFFFF80  }
0x29: {  	[tilespmem:s8], [sflag:$0x1] =	stream.indirect.gather [hbm4b:s3+s8], $0x80, s2, s8, $0xb8;
	[tilespmem:$0x4080] =	vst v63  }
0x2a: {  	s10 =	sadd.s32 $0x1, s10;
	_ =	swait.ge [sflag:s9], $0x4000  }
0x2b: {  	p0 =	sne.s32 s10, s4;
	[sflag:s9] =	ssyncset.done $0x0  }
.Ltmp1:
0x2c: {  	[sflag:s9] =	ssyncadd.s32 $0xFFFFC000;
	(pc) =	sbr.rel @p0 .LBB2_1-.Ltmp1, $4  }
0x2d: {  	[hbm4b:s11+s2] =	stream.linear.scatter [tilespmem:s8], [sflag:$0x2], $0x4000, $0x38;
	[tilespmem:$0x4080] =	vst v63  }
0x2e: {  	_ =	swait.ge [sflag:s7], $0x4000  }
0x2f: {  	[sflag:s7] =	ssyncset.done $0x0  }
0x30: {  	[sflag:s7] =	ssyncadd.s32 $0xFFFFC000  }
0x31: {  	_ =	sfence.sel $0x180000  }
0x32: {  	[bflag:$0x0] =	sbarrier.arrive $0xFFFF  }
0x33: {  	p0 =	sne.s32 s1, $0x0;
	_ =	strace $0x9000004D  }
0x34: {  	s0 =	sadd.s32 @!p0 $0x100000, s0;
	[bflag:$0x2] =	sbarrier.arrive $0xFFFF  }
0x35: {  	[sflag:s0] =	ssyncadd.tile.s32 @!p0 $0x1;
	_ =	shalt  }
.Lfunc_end2:
_tile_overlayer_lowered:
.L_overlay_start_2:
0x36: {  	(tag) =	ssettag $0x2  }
0x37: {  	s0 =	rddreg [dreg:$0x0];
	s2 =	stileid.u32  }
0x38: {  	s1 =	rddreg [dreg:$0x1];
	p0 =	sne.s32 s2, $0x0  }
0x39: {  	s3 =	rddreg [dreg:$0x2];
	[bflag:$0x3] =	sbarrier.arrive $0xFFFF;
	s2 =	simm.s32 @!p0 $0x1C02  }
0x3a: {  	[timem:s3], [sflag:s2] =	dma.local @!p0 [hbm:s0], s1  }
0x3b: {  	s0 =	simm.s32 @!p0 $0x2  }
0x3c: {  	_ =	swait.ge @!p0 [sflag:s0], s1  }
0x3d: {  	s1 =	ssub.s32 @!p0 $0x0, s1;
	[sflag:s0] =	ssyncset.done @!p0 $0x0  }
0x3e: {  	[sflag:s0] =	ssyncadd.s32 @!p0 s1  }
0x3f: {  	[bflag:$0x3] =	sbarrier.arrive $0xFFFF  }
0x40: {  	_ =	shalt  }

// kernel: kernel.23.cloned.1.call-start
scs
__scs_entry_jumppad:
0x0: {  	(pc) =	sbr.rel $0x88, $3  }
0x1: {  	(tag) =	ssettag $0x0;
	lr =	simm.s32 $0x1  }
0x2: {  	[smem:$0x3F90] =	sst lr;
	_ =	strace $0xD0000000  }
0x3: {  	_ = 	snop  }
0x4: {  	_ = 	snop  }
0x5: {  	_ = 	snop  }
0x6: {  	_ = 	snop  }
0x7: {  	_ = 	snop  }
__scs_overlays_trampoline_lowered:
0x8: {  	[smem:$0x3F9F] =	sst s0  }
0x9: {  	[smem:$0x3FA0] =	sst s1  }
0xa: {  	[smem:$0x3FA1] =	sst s2  }
0xb: {  	[smem:$0x3FA2] =	sst s3  }
0xc: {  	[smem:$0x3FA3] =	sst s4  }
0xd: {  	[smem:$0x3FA4] =	sst s5  }
0xe: {  	[smem:$0x3FA5] =	sst s6  }
0xf: {  	[smem:$0x3FA6] =	sst s7  }
0x10: {  	[smem:$0x3FA7] =	sst s8  }
0x11: {  	[smem:$0x3FA8] =	sst s9;
	s0 =	simm.s32 @!p0 $0x0  }
0x12: {  	s1 =	sld [smem:$0x3F8E];
	s0 =	simm.s32 @p0 $0x1  }
0x13: {  	[smem:$0x3FA9] =	sst s0;
	s0 =	simm.s32 @!p1 $0x0  }
0x14: {  	s2 =	sld [smem:$0x3F8D];
	s0 =	simm.s32 @p1 $0x1  }
0x15: {  	[smem:$0x3FAA] =	sst s0;
	s0 =	simm.s32 @!p2 $0x0  }
0x16: {  	s3 =	sld [smem:$0x3FDB];
	s0 =	simm.s32 @p2 $0x1  }
0x17: {  	s4 =	simm.s32 $0x1BF5;
	[smem:$0x3FAC] =	sst s0  }
0x18: {  	s0 =	sld [smem:$0x3F8F];
	_ =	swait.ge [sflag:s4], $0x0  }
0x19: {  	s7 =	sld [smem:$0x3F90]  }
0x1a: {  	s8 =	sadd.s32 $0xFFFFE003, lr  }
0x1b: {  	s9 =	sadd.s32 $0xFFFFFEF7, lr;
	s5 =	simm.s32 $0xFFFFFFFF;
	p2 =	slt.u32 s8, $0xFFFFF086  }
0x1c: {  	p1 =	slt.u32 s9, $0xF7A;
	s5 =	simm.s32 @!p2 $0x0  }
0x1d: {  	s5 =	simm.s32 @p1 $0x1;
	p0 =	seq.s32 s7, s2  }
0x1e: {  	s7 =	smul.u32 @!p0 $0xF7A, s2;
	p2 =	seq.s32 @!p0 s5, $0x0  }
0x1f: {  	s9 =	smul.u32 $0xF7A, s1;
	s8 =	simm.s32 @!p0 $0x1BF5;
	p2 =	por !p2, p0  }
0x20: {  	[sflag:s8] =	ssyncset.s32 @!p0 $0xFFFFF086;
	s6 =	sadd.s32 @!p0 s3, s7;
	s7 =	simm.s32 @!p0 $0x108  }
0x21: {  	s3 =	sadd.s32 s3, s9;
	s6 =	sadd.s32 @!p0 $0x88, s6;
	s7 =	simm.s32 @p2 $0x1082  }
0x22: {  	[simem:s7], [sflag:s8] =	dma.local @!p0 [hbm:s6], $0xF7A  }
0x23: {  	s9 =	sor.u32 $0xD0000000, s2;
	s6 =	simm.s32 $0x108;
	_ =	swait.ge @!p0 [sflag:s8], $0x0  }
0x24: {  	s3 =	sadd.s32 $0x88, s3;
	s6 =	simm.s32 @!p1 $0x1082;
	[sflag:s4] =	ssyncset.s32 $0xFFFFF086  }
0x25: {  	[simem:s6], [sflag:s4] =	dma.local [hbm:s3], $0xF7A  }
0x26: {  	[smem:$0x3F90] =	sst s1;
	(tag) =	ssettag s2;
	_ =	strace s9  }
0x27: {  	s1 =	sld [smem:$0x3FA0]  }
0x28: {  	s2 =	sld [smem:$0x3FA1]  }
0x29: {  	s4 =	sld [smem:$0x3FA3]  }
0x2a: {  	p0 =	seq.s32 s5, $0x0;
	s5 =	sld [smem:$0x3FA4]  }
0x2b: {  	s6 =	sld [smem:$0x3FA5]  }
0x2c: {  	s7 =	sld [smem:$0x3FA6]  }
0x2d: {  	s3 =	simm.s32 $0x108;
	s8 =	sld [smem:$0x3FA7]  }
0x2e: {  	s3 =	simm.s32 @!p0 $0x1082;
	s9 =	sld [smem:$0x3FA8]  }
0x2f: {  	lr =	sadd.s32 s0, s3;
	s0 =	sld [smem:$0x3F9F]  }
0x30: {  	s3 =	sld [smem:$0x3FA2]  }
0x31: {  	[smem:$0x3FAB] =	sst s10  }
0x32: {  	s10 =	sld [smem:$0x3FA9];
	_ =	sdelay $0x3  }
0x33: {  	p0 =	seq.s32 s10, $0x1;
	s10 =	sld [smem:$0x3FAB];
	_ =	sdelay $0x3  }
0x34: {  	[smem:$0x3FAB] =	sst s10  }
0x35: {  	s10 =	sld [smem:$0x3FAA];
	_ =	sdelay $0x3  }
0x36: {  	p1 =	seq.s32 s10, $0x1;
	s10 =	sld [smem:$0x3FAB];
	_ =	sdelay $0x3  }
0x37: {  	[smem:$0x3FAB] =	sst s10  }
0x38: {  	s10 =	sld [smem:$0x3FAC]  }
0x39: {  	_ = 	snop;
	(pc) =	sbr.ind lr, $3  }
0x3a: {  	_ = 	snop  }
0x3b: {  	_ = 	snop  }
0x3c: {  	p2 =	seq.s32 s10, $0x1;
	s10 =	sld [smem:$0x3FAB]  }
0x3d: {  	_ =	shalt  }
0x3e: {  	_ =	shalt  }
0x3f: {  	_ =	shalt  }
0x40: {  	_ =	shalt  }
0x41: {  	_ =	shalt  }
0x42: {  	_ =	shalt  }
0x43: {  	_ =	shalt  }
0x44: {  	_ =	shalt  }
0x45: {  	_ =	shalt  }
0x46: {  	_ =	shalt  }
0x47: {  	_ =	shalt  }
0x48: {  	_ =	shalt  }
0x49: {  	_ =	shalt  }
0x4a: {  	_ =	shalt  }
0x4b: {  	_ =	shalt  }
0x4c: {  	_ =	shalt  }
0x4d: {  	_ =	shalt  }
0x4e: {  	_ =	shalt  }
0x4f: {  	_ =	shalt  }
0x50: {  	_ =	shalt  }
0x51: {  	_ =	shalt  }
0x52: {  	_ =	shalt  }
0x53: {  	_ =	shalt  }
0x54: {  	_ =	shalt  }
0x55: {  	_ =	shalt  }
0x56: {  	_ =	shalt  }
0x57: {  	_ =	shalt  }
0x58: {  	_ =	shalt  }
0x59: {  	_ =	shalt  }
0x5a: {  	_ =	shalt  }
0x5b: {  	_ =	shalt  }
0x5c: {  	_ =	shalt  }
0x5d: {  	_ =	shalt  }
0x5e: {  	_ =	shalt  }
0x5f: {  	_ =	shalt  }
0x60: {  	_ =	shalt  }
0x61: {  	_ =	shalt  }
0x62: {  	_ =	shalt  }
0x63: {  	_ =	shalt  }
0x64: {  	_ =	shalt  }
0x65: {  	_ =	shalt  }
0x66: {  	_ =	shalt  }
0x67: {  	_ =	shalt  }
0x68: {  	_ =	shalt  }
0x69: {  	_ =	shalt  }
0x6a: {  	_ =	shalt  }
0x6b: {  	_ =	shalt  }
0x6c: {  	_ =	shalt  }
0x6d: {  	_ =	shalt  }
0x6e: {  	_ =	shalt  }
0x6f: {  	_ =	shalt  }
0x70: {  	_ =	shalt  }
0x71: {  	_ =	shalt  }
0x72: {  	_ =	shalt  }
0x73: {  	_ =	shalt  }
0x74: {  	_ =	shalt  }
0x75: {  	_ =	shalt  }
0x76: {  	_ =	shalt  }
0x77: {  	_ =	shalt  }
0x78: {  	_ =	shalt  }
0x79: {  	_ =	shalt  }
0x7a: {  	_ =	shalt  }
0x7b: {  	_ =	shalt  }
0x7c: {  	_ =	shalt  }
0x7d: {  	_ =	shalt  }
0x7e: {  	_ =	shalt  }
0x7f: {  	_ =	shalt  }
0x80: {  	_ =	shalt  }
0x81: {  	_ =	shalt  }
0x82: {  	_ =	shalt  }
0x83: {  	_ =	shalt  }
0x84: {  	_ =	shalt  }
0x85: {  	_ =	shalt  }
0x86: {  	_ =	shalt  }
0x87: {  	_ =	shalt  }
.Lfunc_end0:
.L_simem_size_0:
called_computation.2_lowered:
.L_overlay_start_0:
0x88: {  	s2 =	sld [smem:$0x3FD9]  }
0x89: {  	s3 =	sld [smem:$0x3FFE];
	_ =	sdelay $0x1  }
0x8a: {  	s1 =	srdreg.scid  }
0x8b: {  	s0 =	sand.u32 $0x1, s1  }
0x8c: {  	s17 =	sshll.u32 s0, $0xA;
	s2 =	sadd.s32 s3, s2  }
0x8d: {  	s2 =	sadd.s32 s2, s17  }
0x8e: {  	[smem:$0x3FB7] =	sst s2  }
0x8f: {  	_ = 	snop  }
0x90: {  	(tm) =	ssettm $0x1  }
0x91: {  	s18 =	sld [smem:$0x3FFB];
	_ =	sdelay $0x3  }
0x92: {  	_ =	strace s18  }
0x93: {  	s2 =	sld [smem:$0x3FFC];
	_ =	sdelay $0x3  }
0x94: {  	_ =	strace s2  }
0x95: {  	s2 =	sld [smem:$0x3FFD];
	_ =	sdelay $0x3  }
0x96: {  	_ =	strace s2  }
0x97: {  	_ =	strace $0x8FFFFFFF  }
0x98: {  	s19 =	sld [smem:$0x3FDB];
	_ =	sdelay $0x1  }
0x99: {  	s20 =	simm.s32 $_scs_section_size  }
0x9a: {  	s4 =	simm.s32 $_size__tile_overlayer_lowered;
	s5 =	simm.s32 $_tile_overlayer_lowered  }
0x9b: {  	s6 =	simm.s32 $0x1BFF;
	s21 =	sshll.u32 s5, $0x1;
	s3 =	sadd.s32 s20, s19  }
0x9c: {  	s22 =	simm.s32 $0x0;
	s4 =	sshll.u32 s4, $0x1;
	s5 =	sadd.s32 s21, s3  }
0x9d: {  	[timem:s22], [sflag:s6] =	dma.local [hbm:s5], s4  }
0x9e: {  	_ =	swait.ge [sflag:s6], s4  }
0x9f: {  	s4 =	ssub.s32 $0x0, s4;
	[sflag:s6] =	ssyncset.done $0x0  }
0xa0: {  	[sflag:s6] =	ssyncadd.s32 s4;
	_ =	sdelay $0x1  }
0xa1: {  	s23 =	simm.s32 $0x1B8B  }
0xa2: {  	_ =	swait.ge [sflag:s23], $0x1  }
0xa3: {  	[sflag:s23] =	ssyncset.done $0x0  }
0xa4: {  	[sflag:s23] =	ssyncadd.s32 $0xFFFFFFFF  }
0xa5: {  	s4 =	sld [smem:$0x0]  }
0xa6: {  	s5 =	sand.u32 $0xFFFFFFFE, s1  }
0xa7: {  	p0 =	sne.s32 s1, s5  }
0xa8: {  	s5 =	sshll.u32 @p0 s5, $0xE  }
0xa9: {  	s5 =	sadd.s32 @p0 $0x11B8D, s5;
	s6 =	sshll.u32 @p0 s4, $0x11  }
0xaa: {  	s5 =	sor.u32 @p0 s6, s5  }
0xab: {  	[sflag:s5] =	ssyncadd.remote.s32 @p0 $0x1;
	_ =	sdelay $0x1  }
0xac: {  	s5 =	simm.s32 @p0 $0x1B8D  }
0xad: {  	_ =	swait.eq @p0 [sflag:s5], $0x1  }
0xae: {  	[sflag:s5] =	ssyncadd.s32 @p0 $0xFFFFFFFF  }
0xaf: {  	s6 =	sshll.u32 @!p0 s1, $0xE  }
0xb0: {  	s6 =	sor.u32 @!p0 $0x4000, s6;
	s5 =	simm.s32 @!p0 $0x1B8D  }
0xb1: {  	s4 =	sshll.u32 @!p0 s4, $0x11;
	s6 =	sadd.s32 @!p0 $0x11B8D, s6;
	_ =	swait.eq @!p0 [sflag:s5], $0x1  }
0xb2: {  	s4 =	sor.u32 @!p0 s4, s6;
	[sflag:s5] =	ssyncadd.s32 @!p0 $0xFFFFFFFF  }
0xb3: {  	s25 =	simm.s32 $0x1B8E;
	s24 =	sld [smem:$0x3FFE];
	[sflag:s4] =	ssyncadd.remote.s32 @!p0 $0x1  }
0xb4: {  	s26 =	simm.s32 $execute0_lowered;
	[smem:$0x3FD2] =	sst s25  }
0xb5: {  	s5 =	sshll.u32 s26, $0x1;
	_ =	strace $0x80000049;
	[dreg:$0x1] =	wrdreg $0xFFFFFFFF  }
0xb6: {  	s28 =	simm.s32 $_size_execute0_lowered;
	s3 =	sadd.s32 s3, s5;
	[dreg:$0x0] =	wrdreg $0x0  }
0xb7: {  	s5 =	sshll.u32 s28, $0x1;
	[dreg:$0x2] =	wrdreg s3  }
0xb8: {  	[dreg:$0x3] =	wrdreg s5  }
0xb9: {  	[dreg:$0x4] =	wrdreg $0xC0  }
0xba: {  	_ =	task [dreg:s22], $0x5FFFF  }
0xbb: {  	[dreg:$0x1] =	wrdreg $0xFFFFFFFF  }
0xbc: {  	[dreg:$0x0] =	wrdreg $0x60  }
0xbd: {  	[dreg:$0x2] =	wrdreg s24  }
0xbe: {  	[dreg:$0x3] =	wrdreg $0xA  }
0xbf: {  	_ =	task.clear_ibuf [dreg:s22], $0x4FFFF;
	_ =	strace $0x90000049  }
0xc0: {  	s29 =	simm.s32 $0xA;
	_ =	strace $0x8000004B  }
0xc1: {  	_ =	swait.ge [sflag:s29], $0x1  }
0xc2: {  	[sflag:s29] =	ssyncadd.s32 $0xFFFFFFFF  }
0xc3: {  	_ =	strace $0x9000004B  }
0xc4: {  	_ =	sfence  }
0xc5: {  	s30 =	sld [smem:$0x0];
	_ =	sdelay $0x2  }
0xc6: {  	s31 =	sshll.u32 s1, $0xD;
	s1 =	sshrl.u32 s1, $0x2  }
0xc7: {  	s4 =	sand.u32 $0x4000, s31;
	s1 =	sadd.s32 s1, s30  }
0xc8: {  	s0 =	sor.u32 s4, s0;
	s1 =	sshll.u32 s1, $0x11  }
0xc9: {  	s0 =	sor.u32 s1, s0  }
0xca: {  	s0 =	sadd.s32 $0x8F2B, s0  }
0xcb: {  	[sflag:s0] =	ssyncadd.remote.s32 $0x1  }
0xcc: {  	_ =	sfence.sel $0xFFFF  }
0xcd: {  	[dreg:$0x0] =	wrdreg $0xFFFFFFFF;
	(pc) =	sbr.abs _section_cstart, $3  }
0xce: {  	[dreg:$0x1] =	wrdreg $0xFFFFFFFF  }
0xcf: {  	_ =	task.clear_ibuf [dreg:s22], $0x2FFFF;
	_ =	strace $0x9FFFFFFF  }
0xd0: {  	(tm) =	ssettm $0x7FFFFFFF  }
0xd1: {  	_ =	shalt  }
tec
execute0_lowered:
.L_overlay_start_1:
0x0: {  	(tag) =	ssettag $0x1  }
0x1: {  	s4 =	rddreg [dreg:$0x0]  }
0x2: {  	s0 =	rddreg [dreg:$0x1];
	s2 =	simm.s32 $0x0;
	s1 =	stileid.u32  }
0x3: {  	s3 =	srdreg.scid;
	s10 =	simm.s32 $0x0;
	s6 =	smul.u32 $0x2800, s1  }
0x4: {  	[smem:$0x7FF] =	sst s2;
	s5 =	sand.u32 $0x1, s3;
	s8 =	smul.u32 $0x28000, s1  }
0x5: {  	s3 =	sadd.s32 $0x2EBE00, s4;
	s7 =	smul.u32 $0x1400, s5;
	s9 =	ssub.s32 $0x2, s5  }
0x6: {  	_ =	strace $0x8000004A;
	s5 =	smul.u32 $0x14000, s5;
	s31 =	sshrl.u32 s9, $0x1  }
0x7: {  	s8 =	sadd.s32 s8, s4;
	s6 =	sadd.s32 s7, s6;
	s7 =	ssub.s32 s9, s31  }
0x8: {  	s5 =	sadd.s32 s5, s8;
	s8 =	simm.s32 $0x80;
	s6 =	sshrl.u32 s6, $0x3  }
0x9: {  	s9 =	simm.s32 $0x1;
	s5 =	sadd.s32 $0x330E00, s5;
	s6 =	sadd.s32 s6, s4  }
0xa: {  	s4 =	smax.u32 s7, $0x1;
	s7 =	simm.s32 $0x2;
	s6 =	sadd.s32 $0x32BE00, s6  }
.LBB2_1:
0xb: {  	s11 =	sadd.s32 $0x0, s6  }
0xc: {  	[tilespmem:s2], [sflag:$0x2] =	stream.linear.gather [hbm4b:s11+s2], $0x80, $0x38;
	[tilespmem:$0x4080] =	vst v63  }
0xd: {  	_ =	swait.ge [sflag:s7], $0x80  }
0xe: {  	[sflag:s7] =	ssyncset.done $0x0  }
0xf: {  	[sflag:s7] =	ssyncadd.s32 $0xFFFFFF80  }
0x10: {  	[tilespmem:s8], [sflag:$0x1] =	stream.indirect.gather [hbm4b:s3+s8], $0x80, s2, s8, $0xb8;
	[tilespmem:$0x4080] =	vst v63  }
0x11: {  	_ =	swait.ge [sflag:s9], $0x4000  }
0x12: {  	[sflag:s9] =	ssyncset.done $0x0  }
0x13: {  	[sflag:s9] =	ssyncadd.s32 $0xFFFFC000  }
0x14: {  	[hbm4b:s5+s2] =	stream.linear.scatter [tilespmem:s8], [sflag:$0x2], $0x4000, $0x38;
	[tilespmem:$0x4080] =	vst v63  }
0x15: {  	s12 =	simm.s32 $0x10;
	_ =	swait.ge [sflag:s7], $0x4000  }
0x16: {  	s13 =	simm.s32 $0x20;
	s11 =	sadd.s32 $0x800, s5;
	[sflag:s7] =	ssyncset.done $0x0  }
.LBB2_2:
0x17: {  	s14 =	sadd.s32 s12, s6  }
0x18: {  	[sflag:s7] =	ssyncadd.s32 $0xFFFFC000;
	s12 =	smov.u32 s13;
	s15 =	sadd.s32 $0x10, s13  }
0x19: {  	[tilespmem:s2], [sflag:$0x2] =	stream.linear.gather [hbm4b:s14+s2], $0x80, $0x38;
	[tilespmem:$0x4080] =	vst v63  }
0x1a: {  	p0 =	sne.s32 s13, $0x270;
	_ =	swait.ge [sflag:s7], $0x80  }
0x1b: {  	[sflag:s7] =	ssyncset.done $0x0  }
0x1c: {  	[sflag:s7] =	ssyncadd.s32 $0xFFFFFF80  }
0x1d: {  	[tilespmem:s8], [sflag:$0x1] =	stream.indirect.gather [hbm4b:s3+s8], $0x80, s2, s8, $0xb8;
	[tilespmem:$0x4080] =	vst v63  }
0x1e: {  	_ =	swait.ge [sflag:s9], $0x4000  }
.Ltmp0:
0x1f: {  	[sflag:s9] =	ssyncset.done $0x0;
	(pc) =	sbr.rel @p0 .LBB2_2-.Ltmp0, $4  }
0x20: {  	[sflag:s9] =	ssyncadd.s32 $0xFFFFC000  }
0x21: {  	[hbm4b:s11+s2] =	stream.linear.scatter [tilespmem:s8], [sflag:$0x2], $0x4000, $0x38;
	[tilespmem:$0x4080] =	vst v63  }
0x22: {  	_ =	swait.ge [sflag:s7], $0x4000  }
0x23: {  	s13 =	smov.u32 s15;
	s11 =	sadd.s32 $0x800, s11;
	[sflag:s7] =	ssyncset.done $0x0  }
0x24: {  	s12 =	sadd.s32 s12, s6;
	[sflag:s7] =	ssyncadd.s32 $0xFFFFC000  }
0x25: {  	[tilespmem:s2], [sflag:$0x2] =	stream.linear.gather [hbm4b:s12+s2], $0x80, $0x38;
	[tilespmem:$0x4080] =	vst v63  }
0x26: {  	_ =	swait.ge [sflag:s7], $0x80  }
0x27: {  	[sflag:s7] =	ssyncset.done $0x0  }
0x28: {  	[sflag:s7] =	ssyncadd.s32 $0xFFFFFF80  }
0x29: {  	[tilespmem:s8], [sflag:$0x1] =	stream.indirect.gather [hbm4b:s3+s8], $0x80, s2, s8, $0xb8;
	[tilespmem:$0x4080] =	vst v63  }
0x2a: {  	s10 =	sadd.s32 $0x1, s10;
	_ =	swait.ge [sflag:s9], $0x4000  }
0x2b: {  	p0 =	sne.s32 s10, s4;
	[sflag:s9] =	ssyncset.done $0x0  }
.Ltmp1:
0x2c: {  	[sflag:s9] =	ssyncadd.s32 $0xFFFFC000;
	(pc) =	sbr.rel @p0 .LBB2_1-.Ltmp1, $4  }
0x2d: {  	[hbm4b:s11+s2] =	stream.linear.scatter [tilespmem:s8], [sflag:$0x2], $0x4000, $0x38;
	[tilespmem:$0x4080] =	vst v63  }
0x2e: {  	_ =	swait.ge [sflag:s7], $0x4000  }
0x2f: {  	[sflag:s7] =	ssyncset.done $0x0  }
0x30: {  	[sflag:s7] =	ssyncadd.s32 $0xFFFFC000  }
0x31: {  	_ =	sfence.sel $0x180000  }
0x32: {  	[bflag:$0x0] =	sbarrier.arrive $0xFFFF  }
0x33: {  	p0 =	sne.s32 s1, $0x0;
	_ =	strace $0x9000004A  }
0x34: {  	s0 =	sadd.s32 @!p0 $0x100000, s0;
	[bflag:$0x2] =	sbarrier.arrive $0xFFFF  }
0x35: {  	[sflag:s0] =	ssyncadd.tile.s32 @!p0 $0x1;
	_ =	shalt  }
.Lfunc_end2:
_tile_overlayer_lowered:
.L_overlay_start_2:
0x36: {  	(tag) =	ssettag $0x2  }
0x37: {  	s0 =	rddreg [dreg:$0x0];
	s2 =	stileid.u32  }
0x38: {  	s1 =	rddreg [dreg:$0x1];
	p0 =	sne.s32 s2, $0x0  }
0x39: {  	s3 =	rddreg [dreg:$0x2];
	[bflag:$0x3] =	sbarrier.arrive $0xFFFF;
	s2 =	simm.s32 @!p0 $0x1C02  }
0x3a: {  	[timem:s3], [sflag:s2] =	dma.local @!p0 [hbm:s0], s1  }
0x3b: {  	s0 =	simm.s32 @!p0 $0x2  }
0x3c: {  	_ =	swait.ge @!p0 [sflag:s0], s1  }
0x3d: {  	s1 =	ssub.s32 @!p0 $0x0, s1;
	[sflag:s0] =	ssyncset.done @!p0 $0x0  }
0x3e: {  	[sflag:s0] =	ssyncadd.s32 @!p0 s1  }
0x3f: {  	[bflag:$0x3] =	sbarrier.arrive $0xFFFF  }
0x40: {  	_ =	shalt  }

// kernel: kernel.26.cloned.1.call-start
scs
__scs_entry_jumppad:
0x0: {  	(pc) =	sbr.rel $0x88, $3  }
0x1: {  	(tag) =	ssettag $0x0;
	lr =	simm.s32 $0x1  }
0x2: {  	[smem:$0x3F90] =	sst lr;
	_ =	strace $0xD0000000  }
0x3: {  	_ = 	snop  }
0x4: {  	_ = 	snop  }
0x5: {  	_ = 	snop  }
0x6: {  	_ = 	snop  }
0x7: {  	_ = 	snop  }
__scs_overlays_trampoline_lowered:
0x8: {  	[smem:$0x3F9F] =	sst s0  }
0x9: {  	[smem:$0x3FA0] =	sst s1  }
0xa: {  	[smem:$0x3FA1] =	sst s2  }
0xb: {  	[smem:$0x3FA2] =	sst s3  }
0xc: {  	[smem:$0x3FA3] =	sst s4  }
0xd: {  	[smem:$0x3FA4] =	sst s5  }
0xe: {  	[smem:$0x3FA5] =	sst s6  }
0xf: {  	[smem:$0x3FA6] =	sst s7  }
0x10: {  	[smem:$0x3FA7] =	sst s8  }
0x11: {  	[smem:$0x3FA8] =	sst s9;
	s0 =	simm.s32 @!p0 $0x0  }
0x12: {  	s1 =	sld [smem:$0x3F8E];
	s0 =	simm.s32 @p0 $0x1  }
0x13: {  	[smem:$0x3FA9] =	sst s0;
	s0 =	simm.s32 @!p1 $0x0  }
0x14: {  	s2 =	sld [smem:$0x3F8D];
	s0 =	simm.s32 @p1 $0x1  }
0x15: {  	[smem:$0x3FAA] =	sst s0;
	s0 =	simm.s32 @!p2 $0x0  }
0x16: {  	s3 =	sld [smem:$0x3FDB];
	s0 =	simm.s32 @p2 $0x1  }
0x17: {  	s4 =	simm.s32 $0x1BF5;
	[smem:$0x3FAC] =	sst s0  }
0x18: {  	s0 =	sld [smem:$0x3F8F];
	_ =	swait.ge [sflag:s4], $0x0  }
0x19: {  	s7 =	sld [smem:$0x3F90]  }
0x1a: {  	s8 =	sadd.s32 $0xFFFFE003, lr  }
0x1b: {  	s9 =	sadd.s32 $0xFFFFFEF7, lr;
	s5 =	simm.s32 $0xFFFFFFFF;
	p2 =	slt.u32 s8, $0xFFFFF086  }
0x1c: {  	p1 =	slt.u32 s9, $0xF7A;
	s5 =	simm.s32 @!p2 $0x0  }
0x1d: {  	s5 =	simm.s32 @p1 $0x1;
	p0 =	seq.s32 s7, s2  }
0x1e: {  	s7 =	smul.u32 @!p0 $0xF7A, s2;
	p2 =	seq.s32 @!p0 s5, $0x0  }
0x1f: {  	s9 =	smul.u32 $0xF7A, s1;
	s8 =	simm.s32 @!p0 $0x1BF5;
	p2 =	por !p2, p0  }
0x20: {  	[sflag:s8] =	ssyncset.s32 @!p0 $0xFFFFF086;
	s6 =	sadd.s32 @!p0 s3, s7;
	s7 =	simm.s32 @!p0 $0x108  }
0x21: {  	s3 =	sadd.s32 s3, s9;
	s6 =	sadd.s32 @!p0 $0x88, s6;
	s7 =	simm.s32 @p2 $0x1082  }
0x22: {  	[simem:s7], [sflag:s8] =	dma.local @!p0 [hbm:s6], $0xF7A  }
0x23: {  	s9 =	sor.u32 $0xD0000000, s2;
	s6 =	simm.s32 $0x108;
	_ =	swait.ge @!p0 [sflag:s8], $0x0  }
0x24: {  	s3 =	sadd.s32 $0x88, s3;
	s6 =	simm.s32 @!p1 $0x1082;
	[sflag:s4] =	ssyncset.s32 $0xFFFFF086  }
0x25: {  	[simem:s6], [sflag:s4] =	dma.local [hbm:s3], $0xF7A  }
0x26: {  	[smem:$0x3F90] =	sst s1;
	(tag) =	ssettag s2;
	_ =	strace s9  }
0x27: {  	s1 =	sld [smem:$0x3FA0]  }
0x28: {  	s2 =	sld [smem:$0x3FA1]  }
0x29: {  	s4 =	sld [smem:$0x3FA3]  }
0x2a: {  	p0 =	seq.s32 s5, $0x0;
	s5 =	sld [smem:$0x3FA4]  }
0x2b: {  	s6 =	sld [smem:$0x3FA5]  }
0x2c: {  	s7 =	sld [smem:$0x3FA6]  }
0x2d: {  	s3 =	simm.s32 $0x108;
	s8 =	sld [smem:$0x3FA7]  }
0x2e: {  	s3 =	simm.s32 @!p0 $0x1082;
	s9 =	sld [smem:$0x3FA8]  }
0x2f: {  	lr =	sadd.s32 s0, s3;
	s0 =	sld [smem:$0x3F9F]  }
0x30: {  	s3 =	sld [smem:$0x3FA2]  }
0x31: {  	[smem:$0x3FAB] =	sst s10  }
0x32: {  	s10 =	sld [smem:$0x3FA9];
	_ =	sdelay $0x3  }
0x33: {  	p0 =	seq.s32 s10, $0x1;
	s10 =	sld [smem:$0x3FAB];
	_ =	sdelay $0x3  }
0x34: {  	[smem:$0x3FAB] =	sst s10  }
0x35: {  	s10 =	sld [smem:$0x3FAA];
	_ =	sdelay $0x3  }
0x36: {  	p1 =	seq.s32 s10, $0x1;
	s10 =	sld [smem:$0x3FAB];
	_ =	sdelay $0x3  }
0x37: {  	[smem:$0x3FAB] =	sst s10  }
0x38: {  	s10 =	sld [smem:$0x3FAC]  }
0x39: {  	_ = 	snop;
	(pc) =	sbr.ind lr, $3  }
0x3a: {  	_ = 	snop  }
0x3b: {  	_ = 	snop  }
0x3c: {  	p2 =	seq.s32 s10, $0x1;
	s10 =	sld [smem:$0x3FAB]  }
0x3d: {  	_ =	shalt  }
0x3e: {  	_ =	shalt  }
0x3f: {  	_ =	shalt  }
0x40: {  	_ =	shalt  }
0x41: {  	_ =	shalt  }
0x42: {  	_ =	shalt  }
0x43: {  	_ =	shalt  }
0x44: {  	_ =	shalt  }
0x45: {  	_ =	shalt  }
0x46: {  	_ =	shalt  }
0x47: {  	_ =	shalt  }
0x48: {  	_ =	shalt  }
0x49: {  	_ =	shalt  }
0x4a: {  	_ =	shalt  }
0x4b: {  	_ =	shalt  }
0x4c: {  	_ =	shalt  }
0x4d: {  	_ =	shalt  }
0x4e: {  	_ =	shalt  }
0x4f: {  	_ =	shalt  }
0x50: {  	_ =	shalt  }
0x51: {  	_ =	shalt  }
0x52: {  	_ =	shalt  }
0x53: {  	_ =	shalt  }
0x54: {  	_ =	shalt  }
0x55: {  	_ =	shalt  }
0x56: {  	_ =	shalt  }
0x57: {  	_ =	shalt  }
0x58: {  	_ =	shalt  }
0x59: {  	_ =	shalt  }
0x5a: {  	_ =	shalt  }
0x5b: {  	_ =	shalt  }
0x5c: {  	_ =	shalt  }
0x5d: {  	_ =	shalt  }
0x5e: {  	_ =	shalt  }
0x5f: {  	_ =	shalt  }
0x60: {  	_ =	shalt  }
0x61: {  	_ =	shalt  }
0x62: {  	_ =	shalt  }
0x63: {  	_ =	shalt  }
0x64: {  	_ =	shalt  }
0x65: {  	_ =	shalt  }
0x66: {  	_ =	shalt  }
0x67: {  	_ =	shalt  }
0x68: {  	_ =	shalt  }
0x69: {  	_ =	shalt  }
0x6a: {  	_ =	shalt  }
0x6b: {  	_ =	shalt  }
0x6c: {  	_ =	shalt  }
0x6d: {  	_ =	shalt  }
0x6e: {  	_ =	shalt  }
0x6f: {  	_ =	shalt  }
0x70: {  	_ =	shalt  }
0x71: {  	_ =	shalt  }
0x72: {  	_ =	shalt  }
0x73: {  	_ =	shalt  }
0x74: {  	_ =	shalt  }
0x75: {  	_ =	shalt  }
0x76: {  	_ =	shalt  }
0x77: {  	_ =	shalt  }
0x78: {  	_ =	shalt  }
0x79: {  	_ =	shalt  }
0x7a: {  	_ =	shalt  }
0x7b: {  	_ =	shalt  }
0x7c: {  	_ =	shalt  }
0x7d: {  	_ =	shalt  }
0x7e: {  	_ =	shalt  }
0x7f: {  	_ =	shalt  }
0x80: {  	_ =	shalt  }
0x81: {  	_ =	shalt  }
0x82: {  	_ =	shalt  }
0x83: {  	_ =	shalt  }
0x84: {  	_ =	shalt  }
0x85: {  	_ =	shalt  }
0x86: {  	_ =	shalt  }
0x87: {  	_ =	shalt  }
.Lfunc_end0:
.L_simem_size_0:
called_computation.3_lowered:
.L_overlay_start_0:
0x88: {  	s2 =	sld [smem:$0x3FD9]  }
0x89: {  	s3 =	sld [smem:$0x3FFE];
	_ =	sdelay $0x1  }
0x8a: {  	s1 =	srdreg.scid  }
0x8b: {  	s0 =	sand.u32 $0x1, s1  }
0x8c: {  	s17 =	sshll.u32 s0, $0xA;
	s2 =	sadd.s32 s3, s2  }
0x8d: {  	s2 =	sadd.s32 s2, s17  }
0x8e: {  	[smem:$0x3FB7] =	sst s2  }
0x8f: {  	_ = 	snop  }
0x90: {  	(tm) =	ssettm $0x1  }
0x91: {  	s18 =	sld [smem:$0x3FFB];
	_ =	sdelay $0x3  }
0x92: {  	_ =	strace s18  }
0x93: {  	s2 =	sld [smem:$0x3FFC];
	_ =	sdelay $0x3  }
0x94: {  	_ =	strace s2  }
0x95: {  	s2 =	sld [smem:$0x3FFD];
	_ =	sdelay $0x3  }
0x96: {  	_ =	strace s2  }
0x97: {  	_ =	strace $0x8FFFFFFF  }
0x98: {  	s19 =	sld [smem:$0x3FDB];
	_ =	sdelay $0x1  }
0x99: {  	s20 =	simm.s32 $_scs_section_size  }
0x9a: {  	s4 =	simm.s32 $_size__tile_overlayer_lowered;
	s5 =	simm.s32 $_tile_overlayer_lowered  }
0x9b: {  	s6 =	simm.s32 $0x1BFF;
	s21 =	sshll.u32 s5, $0x1;
	s3 =	sadd.s32 s20, s19  }
0x9c: {  	s22 =	simm.s32 $0x0;
	s4 =	sshll.u32 s4, $0x1;
	s5 =	sadd.s32 s21, s3  }
0x9d: {  	[timem:s22], [sflag:s6] =	dma.local [hbm:s5], s4  }
0x9e: {  	_ =	swait.ge [sflag:s6], s4  }
0x9f: {  	s4 =	ssub.s32 $0x0, s4;
	[sflag:s6] =	ssyncset.done $0x0  }
0xa0: {  	[sflag:s6] =	ssyncadd.s32 s4;
	_ =	sdelay $0x1  }
0xa1: {  	s23 =	simm.s32 $0x1B8B  }
0xa2: {  	_ =	swait.ge [sflag:s23], $0x1  }
0xa3: {  	[sflag:s23] =	ssyncset.done $0x0  }
0xa4: {  	[sflag:s23] =	ssyncadd.s32 $0xFFFFFFFF  }
0xa5: {  	s4 =	sld [smem:$0x0]  }
0xa6: {  	s5 =	sand.u32 $0xFFFFFFFE, s1  }
0xa7: {  	p0 =	sne.s32 s1, s5  }
0xa8: {  	s5 =	sshll.u32 @p0 s5, $0xE  }
0xa9: {  	s5 =	sadd.s32 @p0 $0x11B8D, s5;
	s6 =	sshll.u32 @p0 s4, $0x11  }
0xaa: {  	s5 =	sor.u32 @p0 s6, s5  }
0xab: {  	[sflag:s5] =	ssyncadd.remote.s32 @p0 $0x1;
	_ =	sdelay $0x1  }
0xac: {  	s5 =	simm.s32 @p0 $0x1B8D  }
0xad: {  	_ =	swait.eq @p0 [sflag:s5], $0x1  }
0xae: {  	[sflag:s5] =	ssyncadd.s32 @p0 $0xFFFFFFFF  }
0xaf: {  	s6 =	sshll.u32 @!p0 s1, $0xE  }
0xb0: {  	s6 =	sor.u32 @!p0 $0x4000, s6;
	s5 =	simm.s32 @!p0 $0x1B8D  }
0xb1: {  	s4 =	sshll.u32 @!p0 s4, $0x11;
	s6 =	sadd.s32 @!p0 $0x11B8D, s6;
	_ =	swait.eq @!p0 [sflag:s5], $0x1  }
0xb2: {  	s4 =	sor.u32 @!p0 s4, s6;
	[sflag:s5] =	ssyncadd.s32 @!p0 $0xFFFFFFFF  }
0xb3: {  	s25 =	simm.s32 $0x1B8E;
	s24 =	sld [smem:$0x3FFE];
	[sflag:s4] =	ssyncadd.remote.s32 @!p0 $0x1  }
0xb4: {  	s26 =	simm.s32 $execute0_lowered;
	[smem:$0x3FD2] =	sst s25  }
0xb5: {  	s5 =	sshll.u32 s26, $0x1;
	_ =	strace $0x8000004F;
	[dreg:$0x1] =	wrdreg $0xFFFFFFFF  }
0xb6: {  	s28 =	simm.s32 $_size_execute0_lowered;
	s3 =	sadd.s32 s3, s5;
	[dreg:$0x0] =	wrdreg $0x0  }
0xb7: {  	s5 =	sshll.u32 s28, $0x1;
	[dreg:$0x2] =	wrdreg s3  }
0xb8: {  	[dreg:$0x3] =	wrdreg s5  }
0xb9: {  	[dreg:$0x4] =	wrdreg $0xC0  }
0xba: {  	_ =	task [dreg:s22], $0x5FFFF  }
0xbb: {  	[dreg:$0x1] =	wrdreg $0xFFFFFFFF  }
0xbc: {  	[dreg:$0x0] =	wrdreg $0x60  }
0xbd: {  	[dreg:$0x2] =	wrdreg s24  }
0xbe: {  	[dreg:$0x3] =	wrdreg $0xA  }
0xbf: {  	_ =	task.clear_ibuf [dreg:s22], $0x4FFFF;
	_ =	strace $0x9000004F  }
0xc0: {  	s29 =	simm.s32 $0xA;
	_ =	strace $0x80000051  }
0xc1: {  	_ =	swait.ge [sflag:s29], $0x1  }
0xc2: {  	[sflag:s29] =	ssyncadd.s32 $0xFFFFFFFF  }
0xc3: {  	_ =	strace $0x90000051  }
0xc4: {  	_ =	sfence  }
0xc5: {  	s30 =	sld [smem:$0x0];
	_ =	sdelay $0x2  }
0xc6: {  	s31 =	sshll.u32 s1, $0xD;
	s1 =	sshrl.u32 s1, $0x2  }
0xc7: {  	s4 =	sand.u32 $0x4000, s31;
	s1 =	sadd.s32 s1, s30  }
0xc8: {  	s0 =	sor.u32 s4, s0;
	s1 =	sshll.u32 s1, $0x11  }
0xc9: {  	s0 =	sor.u32 s1, s0  }
0xca: {  	s0 =	sadd.s32 $0x8F2B, s0  }
0xcb: {  	[sflag:s0] =	ssyncadd.remote.s32 $0x1  }
0xcc: {  	_ =	sfence.sel $0xFFFF  }
0xcd: {  	[dreg:$0x0] =	wrdreg $0xFFFFFFFF;
	(pc) =	sbr.abs _section_cstart, $3  }
0xce: {  	[dreg:$0x1] =	wrdreg $0xFFFFFFFF  }
0xcf: {  	_ =	task.clear_ibuf [dreg:s22], $0x2FFFF;
	_ =	strace $0x9FFFFFFF  }
0xd0: {  	(tm) =	ssettm $0x7FFFFFFF  }
0xd1: {  	_ =	shalt  }
tec
execute0_lowered:
.L_overlay_start_1:
0x0: {  	(tag) =	ssettag $0x1  }
0x1: {  	s4 =	rddreg [dreg:$0x0]  }
0x2: {  	s0 =	rddreg [dreg:$0x1];
	s2 =	simm.s32 $0x0;
	s1 =	stileid.u32  }
0x3: {  	s3 =	srdreg.scid;
	s10 =	simm.s32 $0x0;
	s6 =	smul.u32 $0x2800, s1  }
0x4: {  	[smem:$0x7FF] =	sst s2;
	s5 =	sand.u32 $0x1, s3;
	s8 =	smul.u32 $0x28000, s1  }
0x5: {  	s3 =	sadd.s32 $0x8BE00, s4;
	s7 =	smul.u32 $0x1400, s5;
	s9 =	ssub.s32 $0x2, s5  }
0x6: {  	_ =	strace $0x80000050;
	s5 =	smul.u32 $0x14000, s5;
	s31 =	sshrl.u32 s9, $0x1  }
0x7: {  	s8 =	sadd.s32 s8, s4;
	s6 =	sadd.s32 s7, s6;
	s7 =	ssub.s32 s9, s31  }
0x8: {  	s5 =	sadd.s32 s5, s8;
	s8 =	simm.s32 $0x80;
	s6 =	sshrl.u32 s6, $0x3  }
0x9: {  	s9 =	simm.s32 $0x1;
	s5 =	sadd.s32 $0xB0E00, s5;
	s6 =	sadd.s32 s6, s4  }
0xa: {  	s4 =	smax.u32 s7, $0x1;
	s7 =	simm.s32 $0x2;
	s6 =	sadd.s32 $0xABE00, s6  }
.LBB2_1:
0xb: {  	s11 =	sadd.s32 $0x0, s6  }
0xc: {  	[tilespmem:s2], [sflag:$0x2] =	stream.linear.gather [hbm4b:s11+s2], $0x80, $0x38;
	[tilespmem:$0x4080] =	vst v63  }
0xd: {  	_ =	swait.ge [sflag:s7], $0x80  }
0xe: {  	[sflag:s7] =	ssyncset.done $0x0  }
0xf: {  	[sflag:s7] =	ssyncadd.s32 $0xFFFFFF80  }
0x10: {  	[tilespmem:s8], [sflag:$0x1] =	stream.indirect.gather [hbm4b:s3+s8], $0x80, s2, s8, $0xb8;
	[tilespmem:$0x4080] =	vst v63  }
0x11: {  	_ =	swait.ge [sflag:s9], $0x4000  }
0x12: {  	[sflag:s9] =	ssyncset.done $0x0  }
0x13: {  	[sflag:s9] =	ssyncadd.s32 $0xFFFFC000  }
0x14: {  	[hbm4b:s5+s2] =	stream.linear.scatter [tilespmem:s8], [sflag:$0x2], $0x4000, $0x38;
	[tilespmem:$0x4080] =	vst v63  }
0x15: {  	s12 =	simm.s32 $0x10;
	_ =	swait.ge [sflag:s7], $0x4000  }
0x16: {  	s13 =	simm.s32 $0x20;
	s11 =	sadd.s32 $0x800, s5;
	[sflag:s7] =	ssyncset.done $0x0  }
.LBB2_2:
0x17: {  	s14 =	sadd.s32 s12, s6  }
0x18: {  	[sflag:s7] =	ssyncadd.s32 $0xFFFFC000;
	s12 =	smov.u32 s13;
	s15 =	sadd.s32 $0x10, s13  }
0x19: {  	[tilespmem:s2], [sflag:$0x2] =	stream.linear.gather [hbm4b:s14+s2], $0x80, $0x38;
	[tilespmem:$0x4080] =	vst v63  }
0x1a: {  	p0 =	sne.s32 s13, $0x270;
	_ =	swait.ge [sflag:s7], $0x80  }
0x1b: {  	[sflag:s7] =	ssyncset.done $0x0  }
0x1c: {  	[sflag:s7] =	ssyncadd.s32 $0xFFFFFF80  }
0x1d: {  	[tilespmem:s8], [sflag:$0x1] =	stream.indirect.gather [hbm4b:s3+s8], $0x80, s2, s8, $0xb8;
	[tilespmem:$0x4080] =	vst v63  }
0x1e: {  	_ =	swait.ge [sflag:s9], $0x4000  }
.Ltmp0:
0x1f: {  	[sflag:s9] =	ssyncset.done $0x0;
	(pc) =	sbr.rel @p0 .LBB2_2-.Ltmp0, $4  }
0x20: {  	[sflag:s9] =	ssyncadd.s32 $0xFFFFC000  }
0x21: {  	[hbm4b:s11+s2] =	stream.linear.scatter [tilespmem:s8], [sflag:$0x2], $0x4000, $0x38;
	[tilespmem:$0x4080] =	vst v63  }
0x22: {  	_ =	swait.ge [sflag:s7], $0x4000  }
0x23: {  	s13 =	smov.u32 s15;
	s11 =	sadd.s32 $0x800, s11;
	[sflag:s7] =	ssyncset.done $0x0  }
0x24: {  	s12 =	sadd.s32 s12, s6;
	[sflag:s7] =	ssyncadd.s32 $0xFFFFC000  }
0x25: {  	[tilespmem:s2], [sflag:$0x2] =	stream.linear.gather [hbm4b:s12+s2], $0x80, $0x38;
	[tilespmem:$0x4080] =	vst v63  }
0x26: {  	_ =	swait.ge [sflag:s7], $0x80  }
0x27: {  	[sflag:s7] =	ssyncset.done $0x0  }
0x28: {  	[sflag:s7] =	ssyncadd.s32 $0xFFFFFF80  }
0x29: {  	[tilespmem:s8], [sflag:$0x1] =	stream.indirect.gather [hbm4b:s3+s8], $0x80, s2, s8, $0xb8;
	[tilespmem:$0x4080] =	vst v63  }
0x2a: {  	s10 =	sadd.s32 $0x1, s10;
	_ =	swait.ge [sflag:s9], $0x4000  }
0x2b: {  	p0 =	sne.s32 s10, s4;
	[sflag:s9] =	ssyncset.done $0x0  }
.Ltmp1:
0x2c: {  	[sflag:s9] =	ssyncadd.s32 $0xFFFFC000;
	(pc) =	sbr.rel @p0 .LBB2_1-.Ltmp1, $4  }
0x2d: {  	[hbm4b:s11+s2] =	stream.linear.scatter [tilespmem:s8], [sflag:$0x2], $0x4000, $0x38;
	[tilespmem:$0x4080] =	vst v63  }
0x2e: {  	_ =	swait.ge [sflag:s7], $0x4000  }
0x2f: {  	[sflag:s7] =	ssyncset.done $0x0  }
0x30: {  	[sflag:s7] =	ssyncadd.s32 $0xFFFFC000  }
0x31: {  	_ =	sfence.sel $0x180000  }
0x32: {  	[bflag:$0x0] =	sbarrier.arrive $0xFFFF  }
0x33: {  	p0 =	sne.s32 s1, $0x0;
	_ =	strace $0x90000050  }
0x34: {  	s0 =	sadd.s32 @!p0 $0x100000, s0;
	[bflag:$0x2] =	sbarrier.arrive $0xFFFF  }
0x35: {  	[sflag:s0] =	ssyncadd.tile.s32 @!p0 $0x1;
	_ =	shalt  }
.Lfunc_end2:
_tile_overlayer_lowered:
.L_overlay_start_2:
0x36: {  	(tag) =	ssettag $0x2  }
0x37: {  	s0 =	rddreg [dreg:$0x0];
	s2 =	stileid.u32  }
0x38: {  	s1 =	rddreg [dreg:$0x1];
	p0 =	sne.s32 s2, $0x0  }
0x39: {  	s3 =	rddreg [dreg:$0x2];
	[bflag:$0x3] =	sbarrier.arrive $0xFFFF;
	s2 =	simm.s32 @!p0 $0x1C02  }
0x3a: {  	[timem:s3], [sflag:s2] =	dma.local @!p0 [hbm:s0], s1  }
0x3b: {  	s0 =	simm.s32 @!p0 $0x2  }
0x3c: {  	_ =	swait.ge @!p0 [sflag:s0], s1  }
0x3d: {  	s1 =	ssub.s32 @!p0 $0x0, s1;
	[sflag:s0] =	ssyncset.done @!p0 $0x0  }
0x3e: {  	[sflag:s0] =	ssyncadd.s32 @!p0 s1  }
0x3f: {  	[bflag:$0x3] =	sbarrier.arrive $0xFFFF  }
0x40: {  	_ =	shalt  }

</sc_bundles>
